<compile_context>
chip_gen: v7x
topology: tpu7x:2x2x1
jax: 0.10.2.dev20260603
libtpu: 0.0.44.dev20260713+nightly
codegen_flags: <defaults>
</compile_context>

<pallas_src>
import functools

import jax
import jax.numpy as jnp
from jax import lax
from jax.experimental import pallas as pl
from jax.experimental.pallas import tpu as pltpu
from jax.experimental.pallas import tpu_sc as plsc

BATCH = 4096
MAXLEN = 200
VOCAB = 100000
D = 32
TOT = BATCH * MAXLEN

NC, NS, L = 2, 16, 16
NW = NC * NS
RPW = TOT // NW
CH = MAXLEN
NCH = RPW // CH
GS = 100
NGc = CH // GS
NBUF = 8
FA = 3

_mesh = plsc.VectorSubcoreMesh(
    core_axis_name="c", subcore_axis_name="s", num_cores=NC, num_subcores=NS
)


SPW = BATCH // NW


@functools.partial(
    pl.kernel,
    out_type=jax.ShapeDtypeStruct((BATCH, MAXLEN, D), jnp.float32),
    mesh=_mesh,
    compiler_params=pltpu.CompilerParams(use_tc_tiling_on_sc=False),
    scratch_types=[
        pltpu.VMEM((RPW // GS, GS), jnp.int32),
        [pltpu.VMEM((CH, D), jnp.float32)] * NBUF,
        pltpu.VMEM((MAXLEN, D), jnp.float32),
        [pltpu.SemaphoreType.DMA] * NBUF,
        [pltpu.SemaphoreType.DMA] * NBUF,
    ],
)
def _embed(x_hbm, tok_hbm, pos_hbm, out_hbm, idx_all, rows, pos_v, semg, sems):
    wid = lax.axis_index("s") * NC + lax.axis_index("c")
    base_w = wid * RPW

    pltpu.sync_copy(pos_hbm, pos_v)
    pltpu.sync_copy(x_hbm.at[pl.ds(wid * (RPW // GS), RPW // GS)], idx_all)

    def fire(k, b):
        for j in range(NGc):
            pltpu.async_copy(
                tok_hbm.at[idx_all.at[k * NGc + j]],
                rows[b].at[pl.ds(j * GS, GS)],
                semg[b],
            )

    def drain_store(b):
        pltpu.make_async_copy(rows[b], out_hbm.at[0], sems[b]).wait()

    def proc(k, b):
        pltpu.make_async_copy(out_hbm.at[0], rows[b], semg[b]).wait()

        @pl.loop(0, CH, unroll=8)
        def _row(j):
            for h in range(2):
                plsc.addupdate(rows[b].at[j, pl.ds(h * L, L)], pos_v[j, pl.ds(h * L, L)])

        pltpu.async_copy(rows[b], out_hbm.at[wid * SPW + k], sems[b])

    for i in range(FA):
        fire(i, i)

    @pl.loop(0, NCH // NBUF)
    def _grp(p):
        k0 = p * NBUF
        for i in range(NBUF):
            k = k0 + i
            proc(k, i)
            kf = k + FA
            bf = (i + FA) % NBUF

            @pl.when(jnp.logical_and(kf >= NBUF, kf < NCH))
            def _drain():
                drain_store(bf)

            @pl.when(kf < NCH)
            def _fire():
                fire(kf, bf)

    for i in range(NBUF):
        drain_store(i)


def kernel(x, token_table, pos_table):
    x2 = x.reshape(TOT // GS, GS).astype(jnp.int32)
    return _embed(x2, token_table, pos_table)

# --- scband reference (transcript-rebuilt; emitter-appended) ---
"""Pipeline reference for scband-token-and-position-embedding-26551487824437 (READ-ONLY COPY).

The authoritative reference and input builder live on the scoring server;
editing this copy changes nothing except your own understanding.
"""

import jax, jax.numpy as jnp
import numpy as np

BATCH = 4096
MAXLEN = 200
VOCAB = 100000
EMBED_DIM = 32


def setup_inputs(seed: int = 0) -> dict:
    key = jax.random.key(seed)
    k1, k2, k3 = jax.random.split(key, 3)
    x = jax.random.randint(k1, (BATCH, MAXLEN), 0, VOCAB, dtype=jnp.int64 if jax.config.jax_enable_x64 else jnp.int32)
    token_table = jax.random.normal(k2, (VOCAB, EMBED_DIM), dtype=jnp.float32)
    pos_table = jax.random.normal(k3, (MAXLEN, EMBED_DIM), dtype=jnp.float32)
    return {"x": x, "token_table": token_table, "pos_table": pos_table}


def reference(x, token_table, pos_table):
    # maxlen = tf.shape(x)[-1]; positions = tf.range(0, maxlen)
    maxlen = x.shape[-1]
    positions = jnp.arange(maxlen)
    # pos_emb(positions): gather rows of positional table -> [maxlen, d]
    pos = jnp.take(pos_table, positions, axis=0)
    # token_emb(x): gather rows of token table -> [B, maxlen, d]
    tok = jnp.take(token_table, x, axis=0)
    # broadcast-add positional embeddings
    return tok + pos[None, :, :]

if __name__ == "__main__":
    import jax
    _d = setup_inputs()
    print(jax.jit(kernel)(*tuple(_d.values())))

</pallas_src>

<mosaic_0001>
#map = affine_map<(d0, d1) -> (0, 0)>
#map1 = affine_map<(d0, d1) -> (0, 0, 0)>
module attributes {stable_mosaic.version = 14 : i64} {
  func.func @_embed(%arg0: i32, %arg1: i32, %arg2: memref<8192x100xi32, #tpu.memory_space<hbm>>, %arg3: memref<100000x32xf32, #tpu.memory_space<hbm>>, %arg4: memref<200x32xf32, #tpu.memory_space<hbm>>, %arg5: memref<4096x200x32xf32, #tpu.memory_space<hbm>>, %arg6: memref<256x100xi32, #tpu.memory_space<vmem>>, %arg7: memref<200x32xf32, #tpu.memory_space<vmem>>, %arg8: memref<200x32xf32, #tpu.memory_space<vmem>>, %arg9: memref<200x32xf32, #tpu.memory_space<vmem>>, %arg10: memref<200x32xf32, #tpu.memory_space<vmem>>, %arg11: memref<200x32xf32, #tpu.memory_space<vmem>>, %arg12: memref<200x32xf32, #tpu.memory_space<vmem>>, %arg13: memref<200x32xf32, #tpu.memory_space<vmem>>, %arg14: memref<200x32xf32, #tpu.memory_space<vmem>>, %arg15: memref<200x32xf32, #tpu.memory_space<vmem>>, %arg16: memref<!tpu.dma_semaphore, #tpu.memory_space<semaphore_mem>>, %arg17: memref<!tpu.dma_semaphore, #tpu.memory_space<semaphore_mem>>, %arg18: memref<!tpu.dma_semaphore, #tpu.memory_space<semaphore_mem>>, %arg19: memref<!tpu.dma_semaphore, #tpu.memory_space<semaphore_mem>>, %arg20: memref<!tpu.dma_semaphore, #tpu.memory_space<semaphore_mem>>, %arg21: memref<!tpu.dma_semaphore, #tpu.memory_space<semaphore_mem>>, %arg22: memref<!tpu.dma_semaphore, #tpu.memory_space<semaphore_mem>>, %arg23: memref<!tpu.dma_semaphore, #tpu.memory_space<semaphore_mem>>, %arg24: memref<!tpu.dma_semaphore, #tpu.memory_space<semaphore_mem>>, %arg25: memref<!tpu.dma_semaphore, #tpu.memory_space<semaphore_mem>>, %arg26: memref<!tpu.dma_semaphore, #tpu.memory_space<semaphore_mem>>, %arg27: memref<!tpu.dma_semaphore, #tpu.memory_space<semaphore_mem>>, %arg28: memref<!tpu.dma_semaphore, #tpu.memory_space<semaphore_mem>>, %arg29: memref<!tpu.dma_semaphore, #tpu.memory_space<semaphore_mem>>, %arg30: memref<!tpu.dma_semaphore, #tpu.memory_space<semaphore_mem>>, %arg31: memref<!tpu.dma_semaphore, #tpu.memory_space<semaphore_mem>>) attributes {dimension_semantics = [#tpu.dimension_semantics<core_parallel>, #tpu.dimension_semantics<subcore_parallel>], iteration_bounds = array<i64: 2, 16>, scalar_prefetch = 0 : i64, scratch_operands = 26 : i64, tpu.core_type = #tpu.core_type<sc_vector_subcore>, window_params = [{transform_indices = #map}, {transform_indices = #map}, {transform_indices = #map}, {transform_indices = #map1}]} {
    %mul3A = arith.constant 2 : i32
    %mul3A_0 = arith.muli %arg1, %mul3A : i32
    %add3A = arith.addi %mul3A_0, %arg0 : i32
    %mul3A_1 = arith.constant 25600 : i32
    %mul3A_2 = arith.muli %add3A, %mul3A_1 : i32
    "tpu.region"() ({
      %run_scoped3A = tpu.sem_alloc : memref<!tpu.dma_semaphore, #tpu.memory_space<semaphore_mem>>
      tpu.enqueue_dma source(%arg4 : memref<200x32xf32, #tpu.memory_space<hbm>>) target(%arg15 : memref<200x32xf32, #tpu.memory_space<vmem>>) target_semaphore(%run_scoped3A : memref<!tpu.dma_semaphore, #tpu.memory_space<semaphore_mem>>)
      tpu.wait_dma2 semaphore(%run_scoped3A : memref<!tpu.dma_semaphore, #tpu.memory_space<semaphore_mem>>) src(%arg4 : memref<200x32xf32, #tpu.memory_space<hbm>>) dst(%arg15 : memref<200x32xf32, #tpu.memory_space<vmem>>)
      tpu.yield
    }) : () -> ()
    %mul3A_3 = arith.constant 256 : i32
    %mul3A_4 = arith.muli %add3A, %mul3A_3 : i32
    "tpu.region"() ({
      %run_scoped3A = tpu.sem_alloc : memref<!tpu.dma_semaphore, #tpu.memory_space<semaphore_mem>>
      %dma_start3A_139 = arith.constant 0 : i32
      %dma_start3A_140 = tpu.memref_slice %arg2[%mul3A_4, %dma_start3A_139] : memref<8192x100xi32, #tpu.memory_space<hbm>> -> memref<256x100xi32, #tpu.memory_space<hbm>>
      %dma_start3A_141 = arith.constant 0 : i32
      %dma_start3A_142 = tpu.memref_slice %arg2[%mul3A_4, %dma_start3A_141] : memref<8192x100xi32, #tpu.memory_space<hbm>> -> memref<256x100xi32, #tpu.memory_space<hbm>>
      tpu.enqueue_dma source(%dma_start3A_142 : memref<256x100xi32, #tpu.memory_space<hbm>>) target(%arg6 : memref<256x100xi32, #tpu.memory_space<vmem>>) target_semaphore(%run_scoped3A : memref<!tpu.dma_semaphore, #tpu.memory_space<semaphore_mem>>)
      %dma_wait3A_143 = arith.constant 0 : i32
      %dma_wait3A_144 = tpu.memref_slice %arg2[%mul3A_4, %dma_wait3A_143] : memref<8192x100xi32, #tpu.memory_space<hbm>> -> memref<256x100xi32, #tpu.memory_space<hbm>>
      %dma_wait3A_145 = arith.constant 0 : i32
      %dma_wait3A_146 = tpu.memref_slice %arg2[%mul3A_4, %dma_wait3A_145] : memref<8192x100xi32, #tpu.memory_space<hbm>> -> memref<256x100xi32, #tpu.memory_space<hbm>>
      tpu.wait_dma2 semaphore(%run_scoped3A : memref<!tpu.dma_semaphore, #tpu.memory_space<semaphore_mem>>) src(%dma_wait3A_146 : memref<256x100xi32, #tpu.memory_space<hbm>>) dst(%arg6 : memref<256x100xi32, #tpu.memory_space<vmem>>)
      tpu.yield
    }) : () -> ()
    %dma_start3A = arith.constant 0 : i32
    %dma_start3A_5 = arith.constant 0 : i32
    %dma_start3A_6 = arith.constant 0 : i32
    %dma_start3A_7 = tpu.memref_slice %arg7[%dma_start3A_5, %dma_start3A_6] : memref<200x32xf32, #tpu.memory_space<vmem>> -> memref<100x32xf32, #tpu.memory_space<vmem>>
    %dma_start3A_8 = arith.constant 0 : i32
    %dma_start3A_9 = tpu.memref_slice %arg6[%dma_start3A, %dma_start3A_8] : memref<256x100xi32, #tpu.memory_space<vmem>> -> memref<1x100xi32, #tpu.memory_space<vmem>>
    %dma_start3A_10 = tpu.memref_squeeze %dma_start3A_9 : memref<1x100xi32, #tpu.memory_space<vmem>> -> memref<100xi32, #tpu.memory_space<vmem>>
    %dma_start3A_11 = arith.constant 0 : i32
    %dma_start3A_12 = arith.constant 0 : i32
    %dma_start3A_13 = tpu.memref_slice %arg3[%dma_start3A_11, %dma_start3A_12] : memref<100000x32xf32, #tpu.memory_space<hbm>> -> memref<100000x32xf32, #tpu.memory_space<hbm>>
    tpu.enqueue_indirect_dma source(%dma_start3A_13 : memref<100000x32xf32, #tpu.memory_space<hbm>>) target(%dma_start3A_7 : memref<100x32xf32, #tpu.memory_space<vmem>>) offsets(%dma_start3A_10 : memref<100xi32, #tpu.memory_space<vmem>>) semaphore(%arg16 : memref<!tpu.dma_semaphore, #tpu.memory_space<semaphore_mem>>)
    %dma_start3A_14 = arith.constant 1 : i32
    %dma_start3A_15 = arith.constant 100 : i32
    %dma_start3A_16 = arith.constant 0 : i32
    %dma_start3A_17 = tpu.memref_slice %arg7[%dma_start3A_15, %dma_start3A_16] : memref<200x32xf32, #tpu.memory_space<vmem>> -> memref<100x32xf32, #tpu.memory_space<vmem>>
    %dma_start3A_18 = arith.constant 0 : i32
    %dma_start3A_19 = tpu.memref_slice %arg6[%dma_start3A_14, %dma_start3A_18] : memref<256x100xi32, #tpu.memory_space<vmem>> -> memref<1x100xi32, #tpu.memory_space<vmem>>
    %dma_start3A_20 = tpu.memref_squeeze %dma_start3A_19 : memref<1x100xi32, #tpu.memory_space<vmem>> -> memref<100xi32, #tpu.memory_space<vmem>>
    %dma_start3A_21 = arith.constant 0 : i32
    %dma_start3A_22 = arith.constant 0 : i32
    %dma_start3A_23 = tpu.memref_slice %arg3[%dma_start3A_21, %dma_start3A_22] : memref<100000x32xf32, #tpu.memory_space<hbm>> -> memref<100000x32xf32, #tpu.memory_space<hbm>>
    tpu.enqueue_indirect_dma source(%dma_start3A_23 : memref<100000x32xf32, #tpu.memory_space<hbm>>) target(%dma_start3A_17 : memref<100x32xf32, #tpu.memory_space<vmem>>) offsets(%dma_start3A_20 : memref<100xi32, #tpu.memory_space<vmem>>) semaphore(%arg16 : memref<!tpu.dma_semaphore, #tpu.memory_space<semaphore_mem>>)
    %dma_start3A_24 = arith.constant 2 : i32
    %dma_start3A_25 = arith.constant 0 : i32
    %dma_start3A_26 = arith.constant 0 : i32
    %dma_start3A_27 = tpu.memref_slice %arg8[%dma_start3A_25, %dma_start3A_26] : memref<200x32xf32, #tpu.memory_space<vmem>> -> memref<100x32xf32, #tpu.memory_space<vmem>>
    %dma_start3A_28 = arith.constant 0 : i32
    %dma_start3A_29 = tpu.memref_slice %arg6[%dma_start3A_24, %dma_start3A_28] : memref<256x100xi32, #tpu.memory_space<vmem>> -> memref<1x100xi32, #tpu.memory_space<vmem>>
    %dma_start3A_30 = tpu.memref_squeeze %dma_start3A_29 : memref<1x100xi32, #tpu.memory_space<vmem>> -> memref<100xi32, #tpu.memory_space<vmem>>
    %dma_start3A_31 = arith.constant 0 : i32
    %dma_start3A_32 = arith.constant 0 : i32
    %dma_start3A_33 = tpu.memref_slice %arg3[%dma_start3A_31, %dma_start3A_32] : memref<100000x32xf32, #tpu.memory_space<hbm>> -> memref<100000x32xf32, #tpu.memory_space<hbm>>
    tpu.enqueue_indirect_dma source(%dma_start3A_33 : memref<100000x32xf32, #tpu.memory_space<hbm>>) target(%dma_start3A_27 : memref<100x32xf32, #tpu.memory_space<vmem>>) offsets(%dma_start3A_30 : memref<100xi32, #tpu.memory_space<vmem>>) semaphore(%arg17 : memref<!tpu.dma_semaphore, #tpu.memory_space<semaphore_mem>>)
    %dma_start3A_34 = arith.constant 3 : i32
    %dma_start3A_35 = arith.constant 100 : i32
    %dma_start3A_36 = arith.constant 0 : i32
    %dma_start3A_37 = tpu.memref_slice %arg8[%dma_start3A_35, %dma_start3A_36] : memref<200x32xf32, #tpu.memory_space<vmem>> -> memref<100x32xf32, #tpu.memory_space<vmem>>
    %dma_start3A_38 = arith.constant 0 : i32
    %dma_start3A_39 = tpu.memref_slice %arg6[%dma_start3A_34, %dma_start3A_38] : memref<256x100xi32, #tpu.memory_space<vmem>> -> memref<1x100xi32, #tpu.memory_space<vmem>>
    %dma_start3A_40 = tpu.memref_squeeze %dma_start3A_39 : memref<1x100xi32, #tpu.memory_space<vmem>> -> memref<100xi32, #tpu.memory_space<vmem>>
    %dma_start3A_41 = arith.constant 0 : i32
    %dma_start3A_42 = arith.constant 0 : i32
    %dma_start3A_43 = tpu.memref_slice %arg3[%dma_start3A_41, %dma_start3A_42] : memref<100000x32xf32, #tpu.memory_space<hbm>> -> memref<100000x32xf32, #tpu.memory_space<hbm>>
    tpu.enqueue_indirect_dma source(%dma_start3A_43 : memref<100000x32xf32, #tpu.memory_space<hbm>>) target(%dma_start3A_37 : memref<100x32xf32, #tpu.memory_space<vmem>>) offsets(%dma_start3A_40 : memref<100xi32, #tpu.memory_space<vmem>>) semaphore(%arg17 : memref<!tpu.dma_semaphore, #tpu.memory_space<semaphore_mem>>)
    %dma_start3A_44 = arith.constant 4 : i32
    %dma_start3A_45 = arith.constant 0 : i32
    %dma_start3A_46 = arith.constant 0 : i32
    %dma_start3A_47 = tpu.memref_slice %arg9[%dma_start3A_45, %dma_start3A_46] : memref<200x32xf32, #tpu.memory_space<vmem>> -> memref<100x32xf32, #tpu.memory_space<vmem>>
    %dma_start3A_48 = arith.constant 0 : i32
    %dma_start3A_49 = tpu.memref_slice %arg6[%dma_start3A_44, %dma_start3A_48] : memref<256x100xi32, #tpu.memory_space<vmem>> -> memref<1x100xi32, #tpu.memory_space<vmem>>
    %dma_start3A_50 = tpu.memref_squeeze %dma_start3A_49 : memref<1x100xi32, #tpu.memory_space<vmem>> -> memref<100xi32, #tpu.memory_space<vmem>>
    %dma_start3A_51 = arith.constant 0 : i32
    %dma_start3A_52 = arith.constant 0 : i32
    %dma_start3A_53 = tpu.memref_slice %arg3[%dma_start3A_51, %dma_start3A_52] : memref<100000x32xf32, #tpu.memory_space<hbm>> -> memref<100000x32xf32, #tpu.memory_space<hbm>>
    tpu.enqueue_indirect_dma source(%dma_start3A_53 : memref<100000x32xf32, #tpu.memory_space<hbm>>) target(%dma_start3A_47 : memref<100x32xf32, #tpu.memory_space<vmem>>) offsets(%dma_start3A_50 : memref<100xi32, #tpu.memory_space<vmem>>) semaphore(%arg18 : memref<!tpu.dma_semaphore, #tpu.memory_space<semaphore_mem>>)
    %dma_start3A_54 = arith.constant 5 : i32
    %dma_start3A_55 = arith.constant 100 : i32
    %dma_start3A_56 = arith.constant 0 : i32
    %dma_start3A_57 = tpu.memref_slice %arg9[%dma_start3A_55, %dma_start3A_56] : memref<200x32xf32, #tpu.memory_space<vmem>> -> memref<100x32xf32, #tpu.memory_space<vmem>>
    %dma_start3A_58 = arith.constant 0 : i32
    %dma_start3A_59 = tpu.memref_slice %arg6[%dma_start3A_54, %dma_start3A_58] : memref<256x100xi32, #tpu.memory_space<vmem>> -> memref<1x100xi32, #tpu.memory_space<vmem>>
    %dma_start3A_60 = tpu.memref_squeeze %dma_start3A_59 : memref<1x100xi32, #tpu.memory_space<vmem>> -> memref<100xi32, #tpu.memory_space<vmem>>
    %dma_start3A_61 = arith.constant 0 : i32
    %dma_start3A_62 = arith.constant 0 : i32
    %dma_start3A_63 = tpu.memref_slice %arg3[%dma_start3A_61, %dma_start3A_62] : memref<100000x32xf32, #tpu.memory_space<hbm>> -> memref<100000x32xf32, #tpu.memory_space<hbm>>
    tpu.enqueue_indirect_dma source(%dma_start3A_63 : memref<100000x32xf32, #tpu.memory_space<hbm>>) target(%dma_start3A_57 : memref<100x32xf32, #tpu.memory_space<vmem>>) offsets(%dma_start3A_60 : memref<100xi32, #tpu.memory_space<vmem>>) semaphore(%arg18 : memref<!tpu.dma_semaphore, #tpu.memory_space<semaphore_mem>>)
    %scan3A = arith.constant 0 : i32
    %scan3A_64 = arith.constant 16 : i32
    %scan3A_65 = arith.addi %scan3A, %scan3A_64 : i32
    %scan3A_66 = arith.constant 1 : i32
    scf.for %scan3A_139 = %scan3A to %scan3A_65 step %scan3A_66  : i32 {
      %mul3A_140 = arith.constant 1 : i32
      %mul3A_141 = arith.muli %scan3A_139, %mul3A_140 : i32
      %add3A_142 = arith.constant 0 : i32
      %add3A_143 = arith.addi %add3A_142, %mul3A_141 : i32
      %mul3A_144 = arith.constant 8 : i32
      %mul3A_145 = arith.muli %add3A_143, %mul3A_144 : i32
      %add3A_146 = arith.constant 0 : i32
      %add3A_147 = arith.addi %mul3A_145, %add3A_146 : i32
      %dma_wait3A_148 = arith.constant 0 : i32
      %dma_wait3A_149 = arith.constant 0 : i32
      %dma_wait3A_150 = arith.constant 0 : i32
      %dma_wait3A_151 = tpu.memref_slice %arg5[%dma_wait3A_148, %dma_wait3A_149, %dma_wait3A_150] : memref<4096x200x32xf32, #tpu.memory_space<hbm>> -> memref<1x200x32xf32, #tpu.memory_space<hbm>>
      %dma_wait3A_152 = tpu.memref_squeeze %dma_wait3A_151 : memref<1x200x32xf32, #tpu.memory_space<hbm>> -> memref<200x32xf32, #tpu.memory_space<hbm>>
      %dma_wait3A_153 = arith.constant 0 : i32
      %dma_wait3A_154 = arith.constant 0 : i32
      %dma_wait3A_155 = tpu.memref_slice %arg5[%dma_wait3A_148, %dma_wait3A_153, %dma_wait3A_154] : memref<4096x200x32xf32, #tpu.memory_space<hbm>> -> memref<1x200x32xf32, #tpu.memory_space<hbm>>
      %dma_wait3A_156 = tpu.memref_squeeze %dma_wait3A_155 : memref<1x200x32xf32, #tpu.memory_space<hbm>> -> memref<200x32xf32, #tpu.memory_space<hbm>>
      tpu.wait_dma2 semaphore(%arg16 : memref<!tpu.dma_semaphore, #tpu.memory_space<semaphore_mem>>) src(%dma_wait3A_156 : memref<200x32xf32, #tpu.memory_space<hbm>>) dst(%arg7 : memref<200x32xf32, #tpu.memory_space<vmem>>)
      %scan3A_157 = arith.constant 0 : i32
      %scan3A_158 = arith.constant 200 : i32
      %scan3A_159 = arith.addi %scan3A_157, %scan3A_158 : i32
      %scan3A_160 = arith.constant 8 : i32
      scf.for %scan3A_477 = %scan3A_157 to %scan3A_159 step %scan3A_160  : i32 {
        %mul3A_478 = arith.constant 1 : i32
        %mul3A_479 = arith.muli %scan3A_477, %mul3A_478 : i32
        %add3A_480 = arith.constant 0 : i32
        %add3A_481 = arith.addi %add3A_480, %mul3A_479 : i32
        %get3A = arith.index_cast %add3A_481 : i32 to index
        %get3A_482 = arith.constant 0 : index
        %get3A_483 = tpu.vector_load %arg15[%get3A, %get3A_482] {strides = array<i32>} : memref<200x32xf32, #tpu.memory_space<vmem>>, vector<1x16xf32>,
        %get3A_484 = vector.shape_cast %get3A_483 : vector<1x16xf32> to vector<16xf32>
        %swap3A = arith.index_cast %add3A_481 : i32 to index
        %swap3A_485 = arith.constant 0 : index
        %swap3A_486 = tpu.vector_load %arg7[%swap3A, %swap3A_485] {strides = array<i32>} : memref<200x32xf32, #tpu.memory_space<vmem>>, vector<1x16xf32>,
        %swap3A_487 = vector.shape_cast %swap3A_486 : vector<1x16xf32> to vector<16xf32>
        %swap3A_488 = vector.shape_cast %get3A_484 : vector<16xf32> to vector<1x16xf32>
        tpu.vector_store %arg7[%swap3A, %swap3A_485], %swap3A_488 {add = true, strides = array<i32>} : memref<200x32xf32, #tpu.memory_space<vmem>>, vector<1x16xf32>,
        %get3A_489 = arith.index_cast %add3A_481 : i32 to index
        %get3A_490 = arith.constant 16 : index
        %get3A_491 = tpu.vector_load %arg15[%get3A_489, %get3A_490] {strides = array<i32>} : memref<200x32xf32, #tpu.memory_space<vmem>>, vector<1x16xf32>,
        %get3A_492 = vector.shape_cast %get3A_491 : vector<1x16xf32> to vector<16xf32>
        %swap3A_493 = arith.index_cast %add3A_481 : i32 to index
        %swap3A_494 = arith.constant 16 : index
        %swap3A_495 = tpu.vector_load %arg7[%swap3A_493, %swap3A_494] {strides = array<i32>} : memref<200x32xf32, #tpu.memory_space<vmem>>, vector<1x16xf32>,
        %swap3A_496 = vector.shape_cast %swap3A_495 : vector<1x16xf32> to vector<16xf32>
        %swap3A_497 = vector.shape_cast %get3A_492 : vector<16xf32> to vector<1x16xf32>
        tpu.vector_store %arg7[%swap3A_493, %swap3A_494], %swap3A_497 {add = true, strides = array<i32>} : memref<200x32xf32, #tpu.memory_space<vmem>>, vector<1x16xf32>,
        %scan3A_498 = arith.constant 1 : i32
        %scan3A_499 = arith.addi %scan3A_477, %scan3A_498 : i32
        %mul3A_500 = arith.constant 1 : i32
        %mul3A_501 = arith.muli %scan3A_499, %mul3A_500 : i32
        %add3A_502 = arith.constant 0 : i32
        %add3A_503 = arith.addi %add3A_502, %mul3A_501 : i32
        %get3A_504 = arith.index_cast %add3A_503 : i32 to index
        %get3A_505 = arith.constant 0 : index
        %get3A_506 = tpu.vector_load %arg15[%get3A_504, %get3A_505] {strides = array<i32>} : memref<200x32xf32, #tpu.memory_space<vmem>>, vector<1x16xf32>,
        %get3A_507 = vector.shape_cast %get3A_506 : vector<1x16xf32> to vector<16xf32>
        %swap3A_508 = arith.index_cast %add3A_503 : i32 to index
        %swap3A_509 = arith.constant 0 : index
        %swap3A_510 = tpu.vector_load %arg7[%swap3A_508, %swap3A_509] {strides = array<i32>} : memref<200x32xf32, #tpu.memory_space<vmem>>, vector<1x16xf32>,
        %swap3A_511 = vector.shape_cast %swap3A_510 : vector<1x16xf32> to vector<16xf32>
        %swap3A_512 = vector.shape_cast %get3A_507 : vector<16xf32> to vector<1x16xf32>
        tpu.vector_store %arg7[%swap3A_508, %swap3A_509], %swap3A_512 {add = true, strides = array<i32>} : memref<200x32xf32, #tpu.memory_space<vmem>>, vector<1x16xf32>,
        %get3A_513 = arith.index_cast %add3A_503 : i32 to index
        %get3A_514 = arith.constant 16 : index
        %get3A_515 = tpu.vector_load %arg15[%get3A_513, %get3A_514] {strides = array<i32>} : memref<200x32xf32, #tpu.memory_space<vmem>>, vector<1x16xf32>,
        %get3A_516 = vector.shape_cast %get3A_515 : vector<1x16xf32> to vector<16xf32>
        %swap3A_517 = arith.index_cast %add3A_503 : i32 to index
        %swap3A_518 = arith.constant 16 : index
        %swap3A_519 = tpu.vector_load %arg7[%swap3A_517, %swap3A_518] {strides = array<i32>} : memref<200x32xf32, #tpu.memory_space<vmem>>, vector<1x16xf32>,
        %swap3A_520 = vector.shape_cast %swap3A_519 : vector<1x16xf32> to vector<16xf32>
        %swap3A_521 = vector.shape_cast %get3A_516 : vector<16xf32> to vector<1x16xf32>
        tpu.vector_store %arg7[%swap3A_517, %swap3A_518], %swap3A_521 {add = true, strides = array<i32>} : memref<200x32xf32, #tpu.memory_space<vmem>>, vector<1x16xf32>,
        %scan3A_522 = arith.constant 2 : i32
        %scan3A_523 = arith.addi %scan3A_477, %scan3A_522 : i32
        %mul3A_524 = arith.constant 1 : i32
        %mul3A_525 = arith.muli %scan3A_523, %mul3A_524 : i32
        %add3A_526 = arith.constant 0 : i32
        %add3A_527 = arith.addi %add3A_526, %mul3A_525 : i32
        %get3A_528 = arith.index_cast %add3A_527 : i32 to index
        %get3A_529 = arith.constant 0 : index
        %get3A_530 = tpu.vector_load %arg15[%get3A_528, %get3A_529] {strides = array<i32>} : memref<200x32xf32, #tpu.memory_space<vmem>>, vector<1x16xf32>,
        %get3A_531 = vector.shape_cast %get3A_530 : vector<1x16xf32> to vector<16xf32>
        %swap3A_532 = arith.index_cast %add3A_527 : i32 to index
        %swap3A_533 = arith.constant 0 : index
        %swap3A_534 = tpu.vector_load %arg7[%swap3A_532, %swap3A_533] {strides = array<i32>} : memref<200x32xf32, #tpu.memory_space<vmem>>, vector<1x16xf32>,
        %swap3A_535 = vector.shape_cast %swap3A_534 : vector<1x16xf32> to vector<16xf32>
        %swap3A_536 = vector.shape_cast %get3A_531 : vector<16xf32> to vector<1x16xf32>
        tpu.vector_store %arg7[%swap3A_532, %swap3A_533], %swap3A_536 {add = true, strides = array<i32>} : memref<200x32xf32, #tpu.memory_space<vmem>>, vector<1x16xf32>,
        %get3A_537 = arith.index_cast %add3A_527 : i32 to index
        %get3A_538 = arith.constant 16 : index
        %get3A_539 = tpu.vector_load %arg15[%get3A_537, %get3A_538] {strides = array<i32>} : memref<200x32xf32, #tpu.memory_space<vmem>>, vector<1x16xf32>,
        %get3A_540 = vector.shape_cast %get3A_539 : vector<1x16xf32> to vector<16xf32>
        %swap3A_541 = arith.index_cast %add3A_527 : i32 to index
        %swap3A_542 = arith.constant 16 : index
        %swap3A_543 = tpu.vector_load %arg7[%swap3A_541, %swap3A_542] {strides = array<i32>} : memref<200x32xf32, #tpu.memory_space<vmem>>, vector<1x16xf32>,
        %swap3A_544 = vector.shape_cast %swap3A_543 : vector<1x16xf32> to vector<16xf32>
        %swap3A_545 = vector.shape_cast %get3A_540 : vector<16xf32> to vector<1x16xf32>
        tpu.vector_store %arg7[%swap3A_541, %swap3A_542], %swap3A_545 {add = true, strides = array<i32>} : memref<200x32xf32, #tpu.memory_space<vmem>>, vector<1x16xf32>,
        %scan3A_546 = arith.constant 3 : i32
        %scan3A_547 = arith.addi %scan3A_477, %scan3A_546 : i32
        %mul3A_548 = arith.constant 1 : i32
        %mul3A_549 = arith.muli %scan3A_547, %mul3A_548 : i32
        %add3A_550 = arith.constant 0 : i32
        %add3A_551 = arith.addi %add3A_550, %mul3A_549 : i32
        %get3A_552 = arith.index_cast %add3A_551 : i32 to index
        %get3A_553 = arith.constant 0 : index
        %get3A_554 = tpu.vector_load %arg15[%get3A_552, %get3A_553] {strides = array<i32>} : memref<200x32xf32, #tpu.memory_space<vmem>>, vector<1x16xf32>,
        %get3A_555 = vector.shape_cast %get3A_554 : vector<1x16xf32> to vector<16xf32>
        %swap3A_556 = arith.index_cast %add3A_551 : i32 to index
        %swap3A_557 = arith.constant 0 : index
        %swap3A_558 = tpu.vector_load %arg7[%swap3A_556, %swap3A_557] {strides = array<i32>} : memref<200x32xf32, #tpu.memory_space<vmem>>, vector<1x16xf32>,
        %swap3A_559 = vector.shape_cast %swap3A_558 : vector<1x16xf32> to vector<16xf32>
        %swap3A_560 = vector.shape_cast %get3A_555 : vector<16xf32> to vector<1x16xf32>
        tpu.vector_store %arg7[%swap3A_556, %swap3A_557], %swap3A_560 {add = true, strides = array<i32>} : memref<200x32xf32, #tpu.memory_space<vmem>>, vector<1x16xf32>,
        %get3A_561 = arith.index_cast %add3A_551 : i32 to index
        %get3A_562 = arith.constant 16 : index
        %get3A_563 = tpu.vector_load %arg15[%get3A_561, %get3A_562] {strides = array<i32>} : memref<200x32xf32, #tpu.memory_space<vmem>>, vector<1x16xf32>,
        %get3A_564 = vector.shape_cast %get3A_563 : vector<1x16xf32> to vector<16xf32>
        %swap3A_565 = arith.index_cast %add3A_551 : i32 to index
        %swap3A_566 = arith.constant 16 : index
        %swap3A_567 = tpu.vector_load %arg7[%swap3A_565, %swap3A_566] {strides = array<i32>} : memref<200x32xf32, #tpu.memory_space<vmem>>, vector<1x16xf32>,
        %swap3A_568 = vector.shape_cast %swap3A_567 : vector<1x16xf32> to vector<16xf32>
        %swap3A_569 = vector.shape_cast %get3A_564 : vector<16xf32> to vector<1x16xf32>
        tpu.vector_store %arg7[%swap3A_565, %swap3A_566], %swap3A_569 {add = true, strides = array<i32>} : memref<200x32xf32, #tpu.memory_space<vmem>>, vector<1x16xf32>,
        %scan3A_570 = arith.constant 4 : i32
        %scan3A_571 = arith.addi %scan3A_477, %scan3A_570 : i32
        %mul3A_572 = arith.constant 1 : i32
        %mul3A_573 = arith.muli %scan3A_571, %mul3A_572 : i32
        %add3A_574 = arith.constant 0 : i32
        %add3A_575 = arith.addi %add3A_574, %mul3A_573 : i32
        %get3A_576 = arith.index_cast %add3A_575 : i32 to index
        %get3A_577 = arith.constant 0 : index
        %get3A_578 = tpu.vector_load %arg15[%get3A_576, %get3A_577] {strides = array<i32>} : memref<200x32xf32, #tpu.memory_space<vmem>>, vector<1x16xf32>,
        %get3A_579 = vector.shape_cast %get3A_578 : vector<1x16xf32> to vector<16xf32>
        %swap3A_580 = arith.index_cast %add3A_575 : i32 to index
        %swap3A_581 = arith.constant 0 : index
        %swap3A_582 = tpu.vector_load %arg7[%swap3A_580, %swap3A_581] {strides = array<i32>} : memref<200x32xf32, #tpu.memory_space<vmem>>, vector<1x16xf32>,
        %swap3A_583 = vector.shape_cast %swap3A_582 : vector<1x16xf32> to vector<16xf32>
        %swap3A_584 = vector.shape_cast %get3A_579 : vector<16xf32> to vector<1x16xf32>
        tpu.vector_store %arg7[%swap3A_580, %swap3A_581], %swap3A_584 {add = true, strides = array<i32>} : memref<200x32xf32, #tpu.memory_space<vmem>>, vector<1x16xf32>,
        %get3A_585 = arith.index_cast %add3A_575 : i32 to index
        %get3A_586 = arith.constant 16 : index
        %get3A_587 = tpu.vector_load %arg15[%get3A_585, %get3A_586] {strides = array<i32>} : memref<200x32xf32, #tpu.memory_space<vmem>>, vector<1x16xf32>,
        %get3A_588 = vector.shape_cast %get3A_587 : vector<1x16xf32> to vector<16xf32>
        %swap3A_589 = arith.index_cast %add3A_575 : i32 to index
        %swap3A_590 = arith.constant 16 : index
        %swap3A_591 = tpu.vector_load %arg7[%swap3A_589, %swap3A_590] {strides = array<i32>} : memref<200x32xf32, #tpu.memory_space<vmem>>, vector<1x16xf32>,
        %swap3A_592 = vector.shape_cast %swap3A_591 : vector<1x16xf32> to vector<16xf32>
        %swap3A_593 = vector.shape_cast %get3A_588 : vector<16xf32> to vector<1x16xf32>
        tpu.vector_store %arg7[%swap3A_589, %swap3A_590], %swap3A_593 {add = true, strides = array<i32>} : memref<200x32xf32, #tpu.memory_space<vmem>>, vector<1x16xf32>,
        %scan3A_594 = arith.constant 5 : i32
        %scan3A_595 = arith.addi %scan3A_477, %scan3A_594 : i32
        %mul3A_596 = arith.constant 1 : i32
        %mul3A_597 = arith.muli %scan3A_595, %mul3A_596 : i32
        %add3A_598 = arith.constant 0 : i32
        %add3A_599 = arith.addi %add3A_598, %mul3A_597 : i32
        %get3A_600 = arith.index_cast %add3A_599 : i32 to index
        %get3A_601 = arith.constant 0 : index
        %get3A_602 = tpu.vector_load %arg15[%get3A_600, %get3A_601] {strides = array<i32>} : memref<200x32xf32, #tpu.memory_space<vmem>>, vector<1x16xf32>,
        %get3A_603 = vector.shape_cast %get3A_602 : vector<1x16xf32> to vector<16xf32>
        %swap3A_604 = arith.index_cast %add3A_599 : i32 to index
        %swap3A_605 = arith.constant 0 : index
        %swap3A_606 = tpu.vector_load %arg7[%swap3A_604, %swap3A_605] {strides = array<i32>} : memref<200x32xf32, #tpu.memory_space<vmem>>, vector<1x16xf32>,
        %swap3A_607 = vector.shape_cast %swap3A_606 : vector<1x16xf32> to vector<16xf32>
        %swap3A_608 = vector.shape_cast %get3A_603 : vector<16xf32> to vector<1x16xf32>
        tpu.vector_store %arg7[%swap3A_604, %swap3A_605], %swap3A_608 {add = true, strides = array<i32>} : memref<200x32xf32, #tpu.memory_space<vmem>>, vector<1x16xf32>,
        %get3A_609 = arith.index_cast %add3A_599 : i32 to index
        %get3A_610 = arith.constant 16 : index
        %get3A_611 = tpu.vector_load %arg15[%get3A_609, %get3A_610] {strides = array<i32>} : memref<200x32xf32, #tpu.memory_space<vmem>>, vector<1x16xf32>,
        %get3A_612 = vector.shape_cast %get3A_611 : vector<1x16xf32> to vector<16xf32>
        %swap3A_613 = arith.index_cast %add3A_599 : i32 to index
        %swap3A_614 = arith.constant 16 : index
        %swap3A_615 = tpu.vector_load %arg7[%swap3A_613, %swap3A_614] {strides = array<i32>} : memref<200x32xf32, #tpu.memory_space<vmem>>, vector<1x16xf32>,
        %swap3A_616 = vector.shape_cast %swap3A_615 : vector<1x16xf32> to vector<16xf32>
        %swap3A_617 = vector.shape_cast %get3A_612 : vector<16xf32> to vector<1x16xf32>
        tpu.vector_store %arg7[%swap3A_613, %swap3A_614], %swap3A_617 {add = true, strides = array<i32>} : memref<200x32xf32, #tpu.memory_space<vmem>>, vector<1x16xf32>,
        %scan3A_618 = arith.constant 6 : i32
        %scan3A_619 = arith.addi %scan3A_477, %scan3A_618 : i32
        %mul3A_620 = arith.constant 1 : i32
        %mul3A_621 = arith.muli %scan3A_619, %mul3A_620 : i32
        %add3A_622 = arith.constant 0 : i32
        %add3A_623 = arith.addi %add3A_622, %mul3A_621 : i32
        %get3A_624 = arith.index_cast %add3A_623 : i32 to index
        %get3A_625 = arith.constant 0 : index
        %get3A_626 = tpu.vector_load %arg15[%get3A_624, %get3A_625] {strides = array<i32>} : memref<200x32xf32, #tpu.memory_space<vmem>>, vector<1x16xf32>,
        %get3A_627 = vector.shape_cast %get3A_626 : vector<1x16xf32> to vector<16xf32>
        %swap3A_628 = arith.index_cast %add3A_623 : i32 to index
        %swap3A_629 = arith.constant 0 : index
        %swap3A_630 = tpu.vector_load %arg7[%swap3A_628, %swap3A_629] {strides = array<i32>} : memref<200x32xf32, #tpu.memory_space<vmem>>, vector<1x16xf32>,
        %swap3A_631 = vector.shape_cast %swap3A_630 : vector<1x16xf32> to vector<16xf32>
        %swap3A_632 = vector.shape_cast %get3A_627 : vector<16xf32> to vector<1x16xf32>
        tpu.vector_store %arg7[%swap3A_628, %swap3A_629], %swap3A_632 {add = true, strides = array<i32>} : memref<200x32xf32, #tpu.memory_space<vmem>>, vector<1x16xf32>,
        %get3A_633 = arith.index_cast %add3A_623 : i32 to index
        %get3A_634 = arith.constant 16 : index
        %get3A_635 = tpu.vector_load %arg15[%get3A_633, %get3A_634] {strides = array<i32>} : memref<200x32xf32, #tpu.memory_space<vmem>>, vector<1x16xf32>,
        %get3A_636 = vector.shape_cast %get3A_635 : vector<1x16xf32> to vector<16xf32>
        %swap3A_637 = arith.index_cast %add3A_623 : i32 to index
        %swap3A_638 = arith.constant 16 : index
        %swap3A_639 = tpu.vector_load %arg7[%swap3A_637, %swap3A_638] {strides = array<i32>} : memref<200x32xf32, #tpu.memory_space<vmem>>, vector<1x16xf32>,
        %swap3A_640 = vector.shape_cast %swap3A_639 : vector<1x16xf32> to vector<16xf32>
        %swap3A_641 = vector.shape_cast %get3A_636 : vector<16xf32> to vector<1x16xf32>
        tpu.vector_store %arg7[%swap3A_637, %swap3A_638], %swap3A_641 {add = true, strides = array<i32>} : memref<200x32xf32, #tpu.memory_space<vmem>>, vector<1x16xf32>,
        %scan3A_642 = arith.constant 7 : i32
        %scan3A_643 = arith.addi %scan3A_477, %scan3A_642 : i32
        %mul3A_644 = arith.constant 1 : i32
        %mul3A_645 = arith.muli %scan3A_643, %mul3A_644 : i32
        %add3A_646 = arith.constant 0 : i32
        %add3A_647 = arith.addi %add3A_646, %mul3A_645 : i32
        %get3A_648 = arith.index_cast %add3A_647 : i32 to index
        %get3A_649 = arith.constant 0 : index
        %get3A_650 = tpu.vector_load %arg15[%get3A_648, %get3A_649] {strides = array<i32>} : memref<200x32xf32, #tpu.memory_space<vmem>>, vector<1x16xf32>,
        %get3A_651 = vector.shape_cast %get3A_650 : vector<1x16xf32> to vector<16xf32>
        %swap3A_652 = arith.index_cast %add3A_647 : i32 to index
        %swap3A_653 = arith.constant 0 : index
        %swap3A_654 = tpu.vector_load %arg7[%swap3A_652, %swap3A_653] {strides = array<i32>} : memref<200x32xf32, #tpu.memory_space<vmem>>, vector<1x16xf32>,
        %swap3A_655 = vector.shape_cast %swap3A_654 : vector<1x16xf32> to vector<16xf32>
        %swap3A_656 = vector.shape_cast %get3A_651 : vector<16xf32> to vector<1x16xf32>
        tpu.vector_store %arg7[%swap3A_652, %swap3A_653], %swap3A_656 {add = true, strides = array<i32>} : memref<200x32xf32, #tpu.memory_space<vmem>>, vector<1x16xf32>,
        %get3A_657 = arith.index_cast %add3A_647 : i32 to index
        %get3A_658 = arith.constant 16 : index
        %get3A_659 = tpu.vector_load %arg15[%get3A_657, %get3A_658] {strides = array<i32>} : memref<200x32xf32, #tpu.memory_space<vmem>>, vector<1x16xf32>,
        %get3A_660 = vector.shape_cast %get3A_659 : vector<1x16xf32> to vector<16xf32>
        %swap3A_661 = arith.index_cast %add3A_647 : i32 to index
        %swap3A_662 = arith.constant 16 : index
        %swap3A_663 = tpu.vector_load %arg7[%swap3A_661, %swap3A_662] {strides = array<i32>} : memref<200x32xf32, #tpu.memory_space<vmem>>, vector<1x16xf32>,
        %swap3A_664 = vector.shape_cast %swap3A_663 : vector<1x16xf32> to vector<16xf32>
        %swap3A_665 = vector.shape_cast %get3A_660 : vector<16xf32> to vector<1x16xf32>
        tpu.vector_store %arg7[%swap3A_661, %swap3A_662], %swap3A_665 {add = true, strides = array<i32>} : memref<200x32xf32, #tpu.memory_space<vmem>>, vector<1x16xf32>,
      }
      %scan3A_161 = arith.constant 200 : i32
      %mul3A_162 = arith.constant 128 : i32
      %mul3A_163 = arith.muli %add3A, %mul3A_162 : i32
      %add3A_164 = arith.addi %mul3A_163, %add3A_147 : i32
      %dma_start3A_165 = arith.constant 0 : i32
      %dma_start3A_166 = arith.constant 0 : i32
      %dma_start3A_167 = tpu.memref_slice %arg5[%add3A_164, %dma_start3A_165, %dma_start3A_166] : memref<4096x200x32xf32, #tpu.memory_space<hbm>> -> memref<1x200x32xf32, #tpu.memory_space<hbm>>
      %dma_start3A_168 = tpu.memref_squeeze %dma_start3A_167 : memref<1x200x32xf32, #tpu.memory_space<hbm>> -> memref<200x32xf32, #tpu.memory_space<hbm>>
      %dma_start3A_169 = arith.constant 0 : i32
      %dma_start3A_170 = arith.constant 0 : i32
      %dma_start3A_171 = tpu.memref_slice %arg5[%add3A_164, %dma_start3A_169, %dma_start3A_170] : memref<4096x200x32xf32, #tpu.memory_space<hbm>> -> memref<1x200x32xf32, #tpu.memory_space<hbm>>
      %dma_start3A_172 = tpu.memref_squeeze %dma_start3A_171 : memref<1x200x32xf32, #tpu.memory_space<hbm>> -> memref<200x32xf32, #tpu.memory_space<hbm>>
      tpu.enqueue_dma source(%arg7 : memref<200x32xf32, #tpu.memory_space<vmem>>) target(%dma_start3A_172 : memref<200x32xf32, #tpu.memory_space<hbm>>) target_semaphore(%arg24 : memref<!tpu.dma_semaphore, #tpu.memory_space<semaphore_mem>>)
      %add3A_173 = arith.constant 3 : i32
      %add3A_174 = arith.addi %add3A_147, %add3A_173 : i32
      %ge3A = arith.constant 8 : i32
      %ge3A_175 = arith.cmpi sge, %add3A_174, %ge3A : i32
      %lt3A = arith.constant 128 : i32
      %lt3A_176 = arith.cmpi slt, %add3A_174, %lt3A : i32
      %and3A = arith.andi %ge3A_175, %lt3A_176 : i1
      %convert_element_type3A = arith.extui %and3A : i1 to i32
      %cond3A = arith.constant 0 : i32
      %cond3A_177 = arith.cmpi ne, %convert_element_type3A, %cond3A : i32
      scf.if %cond3A_177 {
        %dma_wait3A_477 = arith.constant 0 : i32
        %dma_wait3A_478 = arith.constant 0 : i32
        %dma_wait3A_479 = arith.constant 0 : i32
        %dma_wait3A_480 = tpu.memref_slice %arg5[%dma_wait3A_477, %dma_wait3A_478, %dma_wait3A_479] : memref<4096x200x32xf32, #tpu.memory_space<hbm>> -> memref<1x200x32xf32, #tpu.memory_space<hbm>>
        %dma_wait3A_481 = tpu.memref_squeeze %dma_wait3A_480 : memref<1x200x32xf32, #tpu.memory_space<hbm>> -> memref<200x32xf32, #tpu.memory_space<hbm>>
        %dma_wait3A_482 = arith.constant 0 : i32
        %dma_wait3A_483 = arith.constant 0 : i32
        %dma_wait3A_484 = tpu.memref_slice %arg5[%dma_wait3A_477, %dma_wait3A_482, %dma_wait3A_483] : memref<4096x200x32xf32, #tpu.memory_space<hbm>> -> memref<1x200x32xf32, #tpu.memory_space<hbm>>
        %dma_wait3A_485 = tpu.memref_squeeze %dma_wait3A_484 : memref<1x200x32xf32, #tpu.memory_space<hbm>> -> memref<200x32xf32, #tpu.memory_space<hbm>>
        tpu.wait_dma2 semaphore(%arg27 : memref<!tpu.dma_semaphore, #tpu.memory_space<semaphore_mem>>) src(%arg10 : memref<200x32xf32, #tpu.memory_space<vmem>>) dst(%dma_wait3A_485 : memref<200x32xf32, #tpu.memory_space<hbm>>)
      } else {
      }
      %lt3A_178 = arith.constant 128 : i32
      %lt3A_179 = arith.cmpi slt, %add3A_174, %lt3A_178 : i32
      %convert_element_type3A_180 = arith.extui %lt3A_179 : i1 to i32
      %cond3A_181 = arith.constant 0 : i32
      %cond3A_182 = arith.cmpi ne, %convert_element_type3A_180, %cond3A_181 : i32
      scf.if %cond3A_182 {
        %mul3A_477 = arith.constant 2 : i32
        %mul3A_478 = arith.muli %add3A_174, %mul3A_477 : i32
        %add3A_479 = arith.constant 0 : i32
        %add3A_480 = arith.addi %mul3A_478, %add3A_479 : i32
        %dma_start3A_481 = arith.constant 0 : i32
        %dma_start3A_482 = arith.constant 0 : i32
        %dma_start3A_483 = tpu.memref_slice %arg10[%dma_start3A_481, %dma_start3A_482] : memref<200x32xf32, #tpu.memory_space<vmem>> -> memref<100x32xf32, #tpu.memory_space<vmem>>
        %dma_start3A_484 = arith.constant 0 : i32
        %dma_start3A_485 = tpu.memref_slice %arg6[%add3A_480, %dma_start3A_484] : memref<256x100xi32, #tpu.memory_space<vmem>> -> memref<1x100xi32, #tpu.memory_space<vmem>>
        %dma_start3A_486 = tpu.memref_squeeze %dma_start3A_485 : memref<1x100xi32, #tpu.memory_space<vmem>> -> memref<100xi32, #tpu.memory_space<vmem>>
        %dma_start3A_487 = arith.constant 0 : i32
        %dma_start3A_488 = arith.constant 0 : i32
        %dma_start3A_489 = tpu.memref_slice %arg3[%dma_start3A_487, %dma_start3A_488] : memref<100000x32xf32, #tpu.memory_space<hbm>> -> memref<100000x32xf32, #tpu.memory_space<hbm>>
        tpu.enqueue_indirect_dma source(%dma_start3A_489 : memref<100000x32xf32, #tpu.memory_space<hbm>>) target(%dma_start3A_483 : memref<100x32xf32, #tpu.memory_space<vmem>>) offsets(%dma_start3A_486 : memref<100xi32, #tpu.memory_space<vmem>>) semaphore(%arg19 : memref<!tpu.dma_semaphore, #tpu.memory_space<semaphore_mem>>)
        %mul3A_490 = arith.constant 2 : i32
        %mul3A_491 = arith.muli %add3A_174, %mul3A_490 : i32
        %add3A_492 = arith.constant 1 : i32
        %add3A_493 = arith.addi %mul3A_491, %add3A_492 : i32
        %dma_start3A_494 = arith.constant 100 : i32
        %dma_start3A_495 = arith.constant 0 : i32
        %dma_start3A_496 = tpu.memref_slice %arg10[%dma_start3A_494, %dma_start3A_495] : memref<200x32xf32, #tpu.memory_space<vmem>> -> memref<100x32xf32, #tpu.memory_space<vmem>>
        %dma_start3A_497 = arith.constant 0 : i32
        %dma_start3A_498 = tpu.memref_slice %arg6[%add3A_493, %dma_start3A_497] : memref<256x100xi32, #tpu.memory_space<vmem>> -> memref<1x100xi32, #tpu.memory_space<vmem>>
        %dma_start3A_499 = tpu.memref_squeeze %dma_start3A_498 : memref<1x100xi32, #tpu.memory_space<vmem>> -> memref<100xi32, #tpu.memory_space<vmem>>
        %dma_start3A_500 = arith.constant 0 : i32
        %dma_start3A_501 = arith.constant 0 : i32
        %dma_start3A_502 = tpu.memref_slice %arg3[%dma_start3A_500, %dma_start3A_501] : memref<100000x32xf32, #tpu.memory_space<hbm>> -> memref<100000x32xf32, #tpu.memory_space<hbm>>
        tpu.enqueue_indirect_dma source(%dma_start3A_502 : memref<100000x32xf32, #tpu.memory_space<hbm>>) target(%dma_start3A_496 : memref<100x32xf32, #tpu.memory_space<vmem>>) offsets(%dma_start3A_499 : memref<100xi32, #tpu.memory_space<vmem>>) semaphore(%arg19 : memref<!tpu.dma_semaphore, #tpu.memory_space<semaphore_mem>>)
      } else {
      }
      %add3A_183 = arith.constant 1 : i32
      %add3A_184 = arith.addi %mul3A_145, %add3A_183 : i32
      %dma_wait3A_185 = arith.constant 0 : i32
      %dma_wait3A_186 = arith.constant 0 : i32
      %dma_wait3A_187 = arith.constant 0 : i32
      %dma_wait3A_188 = tpu.memref_slice %arg5[%dma_wait3A_185, %dma_wait3A_186, %dma_wait3A_187] : memref<4096x200x32xf32, #tpu.memory_space<hbm>> -> memref<1x200x32xf32, #tpu.memory_space<hbm>>
      %dma_wait3A_189 = tpu.memref_squeeze %dma_wait3A_188 : memref<1x200x32xf32, #tpu.memory_space<hbm>> -> memref<200x32xf32, #tpu.memory_space<hbm>>
      %dma_wait3A_190 = arith.constant 0 : i32
      %dma_wait3A_191 = arith.constant 0 : i32
      %dma_wait3A_192 = tpu.memref_slice %arg5[%dma_wait3A_185, %dma_wait3A_190, %dma_wait3A_191] : memref<4096x200x32xf32, #tpu.memory_space<hbm>> -> memref<1x200x32xf32, #tpu.memory_space<hbm>>
      %dma_wait3A_193 = tpu.memref_squeeze %dma_wait3A_192 : memref<1x200x32xf32, #tpu.memory_space<hbm>> -> memref<200x32xf32, #tpu.memory_space<hbm>>
      tpu.wait_dma2 semaphore(%arg17 : memref<!tpu.dma_semaphore, #tpu.memory_space<semaphore_mem>>) src(%dma_wait3A_193 : memref<200x32xf32, #tpu.memory_space<hbm>>) dst(%arg8 : memref<200x32xf32, #tpu.memory_space<vmem>>)
      %scan3A_194 = arith.constant 0 : i32
      %scan3A_195 = arith.constant 200 : i32
      %scan3A_196 = arith.addi %scan3A_194, %scan3A_195 : i32
      %scan3A_197 = arith.constant 8 : i32
      scf.for %scan3A_477 = %scan3A_194 to %scan3A_196 step %scan3A_197  : i32 {
        %mul3A_478 = arith.constant 1 : i32
        %mul3A_479 = arith.muli %scan3A_477, %mul3A_478 : i32
        %add3A_480 = arith.constant 0 : i32
        %add3A_481 = arith.addi %add3A_480, %mul3A_479 : i32
        %get3A = arith.index_cast %add3A_481 : i32 to index
        %get3A_482 = arith.constant 0 : index
        %get3A_483 = tpu.vector_load %arg15[%get3A, %get3A_482] {strides = array<i32>} : memref<200x32xf32, #tpu.memory_space<vmem>>, vector<1x16xf32>,
        %get3A_484 = vector.shape_cast %get3A_483 : vector<1x16xf32> to vector<16xf32>
        %swap3A = arith.index_cast %add3A_481 : i32 to index
        %swap3A_485 = arith.constant 0 : index
        %swap3A_486 = tpu.vector_load %arg8[%swap3A, %swap3A_485] {strides = array<i32>} : memref<200x32xf32, #tpu.memory_space<vmem>>, vector<1x16xf32>,
        %swap3A_487 = vector.shape_cast %swap3A_486 : vector<1x16xf32> to vector<16xf32>
        %swap3A_488 = vector.shape_cast %get3A_484 : vector<16xf32> to vector<1x16xf32>
        tpu.vector_store %arg8[%swap3A, %swap3A_485], %swap3A_488 {add = true, strides = array<i32>} : memref<200x32xf32, #tpu.memory_space<vmem>>, vector<1x16xf32>,
        %get3A_489 = arith.index_cast %add3A_481 : i32 to index
        %get3A_490 = arith.constant 16 : index
        %get3A_491 = tpu.vector_load %arg15[%get3A_489, %get3A_490] {strides = array<i32>} : memref<200x32xf32, #tpu.memory_space<vmem>>, vector<1x16xf32>,
        %get3A_492 = vector.shape_cast %get3A_491 : vector<1x16xf32> to vector<16xf32>
        %swap3A_493 = arith.index_cast %add3A_481 : i32 to index
        %swap3A_494 = arith.constant 16 : index
        %swap3A_495 = tpu.vector_load %arg8[%swap3A_493, %swap3A_494] {strides = array<i32>} : memref<200x32xf32, #tpu.memory_space<vmem>>, vector<1x16xf32>,
        %swap3A_496 = vector.shape_cast %swap3A_495 : vector<1x16xf32> to vector<16xf32>
        %swap3A_497 = vector.shape_cast %get3A_492 : vector<16xf32> to vector<1x16xf32>
        tpu.vector_store %arg8[%swap3A_493, %swap3A_494], %swap3A_497 {add = true, strides = array<i32>} : memref<200x32xf32, #tpu.memory_space<vmem>>, vector<1x16xf32>,
        %scan3A_498 = arith.constant 1 : i32
        %scan3A_499 = arith.addi %scan3A_477, %scan3A_498 : i32
        %mul3A_500 = arith.constant 1 : i32
        %mul3A_501 = arith.muli %scan3A_499, %mul3A_500 : i32
        %add3A_502 = arith.constant 0 : i32
        %add3A_503 = arith.addi %add3A_502, %mul3A_501 : i32
        %get3A_504 = arith.index_cast %add3A_503 : i32 to index
        %get3A_505 = arith.constant 0 : index
        %get3A_506 = tpu.vector_load %arg15[%get3A_504, %get3A_505] {strides = array<i32>} : memref<200x32xf32, #tpu.memory_space<vmem>>, vector<1x16xf32>,
        %get3A_507 = vector.shape_cast %get3A_506 : vector<1x16xf32> to vector<16xf32>
        %swap3A_508 = arith.index_cast %add3A_503 : i32 to index
        %swap3A_509 = arith.constant 0 : index
        %swap3A_510 = tpu.vector_load %arg8[%swap3A_508, %swap3A_509] {strides = array<i32>} : memref<200x32xf32, #tpu.memory_space<vmem>>, vector<1x16xf32>,
        %swap3A_511 = vector.shape_cast %swap3A_510 : vector<1x16xf32> to vector<16xf32>
        %swap3A_512 = vector.shape_cast %get3A_507 : vector<16xf32> to vector<1x16xf32>
        tpu.vector_store %arg8[%swap3A_508, %swap3A_509], %swap3A_512 {add = true, strides = array<i32>} : memref<200x32xf32, #tpu.memory_space<vmem>>, vector<1x16xf32>,
        %get3A_513 = arith.index_cast %add3A_503 : i32 to index
        %get3A_514 = arith.constant 16 : index
        %get3A_515 = tpu.vector_load %arg15[%get3A_513, %get3A_514] {strides = array<i32>} : memref<200x32xf32, #tpu.memory_space<vmem>>, vector<1x16xf32>,
        %get3A_516 = vector.shape_cast %get3A_515 : vector<1x16xf32> to vector<16xf32>
        %swap3A_517 = arith.index_cast %add3A_503 : i32 to index
        %swap3A_518 = arith.constant 16 : index
        %swap3A_519 = tpu.vector_load %arg8[%swap3A_517, %swap3A_518] {strides = array<i32>} : memref<200x32xf32, #tpu.memory_space<vmem>>, vector<1x16xf32>,
        %swap3A_520 = vector.shape_cast %swap3A_519 : vector<1x16xf32> to vector<16xf32>
        %swap3A_521 = vector.shape_cast %get3A_516 : vector<16xf32> to vector<1x16xf32>
        tpu.vector_store %arg8[%swap3A_517, %swap3A_518], %swap3A_521 {add = true, strides = array<i32>} : memref<200x32xf32, #tpu.memory_space<vmem>>, vector<1x16xf32>,
        %scan3A_522 = arith.constant 2 : i32
        %scan3A_523 = arith.addi %scan3A_477, %scan3A_522 : i32
        %mul3A_524 = arith.constant 1 : i32
        %mul3A_525 = arith.muli %scan3A_523, %mul3A_524 : i32
        %add3A_526 = arith.constant 0 : i32
        %add3A_527 = arith.addi %add3A_526, %mul3A_525 : i32
        %get3A_528 = arith.index_cast %add3A_527 : i32 to index
        %get3A_529 = arith.constant 0 : index
        %get3A_530 = tpu.vector_load %arg15[%get3A_528, %get3A_529] {strides = array<i32>} : memref<200x32xf32, #tpu.memory_space<vmem>>, vector<1x16xf32>,
        %get3A_531 = vector.shape_cast %get3A_530 : vector<1x16xf32> to vector<16xf32>
        %swap3A_532 = arith.index_cast %add3A_527 : i32 to index
        %swap3A_533 = arith.constant 0 : index
        %swap3A_534 = tpu.vector_load %arg8[%swap3A_532, %swap3A_533] {strides = array<i32>} : memref<200x32xf32, #tpu.memory_space<vmem>>, vector<1x16xf32>,
        %swap3A_535 = vector.shape_cast %swap3A_534 : vector<1x16xf32> to vector<16xf32>
        %swap3A_536 = vector.shape_cast %get3A_531 : vector<16xf32> to vector<1x16xf32>
        tpu.vector_store %arg8[%swap3A_532, %swap3A_533], %swap3A_536 {add = true, strides = array<i32>} : memref<200x32xf32, #tpu.memory_space<vmem>>, vector<1x16xf32>,
        %get3A_537 = arith.index_cast %add3A_527 : i32 to index
        %get3A_538 = arith.constant 16 : index
        %get3A_539 = tpu.vector_load %arg15[%get3A_537, %get3A_538] {strides = array<i32>} : memref<200x32xf32, #tpu.memory_space<vmem>>, vector<1x16xf32>,
        %get3A_540 = vector.shape_cast %get3A_539 : vector<1x16xf32> to vector<16xf32>
        %swap3A_541 = arith.index_cast %add3A_527 : i32 to index
        %swap3A_542 = arith.constant 16 : index
        %swap3A_543 = tpu.vector_load %arg8[%swap3A_541, %swap3A_542] {strides = array<i32>} : memref<200x32xf32, #tpu.memory_space<vmem>>, vector<1x16xf32>,
        %swap3A_544 = vector.shape_cast %swap3A_543 : vector<1x16xf32> to vector<16xf32>
        %swap3A_545 = vector.shape_cast %get3A_540 : vector<16xf32> to vector<1x16xf32>
        tpu.vector_store %arg8[%swap3A_541, %swap3A_542], %swap3A_545 {add = true, strides = array<i32>} : memref<200x32xf32, #tpu.memory_space<vmem>>, vector<1x16xf32>,
        %scan3A_546 = arith.constant 3 : i32
        %scan3A_547 = arith.addi %scan3A_477, %scan3A_546 : i32
        %mul3A_548 = arith.constant 1 : i32
        %mul3A_549 = arith.muli %scan3A_547, %mul3A_548 : i32
        %add3A_550 = arith.constant 0 : i32
        %add3A_551 = arith.addi %add3A_550, %mul3A_549 : i32
        %get3A_552 = arith.index_cast %add3A_551 : i32 to index
        %get3A_553 = arith.constant 0 : index
        %get3A_554 = tpu.vector_load %arg15[%get3A_552, %get3A_553] {strides = array<i32>} : memref<200x32xf32, #tpu.memory_space<vmem>>, vector<1x16xf32>,
        %get3A_555 = vector.shape_cast %get3A_554 : vector<1x16xf32> to vector<16xf32>
        %swap3A_556 = arith.index_cast %add3A_551 : i32 to index
        %swap3A_557 = arith.constant 0 : index
        %swap3A_558 = tpu.vector_load %arg8[%swap3A_556, %swap3A_557] {strides = array<i32>} : memref<200x32xf32, #tpu.memory_space<vmem>>, vector<1x16xf32>,
        %swap3A_559 = vector.shape_cast %swap3A_558 : vector<1x16xf32> to vector<16xf32>
        %swap3A_560 = vector.shape_cast %get3A_555 : vector<16xf32> to vector<1x16xf32>
        tpu.vector_store %arg8[%swap3A_556, %swap3A_557], %swap3A_560 {add = true, strides = array<i32>} : memref<200x32xf32, #tpu.memory_space<vmem>>, vector<1x16xf32>,
        %get3A_561 = arith.index_cast %add3A_551 : i32 to index
        %get3A_562 = arith.constant 16 : index
        %get3A_563 = tpu.vector_load %arg15[%get3A_561, %get3A_562] {strides = array<i32>} : memref<200x32xf32, #tpu.memory_space<vmem>>, vector<1x16xf32>,
        %get3A_564 = vector.shape_cast %get3A_563 : vector<1x16xf32> to vector<16xf32>
        %swap3A_565 = arith.index_cast %add3A_551 : i32 to index
        %swap3A_566 = arith.constant 16 : index
        %swap3A_567 = tpu.vector_load %arg8[%swap3A_565, %swap3A_566] {strides = array<i32>} : memref<200x32xf32, #tpu.memory_space<vmem>>, vector<1x16xf32>,
        %swap3A_568 = vector.shape_cast %swap3A_567 : vector<1x16xf32> to vector<16xf32>
        %swap3A_569 = vector.shape_cast %get3A_564 : vector<16xf32> to vector<1x16xf32>
        tpu.vector_store %arg8[%swap3A_565, %swap3A_566], %swap3A_569 {add = true, strides = array<i32>} : memref<200x32xf32, #tpu.memory_space<vmem>>, vector<1x16xf32>,
        %scan3A_570 = arith.constant 4 : i32
        %scan3A_571 = arith.addi %scan3A_477, %scan3A_570 : i32
        %mul3A_572 = arith.constant 1 : i32
        %mul3A_573 = arith.muli %scan3A_571, %mul3A_572 : i32
        %add3A_574 = arith.constant 0 : i32
        %add3A_575 = arith.addi %add3A_574, %mul3A_573 : i32
        %get3A_576 = arith.index_cast %add3A_575 : i32 to index
        %get3A_577 = arith.constant 0 : index
        %get3A_578 = tpu.vector_load %arg15[%get3A_576, %get3A_577] {strides = array<i32>} : memref<200x32xf32, #tpu.memory_space<vmem>>, vector<1x16xf32>,
        %get3A_579 = vector.shape_cast %get3A_578 : vector<1x16xf32> to vector<16xf32>
        %swap3A_580 = arith.index_cast %add3A_575 : i32 to index
        %swap3A_581 = arith.constant 0 : index
        %swap3A_582 = tpu.vector_load %arg8[%swap3A_580, %swap3A_581] {strides = array<i32>} : memref<200x32xf32, #tpu.memory_space<vmem>>, vector<1x16xf32>,
        %swap3A_583 = vector.shape_cast %swap3A_582 : vector<1x16xf32> to vector<16xf32>
        %swap3A_584 = vector.shape_cast %get3A_579 : vector<16xf32> to vector<1x16xf32>
        tpu.vector_store %arg8[%swap3A_580, %swap3A_581], %swap3A_584 {add = true, strides = array<i32>} : memref<200x32xf32, #tpu.memory_space<vmem>>, vector<1x16xf32>,
        %get3A_585 = arith.index_cast %add3A_575 : i32 to index
        %get3A_586 = arith.constant 16 : index
        %get3A_587 = tpu.vector_load %arg15[%get3A_585, %get3A_586] {strides = array<i32>} : memref<200x32xf32, #tpu.memory_space<vmem>>, vector<1x16xf32>,
        %get3A_588 = vector.shape_cast %get3A_587 : vector<1x16xf32> to vector<16xf32>
        %swap3A_589 = arith.index_cast %add3A_575 : i32 to index
        %swap3A_590 = arith.constant 16 : index
        %swap3A_591 = tpu.vector_load %arg8[%swap3A_589, %swap3A_590] {strides = array<i32>} : memref<200x32xf32, #tpu.memory_space<vmem>>, vector<1x16xf32>,
        %swap3A_592 = vector.shape_cast %swap3A_591 : vector<1x16xf32> to vector<16xf32>
        %swap3A_593 = vector.shape_cast %get3A_588 : vector<16xf32> to vector<1x16xf32>
        tpu.vector_store %arg8[%swap3A_589, %swap3A_590], %swap3A_593 {add = true, strides = array<i32>} : memref<200x32xf32, #tpu.memory_space<vmem>>, vector<1x16xf32>,
        %scan3A_594 = arith.constant 5 : i32
        %scan3A_595 = arith.addi %scan3A_477, %scan3A_594 : i32
        %mul3A_596 = arith.constant 1 : i32
        %mul3A_597 = arith.muli %scan3A_595, %mul3A_596 : i32
        %add3A_598 = arith.constant 0 : i32
        %add3A_599 = arith.addi %add3A_598, %mul3A_597 : i32
        %get3A_600 = arith.index_cast %add3A_599 : i32 to index
        %get3A_601 = arith.constant 0 : index
        %get3A_602 = tpu.vector_load %arg15[%get3A_600, %get3A_601] {strides = array<i32>} : memref<200x32xf32, #tpu.memory_space<vmem>>, vector<1x16xf32>,
        %get3A_603 = vector.shape_cast %get3A_602 : vector<1x16xf32> to vector<16xf32>
        %swap3A_604 = arith.index_cast %add3A_599 : i32 to index
        %swap3A_605 = arith.constant 0 : index
        %swap3A_606 = tpu.vector_load %arg8[%swap3A_604, %swap3A_605] {strides = array<i32>} : memref<200x32xf32, #tpu.memory_space<vmem>>, vector<1x16xf32>,
        %swap3A_607 = vector.shape_cast %swap3A_606 : vector<1x16xf32> to vector<16xf32>
        %swap3A_608 = vector.shape_cast %get3A_603 : vector<16xf32> to vector<1x16xf32>
        tpu.vector_store %arg8[%swap3A_604, %swap3A_605], %swap3A_608 {add = true, strides = array<i32>} : memref<200x32xf32, #tpu.memory_space<vmem>>, vector<1x16xf32>,
        %get3A_609 = arith.index_cast %add3A_599 : i32 to index
        %get3A_610 = arith.constant 16 : index
        %get3A_611 = tpu.vector_load %arg15[%get3A_609, %get3A_610] {strides = array<i32>} : memref<200x32xf32, #tpu.memory_space<vmem>>, vector<1x16xf32>,
        %get3A_612 = vector.shape_cast %get3A_611 : vector<1x16xf32> to vector<16xf32>
        %swap3A_613 = arith.index_cast %add3A_599 : i32 to index
        %swap3A_614 = arith.constant 16 : index
        %swap3A_615 = tpu.vector_load %arg8[%swap3A_613, %swap3A_614] {strides = array<i32>} : memref<200x32xf32, #tpu.memory_space<vmem>>, vector<1x16xf32>,
        %swap3A_616 = vector.shape_cast %swap3A_615 : vector<1x16xf32> to vector<16xf32>
        %swap3A_617 = vector.shape_cast %get3A_612 : vector<16xf32> to vector<1x16xf32>
        tpu.vector_store %arg8[%swap3A_613, %swap3A_614], %swap3A_617 {add = true, strides = array<i32>} : memref<200x32xf32, #tpu.memory_space<vmem>>, vector<1x16xf32>,
        %scan3A_618 = arith.constant 6 : i32
        %scan3A_619 = arith.addi %scan3A_477, %scan3A_618 : i32
        %mul3A_620 = arith.constant 1 : i32
        %mul3A_621 = arith.muli %scan3A_619, %mul3A_620 : i32
        %add3A_622 = arith.constant 0 : i32
        %add3A_623 = arith.addi %add3A_622, %mul3A_621 : i32
        %get3A_624 = arith.index_cast %add3A_623 : i32 to index
        %get3A_625 = arith.constant 0 : index
        %get3A_626 = tpu.vector_load %arg15[%get3A_624, %get3A_625] {strides = array<i32>} : memref<200x32xf32, #tpu.memory_space<vmem>>, vector<1x16xf32>,
        %get3A_627 = vector.shape_cast %get3A_626 : vector<1x16xf32> to vector<16xf32>
        %swap3A_628 = arith.index_cast %add3A_623 : i32 to index
        %swap3A_629 = arith.constant 0 : index
        %swap3A_630 = tpu.vector_load %arg8[%swap3A_628, %swap3A_629] {strides = array<i32>} : memref<200x32xf32, #tpu.memory_space<vmem>>, vector<1x16xf32>,
        %swap3A_631 = vector.shape_cast %swap3A_630 : vector<1x16xf32> to vector<16xf32>
        %swap3A_632 = vector.shape_cast %get3A_627 : vector<16xf32> to vector<1x16xf32>
        tpu.vector_store %arg8[%swap3A_628, %swap3A_629], %swap3A_632 {add = true, strides = array<i32>} : memref<200x32xf32, #tpu.memory_space<vmem>>, vector<1x16xf32>,
        %get3A_633 = arith.index_cast %add3A_623 : i32 to index
        %get3A_634 = arith.constant 16 : index
        %get3A_635 = tpu.vector_load %arg15[%get3A_633, %get3A_634] {strides = array<i32>} : memref<200x32xf32, #tpu.memory_space<vmem>>, vector<1x16xf32>,
        %get3A_636 = vector.shape_cast %get3A_635 : vector<1x16xf32> to vector<16xf32>
        %swap3A_637 = arith.index_cast %add3A_623 : i32 to index
        %swap3A_638 = arith.constant 16 : index
        %swap3A_639 = tpu.vector_load %arg8[%swap3A_637, %swap3A_638] {strides = array<i32>} : memref<200x32xf32, #tpu.memory_space<vmem>>, vector<1x16xf32>,
        %swap3A_640 = vector.shape_cast %swap3A_639 : vector<1x16xf32> to vector<16xf32>
        %swap3A_641 = vector.shape_cast %get3A_636 : vector<16xf32> to vector<1x16xf32>
        tpu.vector_store %arg8[%swap3A_637, %swap3A_638], %swap3A_641 {add = true, strides = array<i32>} : memref<200x32xf32, #tpu.memory_space<vmem>>, vector<1x16xf32>,
        %scan3A_642 = arith.constant 7 : i32
        %scan3A_643 = arith.addi %scan3A_477, %scan3A_642 : i32
        %mul3A_644 = arith.constant 1 : i32
        %mul3A_645 = arith.muli %scan3A_643, %mul3A_644 : i32
        %add3A_646 = arith.constant 0 : i32
        %add3A_647 = arith.addi %add3A_646, %mul3A_645 : i32
        %get3A_648 = arith.index_cast %add3A_647 : i32 to index
        %get3A_649 = arith.constant 0 : index
        %get3A_650 = tpu.vector_load %arg15[%get3A_648, %get3A_649] {strides = array<i32>} : memref<200x32xf32, #tpu.memory_space<vmem>>, vector<1x16xf32>,
        %get3A_651 = vector.shape_cast %get3A_650 : vector<1x16xf32> to vector<16xf32>
        %swap3A_652 = arith.index_cast %add3A_647 : i32 to index
        %swap3A_653 = arith.constant 0 : index
        %swap3A_654 = tpu.vector_load %arg8[%swap3A_652, %swap3A_653] {strides = array<i32>} : memref<200x32xf32, #tpu.memory_space<vmem>>, vector<1x16xf32>,
        %swap3A_655 = vector.shape_cast %swap3A_654 : vector<1x16xf32> to vector<16xf32>
        %swap3A_656 = vector.shape_cast %get3A_651 : vector<16xf32> to vector<1x16xf32>
        tpu.vector_store %arg8[%swap3A_652, %swap3A_653], %swap3A_656 {add = true, strides = array<i32>} : memref<200x32xf32, #tpu.memory_space<vmem>>, vector<1x16xf32>,
        %get3A_657 = arith.index_cast %add3A_647 : i32 to index
        %get3A_658 = arith.constant 16 : index
        %get3A_659 = tpu.vector_load %arg15[%get3A_657, %get3A_658] {strides = array<i32>} : memref<200x32xf32, #tpu.memory_space<vmem>>, vector<1x16xf32>,
        %get3A_660 = vector.shape_cast %get3A_659 : vector<1x16xf32> to vector<16xf32>
        %swap3A_661 = arith.index_cast %add3A_647 : i32 to index
        %swap3A_662 = arith.constant 16 : index
        %swap3A_663 = tpu.vector_load %arg8[%swap3A_661, %swap3A_662] {strides = array<i32>} : memref<200x32xf32, #tpu.memory_space<vmem>>, vector<1x16xf32>,
        %swap3A_664 = vector.shape_cast %swap3A_663 : vector<1x16xf32> to vector<16xf32>
        %swap3A_665 = vector.shape_cast %get3A_660 : vector<16xf32> to vector<1x16xf32>
        tpu.vector_store %arg8[%swap3A_661, %swap3A_662], %swap3A_665 {add = true, strides = array<i32>} : memref<200x32xf32, #tpu.memory_space<vmem>>, vector<1x16xf32>,
      }
      %scan3A_198 = arith.constant 200 : i32
      %mul3A_199 = arith.constant 128 : i32
      %mul3A_200 = arith.muli %add3A, %mul3A_199 : i32
      %add3A_201 = arith.addi %mul3A_200, %add3A_184 : i32
      %dma_start3A_202 = arith.constant 0 : i32
      %dma_start3A_203 = arith.constant 0 : i32
      %dma_start3A_204 = tpu.memref_slice %arg5[%add3A_201, %dma_start3A_202, %dma_start3A_203] : memref<4096x200x32xf32, #tpu.memory_space<hbm>> -> memref<1x200x32xf32, #tpu.memory_space<hbm>>
      %dma_start3A_205 = tpu.memref_squeeze %dma_start3A_204 : memref<1x200x32xf32, #tpu.memory_space<hbm>> -> memref<200x32xf32, #tpu.memory_space<hbm>>
      %dma_start3A_206 = arith.constant 0 : i32
      %dma_start3A_207 = arith.constant 0 : i32
      %dma_start3A_208 = tpu.memref_slice %arg5[%add3A_201, %dma_start3A_206, %dma_start3A_207] : memref<4096x200x32xf32, #tpu.memory_space<hbm>> -> memref<1x200x32xf32, #tpu.memory_space<hbm>>
      %dma_start3A_209 = tpu.memref_squeeze %dma_start3A_208 : memref<1x200x32xf32, #tpu.memory_space<hbm>> -> memref<200x32xf32, #tpu.memory_space<hbm>>
      tpu.enqueue_dma source(%arg8 : memref<200x32xf32, #tpu.memory_space<vmem>>) target(%dma_start3A_209 : memref<200x32xf32, #tpu.memory_space<hbm>>) target_semaphore(%arg25 : memref<!tpu.dma_semaphore, #tpu.memory_space<semaphore_mem>>)
      %add3A_210 = arith.constant 3 : i32
      %add3A_211 = arith.addi %add3A_184, %add3A_210 : i32
      %ge3A_212 = arith.constant 8 : i32
      %ge3A_213 = arith.cmpi sge, %add3A_211, %ge3A_212 : i32
      %lt3A_214 = arith.constant 128 : i32
      %lt3A_215 = arith.cmpi slt, %add3A_211, %lt3A_214 : i32
      %and3A_216 = arith.andi %ge3A_213, %lt3A_215 : i1
      %convert_element_type3A_217 = arith.extui %and3A_216 : i1 to i32
      %cond3A_218 = arith.constant 0 : i32
      %cond3A_219 = arith.cmpi ne, %convert_element_type3A_217, %cond3A_218 : i32
      scf.if %cond3A_219 {
        %dma_wait3A_477 = arith.constant 0 : i32
        %dma_wait3A_478 = arith.constant 0 : i32
        %dma_wait3A_479 = arith.constant 0 : i32
        %dma_wait3A_480 = tpu.memref_slice %arg5[%dma_wait3A_477, %dma_wait3A_478, %dma_wait3A_479] : memref<4096x200x32xf32, #tpu.memory_space<hbm>> -> memref<1x200x32xf32, #tpu.memory_space<hbm>>
        %dma_wait3A_481 = tpu.memref_squeeze %dma_wait3A_480 : memref<1x200x32xf32, #tpu.memory_space<hbm>> -> memref<200x32xf32, #tpu.memory_space<hbm>>
        %dma_wait3A_482 = arith.constant 0 : i32
        %dma_wait3A_483 = arith.constant 0 : i32
        %dma_wait3A_484 = tpu.memref_slice %arg5[%dma_wait3A_477, %dma_wait3A_482, %dma_wait3A_483] : memref<4096x200x32xf32, #tpu.memory_space<hbm>> -> memref<1x200x32xf32, #tpu.memory_space<hbm>>
        %dma_wait3A_485 = tpu.memref_squeeze %dma_wait3A_484 : memref<1x200x32xf32, #tpu.memory_space<hbm>> -> memref<200x32xf32, #tpu.memory_space<hbm>>
        tpu.wait_dma2 semaphore(%arg28 : memref<!tpu.dma_semaphore, #tpu.memory_space<semaphore_mem>>) src(%arg11 : memref<200x32xf32, #tpu.memory_space<vmem>>) dst(%dma_wait3A_485 : memref<200x32xf32, #tpu.memory_space<hbm>>)
      } else {
      }
      %lt3A_220 = arith.constant 128 : i32
      %lt3A_221 = arith.cmpi slt, %add3A_211, %lt3A_220 : i32
      %convert_element_type3A_222 = arith.extui %lt3A_221 : i1 to i32
      %cond3A_223 = arith.constant 0 : i32
      %cond3A_224 = arith.cmpi ne, %convert_element_type3A_222, %cond3A_223 : i32
      scf.if %cond3A_224 {
        %mul3A_477 = arith.constant 2 : i32
        %mul3A_478 = arith.muli %add3A_211, %mul3A_477 : i32
        %add3A_479 = arith.constant 0 : i32
        %add3A_480 = arith.addi %mul3A_478, %add3A_479 : i32
        %dma_start3A_481 = arith.constant 0 : i32
        %dma_start3A_482 = arith.constant 0 : i32
        %dma_start3A_483 = tpu.memref_slice %arg11[%dma_start3A_481, %dma_start3A_482] : memref<200x32xf32, #tpu.memory_space<vmem>> -> memref<100x32xf32, #tpu.memory_space<vmem>>
        %dma_start3A_484 = arith.constant 0 : i32
        %dma_start3A_485 = tpu.memref_slice %arg6[%add3A_480, %dma_start3A_484] : memref<256x100xi32, #tpu.memory_space<vmem>> -> memref<1x100xi32, #tpu.memory_space<vmem>>
        %dma_start3A_486 = tpu.memref_squeeze %dma_start3A_485 : memref<1x100xi32, #tpu.memory_space<vmem>> -> memref<100xi32, #tpu.memory_space<vmem>>
        %dma_start3A_487 = arith.constant 0 : i32
        %dma_start3A_488 = arith.constant 0 : i32
        %dma_start3A_489 = tpu.memref_slice %arg3[%dma_start3A_487, %dma_start3A_488] : memref<100000x32xf32, #tpu.memory_space<hbm>> -> memref<100000x32xf32, #tpu.memory_space<hbm>>
        tpu.enqueue_indirect_dma source(%dma_start3A_489 : memref<100000x32xf32, #tpu.memory_space<hbm>>) target(%dma_start3A_483 : memref<100x32xf32, #tpu.memory_space<vmem>>) offsets(%dma_start3A_486 : memref<100xi32, #tpu.memory_space<vmem>>) semaphore(%arg20 : memref<!tpu.dma_semaphore, #tpu.memory_space<semaphore_mem>>)
        %mul3A_490 = arith.constant 2 : i32
        %mul3A_491 = arith.muli %add3A_211, %mul3A_490 : i32
        %add3A_492 = arith.constant 1 : i32
        %add3A_493 = arith.addi %mul3A_491, %add3A_492 : i32
        %dma_start3A_494 = arith.constant 100 : i32
        %dma_start3A_495 = arith.constant 0 : i32
        %dma_start3A_496 = tpu.memref_slice %arg11[%dma_start3A_494, %dma_start3A_495] : memref<200x32xf32, #tpu.memory_space<vmem>> -> memref<100x32xf32, #tpu.memory_space<vmem>>
        %dma_start3A_497 = arith.constant 0 : i32
        %dma_start3A_498 = tpu.memref_slice %arg6[%add3A_493, %dma_start3A_497] : memref<256x100xi32, #tpu.memory_space<vmem>> -> memref<1x100xi32, #tpu.memory_space<vmem>>
        %dma_start3A_499 = tpu.memref_squeeze %dma_start3A_498 : memref<1x100xi32, #tpu.memory_space<vmem>> -> memref<100xi32, #tpu.memory_space<vmem>>
        %dma_start3A_500 = arith.constant 0 : i32
        %dma_start3A_501 = arith.constant 0 : i32
        %dma_start3A_502 = tpu.memref_slice %arg3[%dma_start3A_500, %dma_start3A_501] : memref<100000x32xf32, #tpu.memory_space<hbm>> -> memref<100000x32xf32, #tpu.memory_space<hbm>>
        tpu.enqueue_indirect_dma source(%dma_start3A_502 : memref<100000x32xf32, #tpu.memory_space<hbm>>) target(%dma_start3A_496 : memref<100x32xf32, #tpu.memory_space<vmem>>) offsets(%dma_start3A_499 : memref<100xi32, #tpu.memory_space<vmem>>) semaphore(%arg20 : memref<!tpu.dma_semaphore, #tpu.memory_space<semaphore_mem>>)
      } else {
      }
      %add3A_225 = arith.constant 2 : i32
      %add3A_226 = arith.addi %mul3A_145, %add3A_225 : i32
      %dma_wait3A_227 = arith.constant 0 : i32
      %dma_wait3A_228 = arith.constant 0 : i32
      %dma_wait3A_229 = arith.constant 0 : i32
      %dma_wait3A_230 = tpu.memref_slice %arg5[%dma_wait3A_227, %dma_wait3A_228, %dma_wait3A_229] : memref<4096x200x32xf32, #tpu.memory_space<hbm>> -> memref<1x200x32xf32, #tpu.memory_space<hbm>>
      %dma_wait3A_231 = tpu.memref_squeeze %dma_wait3A_230 : memref<1x200x32xf32, #tpu.memory_space<hbm>> -> memref<200x32xf32, #tpu.memory_space<hbm>>
      %dma_wait3A_232 = arith.constant 0 : i32
      %dma_wait3A_233 = arith.constant 0 : i32
      %dma_wait3A_234 = tpu.memref_slice %arg5[%dma_wait3A_227, %dma_wait3A_232, %dma_wait3A_233] : memref<4096x200x32xf32, #tpu.memory_space<hbm>> -> memref<1x200x32xf32, #tpu.memory_space<hbm>>
      %dma_wait3A_235 = tpu.memref_squeeze %dma_wait3A_234 : memref<1x200x32xf32, #tpu.memory_space<hbm>> -> memref<200x32xf32, #tpu.memory_space<hbm>>
      tpu.wait_dma2 semaphore(%arg18 : memref<!tpu.dma_semaphore, #tpu.memory_space<semaphore_mem>>) src(%dma_wait3A_235 : memref<200x32xf32, #tpu.memory_space<hbm>>) dst(%arg9 : memref<200x32xf32, #tpu.memory_space<vmem>>)
      %scan3A_236 = arith.constant 0 : i32
      %scan3A_237 = arith.constant 200 : i32
      %scan3A_238 = arith.addi %scan3A_236, %scan3A_237 : i32
      %scan3A_239 = arith.constant 8 : i32
      scf.for %scan3A_477 = %scan3A_236 to %scan3A_238 step %scan3A_239  : i32 {
        %mul3A_478 = arith.constant 1 : i32
        %mul3A_479 = arith.muli %scan3A_477, %mul3A_478 : i32
        %add3A_480 = arith.constant 0 : i32
        %add3A_481 = arith.addi %add3A_480, %mul3A_479 : i32
        %get3A = arith.index_cast %add3A_481 : i32 to index
        %get3A_482 = arith.constant 0 : index
        %get3A_483 = tpu.vector_load %arg15[%get3A, %get3A_482] {strides = array<i32>} : memref<200x32xf32, #tpu.memory_space<vmem>>, vector<1x16xf32>,
        %get3A_484 = vector.shape_cast %get3A_483 : vector<1x16xf32> to vector<16xf32>
        %swap3A = arith.index_cast %add3A_481 : i32 to index
        %swap3A_485 = arith.constant 0 : index
        %swap3A_486 = tpu.vector_load %arg9[%swap3A, %swap3A_485] {strides = array<i32>} : memref<200x32xf32, #tpu.memory_space<vmem>>, vector<1x16xf32>,
        %swap3A_487 = vector.shape_cast %swap3A_486 : vector<1x16xf32> to vector<16xf32>
        %swap3A_488 = vector.shape_cast %get3A_484 : vector<16xf32> to vector<1x16xf32>
        tpu.vector_store %arg9[%swap3A, %swap3A_485], %swap3A_488 {add = true, strides = array<i32>} : memref<200x32xf32, #tpu.memory_space<vmem>>, vector<1x16xf32>,
        %get3A_489 = arith.index_cast %add3A_481 : i32 to index
        %get3A_490 = arith.constant 16 : index
        %get3A_491 = tpu.vector_load %arg15[%get3A_489, %get3A_490] {strides = array<i32>} : memref<200x32xf32, #tpu.memory_space<vmem>>, vector<1x16xf32>,
        %get3A_492 = vector.shape_cast %get3A_491 : vector<1x16xf32> to vector<16xf32>
        %swap3A_493 = arith.index_cast %add3A_481 : i32 to index
        %swap3A_494 = arith.constant 16 : index
        %swap3A_495 = tpu.vector_load %arg9[%swap3A_493, %swap3A_494] {strides = array<i32>} : memref<200x32xf32, #tpu.memory_space<vmem>>, vector<1x16xf32>,
        %swap3A_496 = vector.shape_cast %swap3A_495 : vector<1x16xf32> to vector<16xf32>
        %swap3A_497 = vector.shape_cast %get3A_492 : vector<16xf32> to vector<1x16xf32>
        tpu.vector_store %arg9[%swap3A_493, %swap3A_494], %swap3A_497 {add = true, strides = array<i32>} : memref<200x32xf32, #tpu.memory_space<vmem>>, vector<1x16xf32>,
        %scan3A_498 = arith.constant 1 : i32
        %scan3A_499 = arith.addi %scan3A_477, %scan3A_498 : i32
        %mul3A_500 = arith.constant 1 : i32
        %mul3A_501 = arith.muli %scan3A_499, %mul3A_500 : i32
        %add3A_502 = arith.constant 0 : i32
        %add3A_503 = arith.addi %add3A_502, %mul3A_501 : i32
        %get3A_504 = arith.index_cast %add3A_503 : i32 to index
        %get3A_505 = arith.constant 0 : index
        %get3A_506 = tpu.vector_load %arg15[%get3A_504, %get3A_505] {strides = array<i32>} : memref<200x32xf32, #tpu.memory_space<vmem>>, vector<1x16xf32>,
        %get3A_507 = vector.shape_cast %get3A_506 : vector<1x16xf32> to vector<16xf32>
        %swap3A_508 = arith.index_cast %add3A_503 : i32 to index
        %swap3A_509 = arith.constant 0 : index
        %swap3A_510 = tpu.vector_load %arg9[%swap3A_508, %swap3A_509] {strides = array<i32>} : memref<200x32xf32, #tpu.memory_space<vmem>>, vector<1x16xf32>,
        %swap3A_511 = vector.shape_cast %swap3A_510 : vector<1x16xf32> to vector<16xf32>
        %swap3A_512 = vector.shape_cast %get3A_507 : vector<16xf32> to vector<1x16xf32>
        tpu.vector_store %arg9[%swap3A_508, %swap3A_509], %swap3A_512 {add = true, strides = array<i32>} : memref<200x32xf32, #tpu.memory_space<vmem>>, vector<1x16xf32>,
        %get3A_513 = arith.index_cast %add3A_503 : i32 to index
        %get3A_514 = arith.constant 16 : index
        %get3A_515 = tpu.vector_load %arg15[%get3A_513, %get3A_514] {strides = array<i32>} : memref<200x32xf32, #tpu.memory_space<vmem>>, vector<1x16xf32>,
        %get3A_516 = vector.shape_cast %get3A_515 : vector<1x16xf32> to vector<16xf32>
        %swap3A_517 = arith.index_cast %add3A_503 : i32 to index
        %swap3A_518 = arith.constant 16 : index
        %swap3A_519 = tpu.vector_load %arg9[%swap3A_517, %swap3A_518] {strides = array<i32>} : memref<200x32xf32, #tpu.memory_space<vmem>>, vector<1x16xf32>,
        %swap3A_520 = vector.shape_cast %swap3A_519 : vector<1x16xf32> to vector<16xf32>
        %swap3A_521 = vector.shape_cast %get3A_516 : vector<16xf32> to vector<1x16xf32>
        tpu.vector_store %arg9[%swap3A_517, %swap3A_518], %swap3A_521 {add = true, strides = array<i32>} : memref<200x32xf32, #tpu.memory_space<vmem>>, vector<1x16xf32>,
        %scan3A_522 = arith.constant 2 : i32
        %scan3A_523 = arith.addi %scan3A_477, %scan3A_522 : i32
        %mul3A_524 = arith.constant 1 : i32
        %mul3A_525 = arith.muli %scan3A_523, %mul3A_524 : i32
        %add3A_526 = arith.constant 0 : i32
        %add3A_527 = arith.addi %add3A_526, %mul3A_525 : i32
        %get3A_528 = arith.index_cast %add3A_527 : i32 to index
        %get3A_529 = arith.constant 0 : index
        %get3A_530 = tpu.vector_load %arg15[%get3A_528, %get3A_529] {strides = array<i32>} : memref<200x32xf32, #tpu.memory_space<vmem>>, vector<1x16xf32>,
        %get3A_531 = vector.shape_cast %get3A_530 : vector<1x16xf32> to vector<16xf32>
        %swap3A_532 = arith.index_cast %add3A_527 : i32 to index
        %swap3A_533 = arith.constant 0 : index
        %swap3A_534 = tpu.vector_load %arg9[%swap3A_532, %swap3A_533] {strides = array<i32>} : memref<200x32xf32, #tpu.memory_space<vmem>>, vector<1x16xf32>,
        %swap3A_535 = vector.shape_cast %swap3A_534 : vector<1x16xf32> to vector<16xf32>
        %swap3A_536 = vector.shape_cast %get3A_531 : vector<16xf32> to vector<1x16xf32>
        tpu.vector_store %arg9[%swap3A_532, %swap3A_533], %swap3A_536 {add = true, strides = array<i32>} : memref<200x32xf32, #tpu.memory_space<vmem>>, vector<1x16xf32>,
        %get3A_537 = arith.index_cast %add3A_527 : i32 to index
        %get3A_538 = arith.constant 16 : index
        %get3A_539 = tpu.vector_load %arg15[%get3A_537, %get3A_538] {strides = array<i32>} : memref<200x32xf32, #tpu.memory_space<vmem>>, vector<1x16xf32>,
        %get3A_540 = vector.shape_cast %get3A_539 : vector<1x16xf32> to vector<16xf32>
        %swap3A_541 = arith.index_cast %add3A_527 : i32 to index
        %swap3A_542 = arith.constant 16 : index
        %swap3A_543 = tpu.vector_load %arg9[%swap3A_541, %swap3A_542] {strides = array<i32>} : memref<200x32xf32, #tpu.memory_space<vmem>>, vector<1x16xf32>,
        %swap3A_544 = vector.shape_cast %swap3A_543 : vector<1x16xf32> to vector<16xf32>
        %swap3A_545 = vector.shape_cast %get3A_540 : vector<16xf32> to vector<1x16xf32>
        tpu.vector_store %arg9[%swap3A_541, %swap3A_542], %swap3A_545 {add = true, strides = array<i32>} : memref<200x32xf32, #tpu.memory_space<vmem>>, vector<1x16xf32>,
        %scan3A_546 = arith.constant 3 : i32
        %scan3A_547 = arith.addi %scan3A_477, %scan3A_546 : i32
        %mul3A_548 = arith.constant 1 : i32
        %mul3A_549 = arith.muli %scan3A_547, %mul3A_548 : i32
        %add3A_550 = arith.constant 0 : i32
        %add3A_551 = arith.addi %add3A_550, %mul3A_549 : i32
        %get3A_552 = arith.index_cast %add3A_551 : i32 to index
        %get3A_553 = arith.constant 0 : index
        %get3A_554 = tpu.vector_load %arg15[%get3A_552, %get3A_553] {strides = array<i32>} : memref<200x32xf32, #tpu.memory_space<vmem>>, vector<1x16xf32>,
        %get3A_555 = vector.shape_cast %get3A_554 : vector<1x16xf32> to vector<16xf32>
        %swap3A_556 = arith.index_cast %add3A_551 : i32 to index
        %swap3A_557 = arith.constant 0 : index
        %swap3A_558 = tpu.vector_load %arg9[%swap3A_556, %swap3A_557] {strides = array<i32>} : memref<200x32xf32, #tpu.memory_space<vmem>>, vector<1x16xf32>,
        %swap3A_559 = vector.shape_cast %swap3A_558 : vector<1x16xf32> to vector<16xf32>
        %swap3A_560 = vector.shape_cast %get3A_555 : vector<16xf32> to vector<1x16xf32>
        tpu.vector_store %arg9[%swap3A_556, %swap3A_557], %swap3A_560 {add = true, strides = array<i32>} : memref<200x32xf32, #tpu.memory_space<vmem>>, vector<1x16xf32>,
        %get3A_561 = arith.index_cast %add3A_551 : i32 to index
        %get3A_562 = arith.constant 16 : index
        %get3A_563 = tpu.vector_load %arg15[%get3A_561, %get3A_562] {strides = array<i32>} : memref<200x32xf32, #tpu.memory_space<vmem>>, vector<1x16xf32>,
        %get3A_564 = vector.shape_cast %get3A_563 : vector<1x16xf32> to vector<16xf32>
        %swap3A_565 = arith.index_cast %add3A_551 : i32 to index
        %swap3A_566 = arith.constant 16 : index
        %swap3A_567 = tpu.vector_load %arg9[%swap3A_565, %swap3A_566] {strides = array<i32>} : memref<200x32xf32, #tpu.memory_space<vmem>>, vector<1x16xf32>,
        %swap3A_568 = vector.shape_cast %swap3A_567 : vector<1x16xf32> to vector<16xf32>
        %swap3A_569 = vector.shape_cast %get3A_564 : vector<16xf32> to vector<1x16xf32>
        tpu.vector_store %arg9[%swap3A_565, %swap3A_566], %swap3A_569 {add = true, strides = array<i32>} : memref<200x32xf32, #tpu.memory_space<vmem>>, vector<1x16xf32>,
        %scan3A_570 = arith.constant 4 : i32
        %scan3A_571 = arith.addi %scan3A_477, %scan3A_570 : i32
        %mul3A_572 = arith.constant 1 : i32
        %mul3A_573 = arith.muli %scan3A_571, %mul3A_572 : i32
        %add3A_574 = arith.constant 0 : i32
        %add3A_575 = arith.addi %add3A_574, %mul3A_573 : i32
        %get3A_576 = arith.index_cast %add3A_575 : i32 to index
        %get3A_577 = arith.constant 0 : index
        %get3A_578 = tpu.vector_load %arg15[%get3A_576, %get3A_577] {strides = array<i32>} : memref<200x32xf32, #tpu.memory_space<vmem>>, vector<1x16xf32>,
        %get3A_579 = vector.shape_cast %get3A_578 : vector<1x16xf32> to vector<16xf32>
        %swap3A_580 = arith.index_cast %add3A_575 : i32 to index
        %swap3A_581 = arith.constant 0 : index
        %swap3A_582 = tpu.vector_load %arg9[%swap3A_580, %swap3A_581] {strides = array<i32>} : memref<200x32xf32, #tpu.memory_space<vmem>>, vector<1x16xf32>,
        %swap3A_583 = vector.shape_cast %swap3A_582 : vector<1x16xf32> to vector<16xf32>
        %swap3A_584 = vector.shape_cast %get3A_579 : vector<16xf32> to vector<1x16xf32>
        tpu.vector_store %arg9[%swap3A_580, %swap3A_581], %swap3A_584 {add = true, strides = array<i32>} : memref<200x32xf32, #tpu.memory_space<vmem>>, vector<1x16xf32>,
        %get3A_585 = arith.index_cast %add3A_575 : i32 to index
        %get3A_586 = arith.constant 16 : index
        %get3A_587 = tpu.vector_load %arg15[%get3A_585, %get3A_586] {strides = array<i32>} : memref<200x32xf32, #tpu.memory_space<vmem>>, vector<1x16xf32>,
        %get3A_588 = vector.shape_cast %get3A_587 : vector<1x16xf32> to vector<16xf32>
        %swap3A_589 = arith.index_cast %add3A_575 : i32 to index
        %swap3A_590 = arith.constant 16 : index
        %swap3A_591 = tpu.vector_load %arg9[%swap3A_589, %swap3A_590] {strides = array<i32>} : memref<200x32xf32, #tpu.memory_space<vmem>>, vector<1x16xf32>,
        %swap3A_592 = vector.shape_cast %swap3A_591 : vector<1x16xf32> to vector<16xf32>
        %swap3A_593 = vector.shape_cast %get3A_588 : vector<16xf32> to vector<1x16xf32>
        tpu.vector_store %arg9[%swap3A_589, %swap3A_590], %swap3A_593 {add = true, strides = array<i32>} : memref<200x32xf32, #tpu.memory_space<vmem>>, vector<1x16xf32>,
        %scan3A_594 = arith.constant 5 : i32
        %scan3A_595 = arith.addi %scan3A_477, %scan3A_594 : i32
        %mul3A_596 = arith.constant 1 : i32
        %mul3A_597 = arith.muli %scan3A_595, %mul3A_596 : i32
        %add3A_598 = arith.constant 0 : i32
        %add3A_599 = arith.addi %add3A_598, %mul3A_597 : i32
        %get3A_600 = arith.index_cast %add3A_599 : i32 to index
        %get3A_601 = arith.constant 0 : index
        %get3A_602 = tpu.vector_load %arg15[%get3A_600, %get3A_601] {strides = array<i32>} : memref<200x32xf32, #tpu.memory_space<vmem>>, vector<1x16xf32>,
        %get3A_603 = vector.shape_cast %get3A_602 : vector<1x16xf32> to vector<16xf32>
        %swap3A_604 = arith.index_cast %add3A_599 : i32 to index
        %swap3A_605 = arith.constant 0 : index
        %swap3A_606 = tpu.vector_load %arg9[%swap3A_604, %swap3A_605] {strides = array<i32>} : memref<200x32xf32, #tpu.memory_space<vmem>>, vector<1x16xf32>,
        %swap3A_607 = vector.shape_cast %swap3A_606 : vector<1x16xf32> to vector<16xf32>
        %swap3A_608 = vector.shape_cast %get3A_603 : vector<16xf32> to vector<1x16xf32>
        tpu.vector_store %arg9[%swap3A_604, %swap3A_605], %swap3A_608 {add = true, strides = array<i32>} : memref<200x32xf32, #tpu.memory_space<vmem>>, vector<1x16xf32>,
        %get3A_609 = arith.index_cast %add3A_599 : i32 to index
        %get3A_610 = arith.constant 16 : index
        %get3A_611 = tpu.vector_load %arg15[%get3A_609, %get3A_610] {strides = array<i32>} : memref<200x32xf32, #tpu.memory_space<vmem>>, vector<1x16xf32>,
        %get3A_612 = vector.shape_cast %get3A_611 : vector<1x16xf32> to vector<16xf32>
        %swap3A_613 = arith.index_cast %add3A_599 : i32 to index
        %swap3A_614 = arith.constant 16 : index
        %swap3A_615 = tpu.vector_load %arg9[%swap3A_613, %swap3A_614] {strides = array<i32>} : memref<200x32xf32, #tpu.memory_space<vmem>>, vector<1x16xf32>,
        %swap3A_616 = vector.shape_cast %swap3A_615 : vector<1x16xf32> to vector<16xf32>
        %swap3A_617 = vector.shape_cast %get3A_612 : vector<16xf32> to vector<1x16xf32>
        tpu.vector_store %arg9[%swap3A_613, %swap3A_614], %swap3A_617 {add = true, strides = array<i32>} : memref<200x32xf32, #tpu.memory_space<vmem>>, vector<1x16xf32>,
        %scan3A_618 = arith.constant 6 : i32
        %scan3A_619 = arith.addi %scan3A_477, %scan3A_618 : i32
        %mul3A_620 = arith.constant 1 : i32
        %mul3A_621 = arith.muli %scan3A_619, %mul3A_620 : i32
        %add3A_622 = arith.constant 0 : i32
        %add3A_623 = arith.addi %add3A_622, %mul3A_621 : i32
        %get3A_624 = arith.index_cast %add3A_623 : i32 to index
        %get3A_625 = arith.constant 0 : index
        %get3A_626 = tpu.vector_load %arg15[%get3A_624, %get3A_625] {strides = array<i32>} : memref<200x32xf32, #tpu.memory_space<vmem>>, vector<1x16xf32>,
        %get3A_627 = vector.shape_cast %get3A_626 : vector<1x16xf32> to vector<16xf32>
        %swap3A_628 = arith.index_cast %add3A_623 : i32 to index
        %swap3A_629 = arith.constant 0 : index
        %swap3A_630 = tpu.vector_load %arg9[%swap3A_628, %swap3A_629] {strides = array<i32>} : memref<200x32xf32, #tpu.memory_space<vmem>>, vector<1x16xf32>,
        %swap3A_631 = vector.shape_cast %swap3A_630 : vector<1x16xf32> to vector<16xf32>
        %swap3A_632 = vector.shape_cast %get3A_627 : vector<16xf32> to vector<1x16xf32>
        tpu.vector_store %arg9[%swap3A_628, %swap3A_629], %swap3A_632 {add = true, strides = array<i32>} : memref<200x32xf32, #tpu.memory_space<vmem>>, vector<1x16xf32>,
        %get3A_633 = arith.index_cast %add3A_623 : i32 to index
        %get3A_634 = arith.constant 16 : index
        %get3A_635 = tpu.vector_load %arg15[%get3A_633, %get3A_634] {strides = array<i32>} : memref<200x32xf32, #tpu.memory_space<vmem>>, vector<1x16xf32>,
        %get3A_636 = vector.shape_cast %get3A_635 : vector<1x16xf32> to vector<16xf32>
        %swap3A_637 = arith.index_cast %add3A_623 : i32 to index
        %swap3A_638 = arith.constant 16 : index
        %swap3A_639 = tpu.vector_load %arg9[%swap3A_637, %swap3A_638] {strides = array<i32>} : memref<200x32xf32, #tpu.memory_space<vmem>>, vector<1x16xf32>,
        %swap3A_640 = vector.shape_cast %swap3A_639 : vector<1x16xf32> to vector<16xf32>
        %swap3A_641 = vector.shape_cast %get3A_636 : vector<16xf32> to vector<1x16xf32>
        tpu.vector_store %arg9[%swap3A_637, %swap3A_638], %swap3A_641 {add = true, strides = array<i32>} : memref<200x32xf32, #tpu.memory_space<vmem>>, vector<1x16xf32>,
        %scan3A_642 = arith.constant 7 : i32
        %scan3A_643 = arith.addi %scan3A_477, %scan3A_642 : i32
        %mul3A_644 = arith.constant 1 : i32
        %mul3A_645 = arith.muli %scan3A_643, %mul3A_644 : i32
        %add3A_646 = arith.constant 0 : i32
        %add3A_647 = arith.addi %add3A_646, %mul3A_645 : i32
        %get3A_648 = arith.index_cast %add3A_647 : i32 to index
        %get3A_649 = arith.constant 0 : index
        %get3A_650 = tpu.vector_load %arg15[%get3A_648, %get3A_649] {strides = array<i32>} : memref<200x32xf32, #tpu.memory_space<vmem>>, vector<1x16xf32>,
        %get3A_651 = vector.shape_cast %get3A_650 : vector<1x16xf32> to vector<16xf32>
        %swap3A_652 = arith.index_cast %add3A_647 : i32 to index
        %swap3A_653 = arith.constant 0 : index
        %swap3A_654 = tpu.vector_load %arg9[%swap3A_652, %swap3A_653] {strides = array<i32>} : memref<200x32xf32, #tpu.memory_space<vmem>>, vector<1x16xf32>,
        %swap3A_655 = vector.shape_cast %swap3A_654 : vector<1x16xf32> to vector<16xf32>
        %swap3A_656 = vector.shape_cast %get3A_651 : vector<16xf32> to vector<1x16xf32>
        tpu.vector_store %arg9[%swap3A_652, %swap3A_653], %swap3A_656 {add = true, strides = array<i32>} : memref<200x32xf32, #tpu.memory_space<vmem>>, vector<1x16xf32>,
        %get3A_657 = arith.index_cast %add3A_647 : i32 to index
        %get3A_658 = arith.constant 16 : index
        %get3A_659 = tpu.vector_load %arg15[%get3A_657, %get3A_658] {strides = array<i32>} : memref<200x32xf32, #tpu.memory_space<vmem>>, vector<1x16xf32>,
        %get3A_660 = vector.shape_cast %get3A_659 : vector<1x16xf32> to vector<16xf32>
        %swap3A_661 = arith.index_cast %add3A_647 : i32 to index
        %swap3A_662 = arith.constant 16 : index
        %swap3A_663 = tpu.vector_load %arg9[%swap3A_661, %swap3A_662] {strides = array<i32>} : memref<200x32xf32, #tpu.memory_space<vmem>>, vector<1x16xf32>,
        %swap3A_664 = vector.shape_cast %swap3A_663 : vector<1x16xf32> to vector<16xf32>
        %swap3A_665 = vector.shape_cast %get3A_660 : vector<16xf32> to vector<1x16xf32>
        tpu.vector_store %arg9[%swap3A_661, %swap3A_662], %swap3A_665 {add = true, strides = array<i32>} : memref<200x32xf32, #tpu.memory_space<vmem>>, vector<1x16xf32>,
      }
      %scan3A_240 = arith.constant 200 : i32
      %mul3A_241 = arith.constant 128 : i32
      %mul3A_242 = arith.muli %add3A, %mul3A_241 : i32
      %add3A_243 = arith.addi %mul3A_242, %add3A_226 : i32
      %dma_start3A_244 = arith.constant 0 : i32
      %dma_start3A_245 = arith.constant 0 : i32
      %dma_start3A_246 = tpu.memref_slice %arg5[%add3A_243, %dma_start3A_244, %dma_start3A_245] : memref<4096x200x32xf32, #tpu.memory_space<hbm>> -> memref<1x200x32xf32, #tpu.memory_space<hbm>>
      %dma_start3A_247 = tpu.memref_squeeze %dma_start3A_246 : memref<1x200x32xf32, #tpu.memory_space<hbm>> -> memref<200x32xf32, #tpu.memory_space<hbm>>
      %dma_start3A_248 = arith.constant 0 : i32
      %dma_start3A_249 = arith.constant 0 : i32
      %dma_start3A_250 = tpu.memref_slice %arg5[%add3A_243, %dma_start3A_248, %dma_start3A_249] : memref<4096x200x32xf32, #tpu.memory_space<hbm>> -> memref<1x200x32xf32, #tpu.memory_space<hbm>>
      %dma_start3A_251 = tpu.memref_squeeze %dma_start3A_250 : memref<1x200x32xf32, #tpu.memory_space<hbm>> -> memref<200x32xf32, #tpu.memory_space<hbm>>
      tpu.enqueue_dma source(%arg9 : memref<200x32xf32, #tpu.memory_space<vmem>>) target(%dma_start3A_251 : memref<200x32xf32, #tpu.memory_space<hbm>>) target_semaphore(%arg26 : memref<!tpu.dma_semaphore, #tpu.memory_space<semaphore_mem>>)
      %add3A_252 = arith.constant 3 : i32
      %add3A_253 = arith.addi %add3A_226, %add3A_252 : i32
      %ge3A_254 = arith.constant 8 : i32
      %ge3A_255 = arith.cmpi sge, %add3A_253, %ge3A_254 : i32
      %lt3A_256 = arith.constant 128 : i32
      %lt3A_257 = arith.cmpi slt, %add3A_253, %lt3A_256 : i32
      %and3A_258 = arith.andi %ge3A_255, %lt3A_257 : i1
      %convert_element_type3A_259 = arith.extui %and3A_258 : i1 to i32
      %cond3A_260 = arith.constant 0 : i32
      %cond3A_261 = arith.cmpi ne, %convert_element_type3A_259, %cond3A_260 : i32
      scf.if %cond3A_261 {
        %dma_wait3A_477 = arith.constant 0 : i32
        %dma_wait3A_478 = arith.constant 0 : i32
        %dma_wait3A_479 = arith.constant 0 : i32
        %dma_wait3A_480 = tpu.memref_slice %arg5[%dma_wait3A_477, %dma_wait3A_478, %dma_wait3A_479] : memref<4096x200x32xf32, #tpu.memory_space<hbm>> -> memref<1x200x32xf32, #tpu.memory_space<hbm>>
        %dma_wait3A_481 = tpu.memref_squeeze %dma_wait3A_480 : memref<1x200x32xf32, #tpu.memory_space<hbm>> -> memref<200x32xf32, #tpu.memory_space<hbm>>
        %dma_wait3A_482 = arith.constant 0 : i32
        %dma_wait3A_483 = arith.constant 0 : i32
        %dma_wait3A_484 = tpu.memref_slice %arg5[%dma_wait3A_477, %dma_wait3A_482, %dma_wait3A_483] : memref<4096x200x32xf32, #tpu.memory_space<hbm>> -> memref<1x200x32xf32, #tpu.memory_space<hbm>>
        %dma_wait3A_485 = tpu.memref_squeeze %dma_wait3A_484 : memref<1x200x32xf32, #tpu.memory_space<hbm>> -> memref<200x32xf32, #tpu.memory_space<hbm>>
        tpu.wait_dma2 semaphore(%arg29 : memref<!tpu.dma_semaphore, #tpu.memory_space<semaphore_mem>>) src(%arg12 : memref<200x32xf32, #tpu.memory_space<vmem>>) dst(%dma_wait3A_485 : memref<200x32xf32, #tpu.memory_space<hbm>>)
      } else {
      }
      %lt3A_262 = arith.constant 128 : i32
      %lt3A_263 = arith.cmpi slt, %add3A_253, %lt3A_262 : i32
      %convert_element_type3A_264 = arith.extui %lt3A_263 : i1 to i32
      %cond3A_265 = arith.constant 0 : i32
      %cond3A_266 = arith.cmpi ne, %convert_element_type3A_264, %cond3A_265 : i32
      scf.if %cond3A_266 {
        %mul3A_477 = arith.constant 2 : i32
        %mul3A_478 = arith.muli %add3A_253, %mul3A_477 : i32
        %add3A_479 = arith.constant 0 : i32
        %add3A_480 = arith.addi %mul3A_478, %add3A_479 : i32
        %dma_start3A_481 = arith.constant 0 : i32
        %dma_start3A_482 = arith.constant 0 : i32
        %dma_start3A_483 = tpu.memref_slice %arg12[%dma_start3A_481, %dma_start3A_482] : memref<200x32xf32, #tpu.memory_space<vmem>> -> memref<100x32xf32, #tpu.memory_space<vmem>>
        %dma_start3A_484 = arith.constant 0 : i32
        %dma_start3A_485 = tpu.memref_slice %arg6[%add3A_480, %dma_start3A_484] : memref<256x100xi32, #tpu.memory_space<vmem>> -> memref<1x100xi32, #tpu.memory_space<vmem>>
        %dma_start3A_486 = tpu.memref_squeeze %dma_start3A_485 : memref<1x100xi32, #tpu.memory_space<vmem>> -> memref<100xi32, #tpu.memory_space<vmem>>
        %dma_start3A_487 = arith.constant 0 : i32
        %dma_start3A_488 = arith.constant 0 : i32
        %dma_start3A_489 = tpu.memref_slice %arg3[%dma_start3A_487, %dma_start3A_488] : memref<100000x32xf32, #tpu.memory_space<hbm>> -> memref<100000x32xf32, #tpu.memory_space<hbm>>
        tpu.enqueue_indirect_dma source(%dma_start3A_489 : memref<100000x32xf32, #tpu.memory_space<hbm>>) target(%dma_start3A_483 : memref<100x32xf32, #tpu.memory_space<vmem>>) offsets(%dma_start3A_486 : memref<100xi32, #tpu.memory_space<vmem>>) semaphore(%arg21 : memref<!tpu.dma_semaphore, #tpu.memory_space<semaphore_mem>>)
        %mul3A_490 = arith.constant 2 : i32
        %mul3A_491 = arith.muli %add3A_253, %mul3A_490 : i32
        %add3A_492 = arith.constant 1 : i32
        %add3A_493 = arith.addi %mul3A_491, %add3A_492 : i32
        %dma_start3A_494 = arith.constant 100 : i32
        %dma_start3A_495 = arith.constant 0 : i32
        %dma_start3A_496 = tpu.memref_slice %arg12[%dma_start3A_494, %dma_start3A_495] : memref<200x32xf32, #tpu.memory_space<vmem>> -> memref<100x32xf32, #tpu.memory_space<vmem>>
        %dma_start3A_497 = arith.constant 0 : i32
        %dma_start3A_498 = tpu.memref_slice %arg6[%add3A_493, %dma_start3A_497] : memref<256x100xi32, #tpu.memory_space<vmem>> -> memref<1x100xi32, #tpu.memory_space<vmem>>
        %dma_start3A_499 = tpu.memref_squeeze %dma_start3A_498 : memref<1x100xi32, #tpu.memory_space<vmem>> -> memref<100xi32, #tpu.memory_space<vmem>>
        %dma_start3A_500 = arith.constant 0 : i32
        %dma_start3A_501 = arith.constant 0 : i32
        %dma_start3A_502 = tpu.memref_slice %arg3[%dma_start3A_500, %dma_start3A_501] : memref<100000x32xf32, #tpu.memory_space<hbm>> -> memref<100000x32xf32, #tpu.memory_space<hbm>>
        tpu.enqueue_indirect_dma source(%dma_start3A_502 : memref<100000x32xf32, #tpu.memory_space<hbm>>) target(%dma_start3A_496 : memref<100x32xf32, #tpu.memory_space<vmem>>) offsets(%dma_start3A_499 : memref<100xi32, #tpu.memory_space<vmem>>) semaphore(%arg21 : memref<!tpu.dma_semaphore, #tpu.memory_space<semaphore_mem>>)
      } else {
      }
      %add3A_267 = arith.constant 3 : i32
      %add3A_268 = arith.addi %mul3A_145, %add3A_267 : i32
      %dma_wait3A_269 = arith.constant 0 : i32
      %dma_wait3A_270 = arith.constant 0 : i32
      %dma_wait3A_271 = arith.constant 0 : i32
      %dma_wait3A_272 = tpu.memref_slice %arg5[%dma_wait3A_269, %dma_wait3A_270, %dma_wait3A_271] : memref<4096x200x32xf32, #tpu.memory_space<hbm>> -> memref<1x200x32xf32, #tpu.memory_space<hbm>>
      %dma_wait3A_273 = tpu.memref_squeeze %dma_wait3A_272 : memref<1x200x32xf32, #tpu.memory_space<hbm>> -> memref<200x32xf32, #tpu.memory_space<hbm>>
      %dma_wait3A_274 = arith.constant 0 : i32
      %dma_wait3A_275 = arith.constant 0 : i32
      %dma_wait3A_276 = tpu.memref_slice %arg5[%dma_wait3A_269, %dma_wait3A_274, %dma_wait3A_275] : memref<4096x200x32xf32, #tpu.memory_space<hbm>> -> memref<1x200x32xf32, #tpu.memory_space<hbm>>
      %dma_wait3A_277 = tpu.memref_squeeze %dma_wait3A_276 : memref<1x200x32xf32, #tpu.memory_space<hbm>> -> memref<200x32xf32, #tpu.memory_space<hbm>>
      tpu.wait_dma2 semaphore(%arg19 : memref<!tpu.dma_semaphore, #tpu.memory_space<semaphore_mem>>) src(%dma_wait3A_277 : memref<200x32xf32, #tpu.memory_space<hbm>>) dst(%arg10 : memref<200x32xf32, #tpu.memory_space<vmem>>)
      %scan3A_278 = arith.constant 0 : i32
      %scan3A_279 = arith.constant 200 : i32
      %scan3A_280 = arith.addi %scan3A_278, %scan3A_279 : i32
      %scan3A_281 = arith.constant 8 : i32
      scf.for %scan3A_477 = %scan3A_278 to %scan3A_280 step %scan3A_281  : i32 {
        %mul3A_478 = arith.constant 1 : i32
        %mul3A_479 = arith.muli %scan3A_477, %mul3A_478 : i32
        %add3A_480 = arith.constant 0 : i32
        %add3A_481 = arith.addi %add3A_480, %mul3A_479 : i32
        %get3A = arith.index_cast %add3A_481 : i32 to index
        %get3A_482 = arith.constant 0 : index
        %get3A_483 = tpu.vector_load %arg15[%get3A, %get3A_482] {strides = array<i32>} : memref<200x32xf32, #tpu.memory_space<vmem>>, vector<1x16xf32>,
        %get3A_484 = vector.shape_cast %get3A_483 : vector<1x16xf32> to vector<16xf32>
        %swap3A = arith.index_cast %add3A_481 : i32 to index
        %swap3A_485 = arith.constant 0 : index
        %swap3A_486 = tpu.vector_load %arg10[%swap3A, %swap3A_485] {strides = array<i32>} : memref<200x32xf32, #tpu.memory_space<vmem>>, vector<1x16xf32>,
        %swap3A_487 = vector.shape_cast %swap3A_486 : vector<1x16xf32> to vector<16xf32>
        %swap3A_488 = vector.shape_cast %get3A_484 : vector<16xf32> to vector<1x16xf32>
        tpu.vector_store %arg10[%swap3A, %swap3A_485], %swap3A_488 {add = true, strides = array<i32>} : memref<200x32xf32, #tpu.memory_space<vmem>>, vector<1x16xf32>,
        %get3A_489 = arith.index_cast %add3A_481 : i32 to index
        %get3A_490 = arith.constant 16 : index
        %get3A_491 = tpu.vector_load %arg15[%get3A_489, %get3A_490] {strides = array<i32>} : memref<200x32xf32, #tpu.memory_space<vmem>>, vector<1x16xf32>,
        %get3A_492 = vector.shape_cast %get3A_491 : vector<1x16xf32> to vector<16xf32>
        %swap3A_493 = arith.index_cast %add3A_481 : i32 to index
        %swap3A_494 = arith.constant 16 : index
        %swap3A_495 = tpu.vector_load %arg10[%swap3A_493, %swap3A_494] {strides = array<i32>} : memref<200x32xf32, #tpu.memory_space<vmem>>, vector<1x16xf32>,
        %swap3A_496 = vector.shape_cast %swap3A_495 : vector<1x16xf32> to vector<16xf32>
        %swap3A_497 = vector.shape_cast %get3A_492 : vector<16xf32> to vector<1x16xf32>
        tpu.vector_store %arg10[%swap3A_493, %swap3A_494], %swap3A_497 {add = true, strides = array<i32>} : memref<200x32xf32, #tpu.memory_space<vmem>>, vector<1x16xf32>,
        %scan3A_498 = arith.constant 1 : i32
        %scan3A_499 = arith.addi %scan3A_477, %scan3A_498 : i32
        %mul3A_500 = arith.constant 1 : i32
        %mul3A_501 = arith.muli %scan3A_499, %mul3A_500 : i32
        %add3A_502 = arith.constant 0 : i32
        %add3A_503 = arith.addi %add3A_502, %mul3A_501 : i32
        %get3A_504 = arith.index_cast %add3A_503 : i32 to index
        %get3A_505 = arith.constant 0 : index
        %get3A_506 = tpu.vector_load %arg15[%get3A_504, %get3A_505] {strides = array<i32>} : memref<200x32xf32, #tpu.memory_space<vmem>>, vector<1x16xf32>,
        %get3A_507 = vector.shape_cast %get3A_506 : vector<1x16xf32> to vector<16xf32>
        %swap3A_508 = arith.index_cast %add3A_503 : i32 to index
        %swap3A_509 = arith.constant 0 : index
        %swap3A_510 = tpu.vector_load %arg10[%swap3A_508, %swap3A_509] {strides = array<i32>} : memref<200x32xf32, #tpu.memory_space<vmem>>, vector<1x16xf32>,
        %swap3A_511 = vector.shape_cast %swap3A_510 : vector<1x16xf32> to vector<16xf32>
        %swap3A_512 = vector.shape_cast %get3A_507 : vector<16xf32> to vector<1x16xf32>
        tpu.vector_store %arg10[%swap3A_508, %swap3A_509], %swap3A_512 {add = true, strides = array<i32>} : memref<200x32xf32, #tpu.memory_space<vmem>>, vector<1x16xf32>,
        %get3A_513 = arith.index_cast %add3A_503 : i32 to index
        %get3A_514 = arith.constant 16 : index
        %get3A_515 = tpu.vector_load %arg15[%get3A_513, %get3A_514] {strides = array<i32>} : memref<200x32xf32, #tpu.memory_space<vmem>>, vector<1x16xf32>,
        %get3A_516 = vector.shape_cast %get3A_515 : vector<1x16xf32> to vector<16xf32>
        %swap3A_517 = arith.index_cast %add3A_503 : i32 to index
        %swap3A_518 = arith.constant 16 : index
        %swap3A_519 = tpu.vector_load %arg10[%swap3A_517, %swap3A_518] {strides = array<i32>} : memref<200x32xf32, #tpu.memory_space<vmem>>, vector<1x16xf32>,
        %swap3A_520 = vector.shape_cast %swap3A_519 : vector<1x16xf32> to vector<16xf32>
        %swap3A_521 = vector.shape_cast %get3A_516 : vector<16xf32> to vector<1x16xf32>
        tpu.vector_store %arg10[%swap3A_517, %swap3A_518], %swap3A_521 {add = true, strides = array<i32>} : memref<200x32xf32, #tpu.memory_space<vmem>>, vector<1x16xf32>,
        %scan3A_522 = arith.constant 2 : i32
        %scan3A_523 = arith.addi %scan3A_477, %scan3A_522 : i32
        %mul3A_524 = arith.constant 1 : i32
        %mul3A_525 = arith.muli %scan3A_523, %mul3A_524 : i32
        %add3A_526 = arith.constant 0 : i32
        %add3A_527 = arith.addi %add3A_526, %mul3A_525 : i32
        %get3A_528 = arith.index_cast %add3A_527 : i32 to index
        %get3A_529 = arith.constant 0 : index
        %get3A_530 = tpu.vector_load %arg15[%get3A_528, %get3A_529] {strides = array<i32>} : memref<200x32xf32, #tpu.memory_space<vmem>>, vector<1x16xf32>,
        %get3A_531 = vector.shape_cast %get3A_530 : vector<1x16xf32> to vector<16xf32>
        %swap3A_532 = arith.index_cast %add3A_527 : i32 to index
        %swap3A_533 = arith.constant 0 : index
        %swap3A_534 = tpu.vector_load %arg10[%swap3A_532, %swap3A_533] {strides = array<i32>} : memref<200x32xf32, #tpu.memory_space<vmem>>, vector<1x16xf32>,
        %swap3A_535 = vector.shape_cast %swap3A_534 : vector<1x16xf32> to vector<16xf32>
        %swap3A_536 = vector.shape_cast %get3A_531 : vector<16xf32> to vector<1x16xf32>
        tpu.vector_store %arg10[%swap3A_532, %swap3A_533], %swap3A_536 {add = true, strides = array<i32>} : memref<200x32xf32, #tpu.memory_space<vmem>>, vector<1x16xf32>,
        %get3A_537 = arith.index_cast %add3A_527 : i32 to index
        %get3A_538 = arith.constant 16 : index
        %get3A_539 = tpu.vector_load %arg15[%get3A_537, %get3A_538] {strides = array<i32>} : memref<200x32xf32, #tpu.memory_space<vmem>>, vector<1x16xf32>,
        %get3A_540 = vector.shape_cast %get3A_539 : vector<1x16xf32> to vector<16xf32>
        %swap3A_541 = arith.index_cast %add3A_527 : i32 to index
        %swap3A_542 = arith.constant 16 : index
        %swap3A_543 = tpu.vector_load %arg10[%swap3A_541, %swap3A_542] {strides = array<i32>} : memref<200x32xf32, #tpu.memory_space<vmem>>, vector<1x16xf32>,
        %swap3A_544 = vector.shape_cast %swap3A_543 : vector<1x16xf32> to vector<16xf32>
        %swap3A_545 = vector.shape_cast %get3A_540 : vector<16xf32> to vector<1x16xf32>
        tpu.vector_store %arg10[%swap3A_541, %swap3A_542], %swap3A_545 {add = true, strides = array<i32>} : memref<200x32xf32, #tpu.memory_space<vmem>>, vector<1x16xf32>,
        %scan3A_546 = arith.constant 3 : i32
        %scan3A_547 = arith.addi %scan3A_477, %scan3A_546 : i32
        %mul3A_548 = arith.constant 1 : i32
        %mul3A_549 = arith.muli %scan3A_547, %mul3A_548 : i32
        %add3A_550 = arith.constant 0 : i32
        %add3A_551 = arith.addi %add3A_550, %mul3A_549 : i32
        %get3A_552 = arith.index_cast %add3A_551 : i32 to index
        %get3A_553 = arith.constant 0 : index
        %get3A_554 = tpu.vector_load %arg15[%get3A_552, %get3A_553] {strides = array<i32>} : memref<200x32xf32, #tpu.memory_space<vmem>>, vector<1x16xf32>,
        %get3A_555 = vector.shape_cast %get3A_554 : vector<1x16xf32> to vector<16xf32>
        %swap3A_556 = arith.index_cast %add3A_551 : i32 to index
        %swap3A_557 = arith.constant 0 : index
        %swap3A_558 = tpu.vector_load %arg10[%swap3A_556, %swap3A_557] {strides = array<i32>} : memref<200x32xf32, #tpu.memory_space<vmem>>, vector<1x16xf32>,
        %swap3A_559 = vector.shape_cast %swap3A_558 : vector<1x16xf32> to vector<16xf32>
        %swap3A_560 = vector.shape_cast %get3A_555 : vector<16xf32> to vector<1x16xf32>
        tpu.vector_store %arg10[%swap3A_556, %swap3A_557], %swap3A_560 {add = true, strides = array<i32>} : memref<200x32xf32, #tpu.memory_space<vmem>>, vector<1x16xf32>,
        %get3A_561 = arith.index_cast %add3A_551 : i32 to index
        %get3A_562 = arith.constant 16 : index
        %get3A_563 = tpu.vector_load %arg15[%get3A_561, %get3A_562] {strides = array<i32>} : memref<200x32xf32, #tpu.memory_space<vmem>>, vector<1x16xf32>,
        %get3A_564 = vector.shape_cast %get3A_563 : vector<1x16xf32> to vector<16xf32>
        %swap3A_565 = arith.index_cast %add3A_551 : i32 to index
        %swap3A_566 = arith.constant 16 : index
        %swap3A_567 = tpu.vector_load %arg10[%swap3A_565, %swap3A_566] {strides = array<i32>} : memref<200x32xf32, #tpu.memory_space<vmem>>, vector<1x16xf32>,
        %swap3A_568 = vector.shape_cast %swap3A_567 : vector<1x16xf32> to vector<16xf32>
        %swap3A_569 = vector.shape_cast %get3A_564 : vector<16xf32> to vector<1x16xf32>
        tpu.vector_store %arg10[%swap3A_565, %swap3A_566], %swap3A_569 {add = true, strides = array<i32>} : memref<200x32xf32, #tpu.memory_space<vmem>>, vector<1x16xf32>,
        %scan3A_570 = arith.constant 4 : i32
        %scan3A_571 = arith.addi %scan3A_477, %scan3A_570 : i32
        %mul3A_572 = arith.constant 1 : i32
        %mul3A_573 = arith.muli %scan3A_571, %mul3A_572 : i32
        %add3A_574 = arith.constant 0 : i32
        %add3A_575 = arith.addi %add3A_574, %mul3A_573 : i32
        %get3A_576 = arith.index_cast %add3A_575 : i32 to index
        %get3A_577 = arith.constant 0 : index
        %get3A_578 = tpu.vector_load %arg15[%get3A_576, %get3A_577] {strides = array<i32>} : memref<200x32xf32, #tpu.memory_space<vmem>>, vector<1x16xf32>,
        %get3A_579 = vector.shape_cast %get3A_578 : vector<1x16xf32> to vector<16xf32>
        %swap3A_580 = arith.index_cast %add3A_575 : i32 to index
        %swap3A_581 = arith.constant 0 : index
        %swap3A_582 = tpu.vector_load %arg10[%swap3A_580, %swap3A_581] {strides = array<i32>} : memref<200x32xf32, #tpu.memory_space<vmem>>, vector<1x16xf32>,
        %swap3A_583 = vector.shape_cast %swap3A_582 : vector<1x16xf32> to vector<16xf32>
        %swap3A_584 = vector.shape_cast %get3A_579 : vector<16xf32> to vector<1x16xf32>
        tpu.vector_store %arg10[%swap3A_580, %swap3A_581], %swap3A_584 {add = true, strides = array<i32>} : memref<200x32xf32, #tpu.memory_space<vmem>>, vector<1x16xf32>,
        %get3A_585 = arith.index_cast %add3A_575 : i32 to index
        %get3A_586 = arith.constant 16 : index
        %get3A_587 = tpu.vector_load %arg15[%get3A_585, %get3A_586] {strides = array<i32>} : memref<200x32xf32, #tpu.memory_space<vmem>>, vector<1x16xf32>,
        %get3A_588 = vector.shape_cast %get3A_587 : vector<1x16xf32> to vector<16xf32>
        %swap3A_589 = arith.index_cast %add3A_575 : i32 to index
        %swap3A_590 = arith.constant 16 : index
        %swap3A_591 = tpu.vector_load %arg10[%swap3A_589, %swap3A_590] {strides = array<i32>} : memref<200x32xf32, #tpu.memory_space<vmem>>, vector<1x16xf32>,
        %swap3A_592 = vector.shape_cast %swap3A_591 : vector<1x16xf32> to vector<16xf32>
        %swap3A_593 = vector.shape_cast %get3A_588 : vector<16xf32> to vector<1x16xf32>
        tpu.vector_store %arg10[%swap3A_589, %swap3A_590], %swap3A_593 {add = true, strides = array<i32>} : memref<200x32xf32, #tpu.memory_space<vmem>>, vector<1x16xf32>,
        %scan3A_594 = arith.constant 5 : i32
        %scan3A_595 = arith.addi %scan3A_477, %scan3A_594 : i32
        %mul3A_596 = arith.constant 1 : i32
        %mul3A_597 = arith.muli %scan3A_595, %mul3A_596 : i32
        %add3A_598 = arith.constant 0 : i32
        %add3A_599 = arith.addi %add3A_598, %mul3A_597 : i32
        %get3A_600 = arith.index_cast %add3A_599 : i32 to index
        %get3A_601 = arith.constant 0 : index
        %get3A_602 = tpu.vector_load %arg15[%get3A_600, %get3A_601] {strides = array<i32>} : memref<200x32xf32, #tpu.memory_space<vmem>>, vector<1x16xf32>,
        %get3A_603 = vector.shape_cast %get3A_602 : vector<1x16xf32> to vector<16xf32>
        %swap3A_604 = arith.index_cast %add3A_599 : i32 to index
        %swap3A_605 = arith.constant 0 : index
        %swap3A_606 = tpu.vector_load %arg10[%swap3A_604, %swap3A_605] {strides = array<i32>} : memref<200x32xf32, #tpu.memory_space<vmem>>, vector<1x16xf32>,
        %swap3A_607 = vector.shape_cast %swap3A_606 : vector<1x16xf32> to vector<16xf32>
        %swap3A_608 = vector.shape_cast %get3A_603 : vector<16xf32> to vector<1x16xf32>
        tpu.vector_store %arg10[%swap3A_604, %swap3A_605], %swap3A_608 {add = true, strides = array<i32>} : memref<200x32xf32, #tpu.memory_space<vmem>>, vector<1x16xf32>,
        %get3A_609 = arith.index_cast %add3A_599 : i32 to index
        %get3A_610 = arith.constant 16 : index
        %get3A_611 = tpu.vector_load %arg15[%get3A_609, %get3A_610] {strides = array<i32>} : memref<200x32xf32, #tpu.memory_space<vmem>>, vector<1x16xf32>,
        %get3A_612 = vector.shape_cast %get3A_611 : vector<1x16xf32> to vector<16xf32>
        %swap3A_613 = arith.index_cast %add3A_599 : i32 to index
        %swap3A_614 = arith.constant 16 : index
        %swap3A_615 = tpu.vector_load %arg10[%swap3A_613, %swap3A_614] {strides = array<i32>} : memref<200x32xf32, #tpu.memory_space<vmem>>, vector<1x16xf32>,
        %swap3A_616 = vector.shape_cast %swap3A_615 : vector<1x16xf32> to vector<16xf32>
        %swap3A_617 = vector.shape_cast %get3A_612 : vector<16xf32> to vector<1x16xf32>
        tpu.vector_store %arg10[%swap3A_613, %swap3A_614], %swap3A_617 {add = true, strides = array<i32>} : memref<200x32xf32, #tpu.memory_space<vmem>>, vector<1x16xf32>,
        %scan3A_618 = arith.constant 6 : i32
        %scan3A_619 = arith.addi %scan3A_477, %scan3A_618 : i32
        %mul3A_620 = arith.constant 1 : i32
        %mul3A_621 = arith.muli %scan3A_619, %mul3A_620 : i32
        %add3A_622 = arith.constant 0 : i32
        %add3A_623 = arith.addi %add3A_622, %mul3A_621 : i32
        %get3A_624 = arith.index_cast %add3A_623 : i32 to index
        %get3A_625 = arith.constant 0 : index
        %get3A_626 = tpu.vector_load %arg15[%get3A_624, %get3A_625] {strides = array<i32>} : memref<200x32xf32, #tpu.memory_space<vmem>>, vector<1x16xf32>,
        %get3A_627 = vector.shape_cast %get3A_626 : vector<1x16xf32> to vector<16xf32>
        %swap3A_628 = arith.index_cast %add3A_623 : i32 to index
        %swap3A_629 = arith.constant 0 : index
        %swap3A_630 = tpu.vector_load %arg10[%swap3A_628, %swap3A_629] {strides = array<i32>} : memref<200x32xf32, #tpu.memory_space<vmem>>, vector<1x16xf32>,
        %swap3A_631 = vector.shape_cast %swap3A_630 : vector<1x16xf32> to vector<16xf32>
        %swap3A_632 = vector.shape_cast %get3A_627 : vector<16xf32> to vector<1x16xf32>
        tpu.vector_store %arg10[%swap3A_628, %swap3A_629], %swap3A_632 {add = true, strides = array<i32>} : memref<200x32xf32, #tpu.memory_space<vmem>>, vector<1x16xf32>,
        %get3A_633 = arith.index_cast %add3A_623 : i32 to index
        %get3A_634 = arith.constant 16 : index
        %get3A_635 = tpu.vector_load %arg15[%get3A_633, %get3A_634] {strides = array<i32>} : memref<200x32xf32, #tpu.memory_space<vmem>>, vector<1x16xf32>,
        %get3A_636 = vector.shape_cast %get3A_635 : vector<1x16xf32> to vector<16xf32>
        %swap3A_637 = arith.index_cast %add3A_623 : i32 to index
        %swap3A_638 = arith.constant 16 : index
        %swap3A_639 = tpu.vector_load %arg10[%swap3A_637, %swap3A_638] {strides = array<i32>} : memref<200x32xf32, #tpu.memory_space<vmem>>, vector<1x16xf32>,
        %swap3A_640 = vector.shape_cast %swap3A_639 : vector<1x16xf32> to vector<16xf32>
        %swap3A_641 = vector.shape_cast %get3A_636 : vector<16xf32> to vector<1x16xf32>
        tpu.vector_store %arg10[%swap3A_637, %swap3A_638], %swap3A_641 {add = true, strides = array<i32>} : memref<200x32xf32, #tpu.memory_space<vmem>>, vector<1x16xf32>,
        %scan3A_642 = arith.constant 7 : i32
        %scan3A_643 = arith.addi %scan3A_477, %scan3A_642 : i32
        %mul3A_644 = arith.constant 1 : i32
        %mul3A_645 = arith.muli %scan3A_643, %mul3A_644 : i32
        %add3A_646 = arith.constant 0 : i32
        %add3A_647 = arith.addi %add3A_646, %mul3A_645 : i32
        %get3A_648 = arith.index_cast %add3A_647 : i32 to index
        %get3A_649 = arith.constant 0 : index
        %get3A_650 = tpu.vector_load %arg15[%get3A_648, %get3A_649] {strides = array<i32>} : memref<200x32xf32, #tpu.memory_space<vmem>>, vector<1x16xf32>,
        %get3A_651 = vector.shape_cast %get3A_650 : vector<1x16xf32> to vector<16xf32>
        %swap3A_652 = arith.index_cast %add3A_647 : i32 to index
        %swap3A_653 = arith.constant 0 : index
        %swap3A_654 = tpu.vector_load %arg10[%swap3A_652, %swap3A_653] {strides = array<i32>} : memref<200x32xf32, #tpu.memory_space<vmem>>, vector<1x16xf32>,
        %swap3A_655 = vector.shape_cast %swap3A_654 : vector<1x16xf32> to vector<16xf32>
        %swap3A_656 = vector.shape_cast %get3A_651 : vector<16xf32> to vector<1x16xf32>
        tpu.vector_store %arg10[%swap3A_652, %swap3A_653], %swap3A_656 {add = true, strides = array<i32>} : memref<200x32xf32, #tpu.memory_space<vmem>>, vector<1x16xf32>,
        %get3A_657 = arith.index_cast %add3A_647 : i32 to index
        %get3A_658 = arith.constant 16 : index
        %get3A_659 = tpu.vector_load %arg15[%get3A_657, %get3A_658] {strides = array<i32>} : memref<200x32xf32, #tpu.memory_space<vmem>>, vector<1x16xf32>,
        %get3A_660 = vector.shape_cast %get3A_659 : vector<1x16xf32> to vector<16xf32>
        %swap3A_661 = arith.index_cast %add3A_647 : i32 to index
        %swap3A_662 = arith.constant 16 : index
        %swap3A_663 = tpu.vector_load %arg10[%swap3A_661, %swap3A_662] {strides = array<i32>} : memref<200x32xf32, #tpu.memory_space<vmem>>, vector<1x16xf32>,
        %swap3A_664 = vector.shape_cast %swap3A_663 : vector<1x16xf32> to vector<16xf32>
        %swap3A_665 = vector.shape_cast %get3A_660 : vector<16xf32> to vector<1x16xf32>
        tpu.vector_store %arg10[%swap3A_661, %swap3A_662], %swap3A_665 {add = true, strides = array<i32>} : memref<200x32xf32, #tpu.memory_space<vmem>>, vector<1x16xf32>,
      }
      %scan3A_282 = arith.constant 200 : i32
      %mul3A_283 = arith.constant 128 : i32
      %mul3A_284 = arith.muli %add3A, %mul3A_283 : i32
      %add3A_285 = arith.addi %mul3A_284, %add3A_268 : i32
      %dma_start3A_286 = arith.constant 0 : i32
      %dma_start3A_287 = arith.constant 0 : i32
      %dma_start3A_288 = tpu.memref_slice %arg5[%add3A_285, %dma_start3A_286, %dma_start3A_287] : memref<4096x200x32xf32, #tpu.memory_space<hbm>> -> memref<1x200x32xf32, #tpu.memory_space<hbm>>
      %dma_start3A_289 = tpu.memref_squeeze %dma_start3A_288 : memref<1x200x32xf32, #tpu.memory_space<hbm>> -> memref<200x32xf32, #tpu.memory_space<hbm>>
      %dma_start3A_290 = arith.constant 0 : i32
      %dma_start3A_291 = arith.constant 0 : i32
      %dma_start3A_292 = tpu.memref_slice %arg5[%add3A_285, %dma_start3A_290, %dma_start3A_291] : memref<4096x200x32xf32, #tpu.memory_space<hbm>> -> memref<1x200x32xf32, #tpu.memory_space<hbm>>
      %dma_start3A_293 = tpu.memref_squeeze %dma_start3A_292 : memref<1x200x32xf32, #tpu.memory_space<hbm>> -> memref<200x32xf32, #tpu.memory_space<hbm>>
      tpu.enqueue_dma source(%arg10 : memref<200x32xf32, #tpu.memory_space<vmem>>) target(%dma_start3A_293 : memref<200x32xf32, #tpu.memory_space<hbm>>) target_semaphore(%arg27 : memref<!tpu.dma_semaphore, #tpu.memory_space<semaphore_mem>>)
      %add3A_294 = arith.constant 3 : i32
      %add3A_295 = arith.addi %add3A_268, %add3A_294 : i32
      %ge3A_296 = arith.constant 8 : i32
      %ge3A_297 = arith.cmpi sge, %add3A_295, %ge3A_296 : i32
      %lt3A_298 = arith.constant 128 : i32
      %lt3A_299 = arith.cmpi slt, %add3A_295, %lt3A_298 : i32
      %and3A_300 = arith.andi %ge3A_297, %lt3A_299 : i1
      %convert_element_type3A_301 = arith.extui %and3A_300 : i1 to i32
      %cond3A_302 = arith.constant 0 : i32
      %cond3A_303 = arith.cmpi ne, %convert_element_type3A_301, %cond3A_302 : i32
      scf.if %cond3A_303 {
        %dma_wait3A_477 = arith.constant 0 : i32
        %dma_wait3A_478 = arith.constant 0 : i32
        %dma_wait3A_479 = arith.constant 0 : i32
        %dma_wait3A_480 = tpu.memref_slice %arg5[%dma_wait3A_477, %dma_wait3A_478, %dma_wait3A_479] : memref<4096x200x32xf32, #tpu.memory_space<hbm>> -> memref<1x200x32xf32, #tpu.memory_space<hbm>>
        %dma_wait3A_481 = tpu.memref_squeeze %dma_wait3A_480 : memref<1x200x32xf32, #tpu.memory_space<hbm>> -> memref<200x32xf32, #tpu.memory_space<hbm>>
        %dma_wait3A_482 = arith.constant 0 : i32
        %dma_wait3A_483 = arith.constant 0 : i32
        %dma_wait3A_484 = tpu.memref_slice %arg5[%dma_wait3A_477, %dma_wait3A_482, %dma_wait3A_483] : memref<4096x200x32xf32, #tpu.memory_space<hbm>> -> memref<1x200x32xf32, #tpu.memory_space<hbm>>
        %dma_wait3A_485 = tpu.memref_squeeze %dma_wait3A_484 : memref<1x200x32xf32, #tpu.memory_space<hbm>> -> memref<200x32xf32, #tpu.memory_space<hbm>>
        tpu.wait_dma2 semaphore(%arg30 : memref<!tpu.dma_semaphore, #tpu.memory_space<semaphore_mem>>) src(%arg13 : memref<200x32xf32, #tpu.memory_space<vmem>>) dst(%dma_wait3A_485 : memref<200x32xf32, #tpu.memory_space<hbm>>)
      } else {
      }
      %lt3A_304 = arith.constant 128 : i32
      %lt3A_305 = arith.cmpi slt, %add3A_295, %lt3A_304 : i32
      %convert_element_type3A_306 = arith.extui %lt3A_305 : i1 to i32
      %cond3A_307 = arith.constant 0 : i32
      %cond3A_308 = arith.cmpi ne, %convert_element_type3A_306, %cond3A_307 : i32
      scf.if %cond3A_308 {
        %mul3A_477 = arith.constant 2 : i32
        %mul3A_478 = arith.muli %add3A_295, %mul3A_477 : i32
        %add3A_479 = arith.constant 0 : i32
        %add3A_480 = arith.addi %mul3A_478, %add3A_479 : i32
        %dma_start3A_481 = arith.constant 0 : i32
        %dma_start3A_482 = arith.constant 0 : i32
        %dma_start3A_483 = tpu.memref_slice %arg13[%dma_start3A_481, %dma_start3A_482] : memref<200x32xf32, #tpu.memory_space<vmem>> -> memref<100x32xf32, #tpu.memory_space<vmem>>
        %dma_start3A_484 = arith.constant 0 : i32
        %dma_start3A_485 = tpu.memref_slice %arg6[%add3A_480, %dma_start3A_484] : memref<256x100xi32, #tpu.memory_space<vmem>> -> memref<1x100xi32, #tpu.memory_space<vmem>>
        %dma_start3A_486 = tpu.memref_squeeze %dma_start3A_485 : memref<1x100xi32, #tpu.memory_space<vmem>> -> memref<100xi32, #tpu.memory_space<vmem>>
        %dma_start3A_487 = arith.constant 0 : i32
        %dma_start3A_488 = arith.constant 0 : i32
        %dma_start3A_489 = tpu.memref_slice %arg3[%dma_start3A_487, %dma_start3A_488] : memref<100000x32xf32, #tpu.memory_space<hbm>> -> memref<100000x32xf32, #tpu.memory_space<hbm>>
        tpu.enqueue_indirect_dma source(%dma_start3A_489 : memref<100000x32xf32, #tpu.memory_space<hbm>>) target(%dma_start3A_483 : memref<100x32xf32, #tpu.memory_space<vmem>>) offsets(%dma_start3A_486 : memref<100xi32, #tpu.memory_space<vmem>>) semaphore(%arg22 : memref<!tpu.dma_semaphore, #tpu.memory_space<semaphore_mem>>)
        %mul3A_490 = arith.constant 2 : i32
        %mul3A_491 = arith.muli %add3A_295, %mul3A_490 : i32
        %add3A_492 = arith.constant 1 : i32
        %add3A_493 = arith.addi %mul3A_491, %add3A_492 : i32
        %dma_start3A_494 = arith.constant 100 : i32
        %dma_start3A_495 = arith.constant 0 : i32
        %dma_start3A_496 = tpu.memref_slice %arg13[%dma_start3A_494, %dma_start3A_495] : memref<200x32xf32, #tpu.memory_space<vmem>> -> memref<100x32xf32, #tpu.memory_space<vmem>>
        %dma_start3A_497 = arith.constant 0 : i32
        %dma_start3A_498 = tpu.memref_slice %arg6[%add3A_493, %dma_start3A_497] : memref<256x100xi32, #tpu.memory_space<vmem>> -> memref<1x100xi32, #tpu.memory_space<vmem>>
        %dma_start3A_499 = tpu.memref_squeeze %dma_start3A_498 : memref<1x100xi32, #tpu.memory_space<vmem>> -> memref<100xi32, #tpu.memory_space<vmem>>
        %dma_start3A_500 = arith.constant 0 : i32
        %dma_start3A_501 = arith.constant 0 : i32
        %dma_start3A_502 = tpu.memref_slice %arg3[%dma_start3A_500, %dma_start3A_501] : memref<100000x32xf32, #tpu.memory_space<hbm>> -> memref<100000x32xf32, #tpu.memory_space<hbm>>
        tpu.enqueue_indirect_dma source(%dma_start3A_502 : memref<100000x32xf32, #tpu.memory_space<hbm>>) target(%dma_start3A_496 : memref<100x32xf32, #tpu.memory_space<vmem>>) offsets(%dma_start3A_499 : memref<100xi32, #tpu.memory_space<vmem>>) semaphore(%arg22 : memref<!tpu.dma_semaphore, #tpu.memory_space<semaphore_mem>>)
      } else {
      }
      %add3A_309 = arith.constant 4 : i32
      %add3A_310 = arith.addi %mul3A_145, %add3A_309 : i32
      %dma_wait3A_311 = arith.constant 0 : i32
      %dma_wait3A_312 = arith.constant 0 : i32
      %dma_wait3A_313 = arith.constant 0 : i32
      %dma_wait3A_314 = tpu.memref_slice %arg5[%dma_wait3A_311, %dma_wait3A_312, %dma_wait3A_313] : memref<4096x200x32xf32, #tpu.memory_space<hbm>> -> memref<1x200x32xf32, #tpu.memory_space<hbm>>
      %dma_wait3A_315 = tpu.memref_squeeze %dma_wait3A_314 : memref<1x200x32xf32, #tpu.memory_space<hbm>> -> memref<200x32xf32, #tpu.memory_space<hbm>>
      %dma_wait3A_316 = arith.constant 0 : i32
      %dma_wait3A_317 = arith.constant 0 : i32
      %dma_wait3A_318 = tpu.memref_slice %arg5[%dma_wait3A_311, %dma_wait3A_316, %dma_wait3A_317] : memref<4096x200x32xf32, #tpu.memory_space<hbm>> -> memref<1x200x32xf32, #tpu.memory_space<hbm>>
      %dma_wait3A_319 = tpu.memref_squeeze %dma_wait3A_318 : memref<1x200x32xf32, #tpu.memory_space<hbm>> -> memref<200x32xf32, #tpu.memory_space<hbm>>
      tpu.wait_dma2 semaphore(%arg20 : memref<!tpu.dma_semaphore, #tpu.memory_space<semaphore_mem>>) src(%dma_wait3A_319 : memref<200x32xf32, #tpu.memory_space<hbm>>) dst(%arg11 : memref<200x32xf32, #tpu.memory_space<vmem>>)
      %scan3A_320 = arith.constant 0 : i32
      %scan3A_321 = arith.constant 200 : i32
      %scan3A_322 = arith.addi %scan3A_320, %scan3A_321 : i32
      %scan3A_323 = arith.constant 8 : i32
      scf.for %scan3A_477 = %scan3A_320 to %scan3A_322 step %scan3A_323  : i32 {
        %mul3A_478 = arith.constant 1 : i32
        %mul3A_479 = arith.muli %scan3A_477, %mul3A_478 : i32
        %add3A_480 = arith.constant 0 : i32
        %add3A_481 = arith.addi %add3A_480, %mul3A_479 : i32
        %get3A = arith.index_cast %add3A_481 : i32 to index
        %get3A_482 = arith.constant 0 : index
        %get3A_483 = tpu.vector_load %arg15[%get3A, %get3A_482] {strides = array<i32>} : memref<200x32xf32, #tpu.memory_space<vmem>>, vector<1x16xf32>,
        %get3A_484 = vector.shape_cast %get3A_483 : vector<1x16xf32> to vector<16xf32>
        %swap3A = arith.index_cast %add3A_481 : i32 to index
        %swap3A_485 = arith.constant 0 : index
        %swap3A_486 = tpu.vector_load %arg11[%swap3A, %swap3A_485] {strides = array<i32>} : memref<200x32xf32, #tpu.memory_space<vmem>>, vector<1x16xf32>,
        %swap3A_487 = vector.shape_cast %swap3A_486 : vector<1x16xf32> to vector<16xf32>
        %swap3A_488 = vector.shape_cast %get3A_484 : vector<16xf32> to vector<1x16xf32>
        tpu.vector_store %arg11[%swap3A, %swap3A_485], %swap3A_488 {add = true, strides = array<i32>} : memref<200x32xf32, #tpu.memory_space<vmem>>, vector<1x16xf32>,
        %get3A_489 = arith.index_cast %add3A_481 : i32 to index
        %get3A_490 = arith.constant 16 : index
        %get3A_491 = tpu.vector_load %arg15[%get3A_489, %get3A_490] {strides = array<i32>} : memref<200x32xf32, #tpu.memory_space<vmem>>, vector<1x16xf32>,
        %get3A_492 = vector.shape_cast %get3A_491 : vector<1x16xf32> to vector<16xf32>
        %swap3A_493 = arith.index_cast %add3A_481 : i32 to index
        %swap3A_494 = arith.constant 16 : index
        %swap3A_495 = tpu.vector_load %arg11[%swap3A_493, %swap3A_494] {strides = array<i32>} : memref<200x32xf32, #tpu.memory_space<vmem>>, vector<1x16xf32>,
        %swap3A_496 = vector.shape_cast %swap3A_495 : vector<1x16xf32> to vector<16xf32>
        %swap3A_497 = vector.shape_cast %get3A_492 : vector<16xf32> to vector<1x16xf32>
        tpu.vector_store %arg11[%swap3A_493, %swap3A_494], %swap3A_497 {add = true, strides = array<i32>} : memref<200x32xf32, #tpu.memory_space<vmem>>, vector<1x16xf32>,
        %scan3A_498 = arith.constant 1 : i32
        %scan3A_499 = arith.addi %scan3A_477, %scan3A_498 : i32
        %mul3A_500 = arith.constant 1 : i32
        %mul3A_501 = arith.muli %scan3A_499, %mul3A_500 : i32
        %add3A_502 = arith.constant 0 : i32
        %add3A_503 = arith.addi %add3A_502, %mul3A_501 : i32
        %get3A_504 = arith.index_cast %add3A_503 : i32 to index
        %get3A_505 = arith.constant 0 : index
        %get3A_506 = tpu.vector_load %arg15[%get3A_504, %get3A_505] {strides = array<i32>} : memref<200x32xf32, #tpu.memory_space<vmem>>, vector<1x16xf32>,
        %get3A_507 = vector.shape_cast %get3A_506 : vector<1x16xf32> to vector<16xf32>
        %swap3A_508 = arith.index_cast %add3A_503 : i32 to index
        %swap3A_509 = arith.constant 0 : index
        %swap3A_510 = tpu.vector_load %arg11[%swap3A_508, %swap3A_509] {strides = array<i32>} : memref<200x32xf32, #tpu.memory_space<vmem>>, vector<1x16xf32>,
        %swap3A_511 = vector.shape_cast %swap3A_510 : vector<1x16xf32> to vector<16xf32>
        %swap3A_512 = vector.shape_cast %get3A_507 : vector<16xf32> to vector<1x16xf32>
        tpu.vector_store %arg11[%swap3A_508, %swap3A_509], %swap3A_512 {add = true, strides = array<i32>} : memref<200x32xf32, #tpu.memory_space<vmem>>, vector<1x16xf32>,
        %get3A_513 = arith.index_cast %add3A_503 : i32 to index
        %get3A_514 = arith.constant 16 : index
        %get3A_515 = tpu.vector_load %arg15[%get3A_513, %get3A_514] {strides = array<i32>} : memref<200x32xf32, #tpu.memory_space<vmem>>, vector<1x16xf32>,
        %get3A_516 = vector.shape_cast %get3A_515 : vector<1x16xf32> to vector<16xf32>
        %swap3A_517 = arith.index_cast %add3A_503 : i32 to index
        %swap3A_518 = arith.constant 16 : index
        %swap3A_519 = tpu.vector_load %arg11[%swap3A_517, %swap3A_518] {strides = array<i32>} : memref<200x32xf32, #tpu.memory_space<vmem>>, vector<1x16xf32>,
        %swap3A_520 = vector.shape_cast %swap3A_519 : vector<1x16xf32> to vector<16xf32>
        %swap3A_521 = vector.shape_cast %get3A_516 : vector<16xf32> to vector<1x16xf32>
        tpu.vector_store %arg11[%swap3A_517, %swap3A_518], %swap3A_521 {add = true, strides = array<i32>} : memref<200x32xf32, #tpu.memory_space<vmem>>, vector<1x16xf32>,
        %scan3A_522 = arith.constant 2 : i32
        %scan3A_523 = arith.addi %scan3A_477, %scan3A_522 : i32
        %mul3A_524 = arith.constant 1 : i32
        %mul3A_525 = arith.muli %scan3A_523, %mul3A_524 : i32
        %add3A_526 = arith.constant 0 : i32
        %add3A_527 = arith.addi %add3A_526, %mul3A_525 : i32
        %get3A_528 = arith.index_cast %add3A_527 : i32 to index
        %get3A_529 = arith.constant 0 : index
        %get3A_530 = tpu.vector_load %arg15[%get3A_528, %get3A_529] {strides = array<i32>} : memref<200x32xf32, #tpu.memory_space<vmem>>, vector<1x16xf32>,
        %get3A_531 = vector.shape_cast %get3A_530 : vector<1x16xf32> to vector<16xf32>
        %swap3A_532 = arith.index_cast %add3A_527 : i32 to index
        %swap3A_533 = arith.constant 0 : index
        %swap3A_534 = tpu.vector_load %arg11[%swap3A_532, %swap3A_533] {strides = array<i32>} : memref<200x32xf32, #tpu.memory_space<vmem>>, vector<1x16xf32>,
        %swap3A_535 = vector.shape_cast %swap3A_534 : vector<1x16xf32> to vector<16xf32>
        %swap3A_536 = vector.shape_cast %get3A_531 : vector<16xf32> to vector<1x16xf32>
        tpu.vector_store %arg11[%swap3A_532, %swap3A_533], %swap3A_536 {add = true, strides = array<i32>} : memref<200x32xf32, #tpu.memory_space<vmem>>, vector<1x16xf32>,
        %get3A_537 = arith.index_cast %add3A_527 : i32 to index
        %get3A_538 = arith.constant 16 : index
        %get3A_539 = tpu.vector_load %arg15[%get3A_537, %get3A_538] {strides = array<i32>} : memref<200x32xf32, #tpu.memory_space<vmem>>, vector<1x16xf32>,
        %get3A_540 = vector.shape_cast %get3A_539 : vector<1x16xf32> to vector<16xf32>
        %swap3A_541 = arith.index_cast %add3A_527 : i32 to index
        %swap3A_542 = arith.constant 16 : index
        %swap3A_543 = tpu.vector_load %arg11[%swap3A_541, %swap3A_542] {strides = array<i32>} : memref<200x32xf32, #tpu.memory_space<vmem>>, vector<1x16xf32>,
        %swap3A_544 = vector.shape_cast %swap3A_543 : vector<1x16xf32> to vector<16xf32>
        %swap3A_545 = vector.shape_cast %get3A_540 : vector<16xf32> to vector<1x16xf32>
        tpu.vector_store %arg11[%swap3A_541, %swap3A_542], %swap3A_545 {add = true, strides = array<i32>} : memref<200x32xf32, #tpu.memory_space<vmem>>, vector<1x16xf32>,
        %scan3A_546 = arith.constant 3 : i32
        %scan3A_547 = arith.addi %scan3A_477, %scan3A_546 : i32
        %mul3A_548 = arith.constant 1 : i32
        %mul3A_549 = arith.muli %scan3A_547, %mul3A_548 : i32
        %add3A_550 = arith.constant 0 : i32
        %add3A_551 = arith.addi %add3A_550, %mul3A_549 : i32
        %get3A_552 = arith.index_cast %add3A_551 : i32 to index
        %get3A_553 = arith.constant 0 : index
        %get3A_554 = tpu.vector_load %arg15[%get3A_552, %get3A_553] {strides = array<i32>} : memref<200x32xf32, #tpu.memory_space<vmem>>, vector<1x16xf32>,
        %get3A_555 = vector.shape_cast %get3A_554 : vector<1x16xf32> to vector<16xf32>
        %swap3A_556 = arith.index_cast %add3A_551 : i32 to index
        %swap3A_557 = arith.constant 0 : index
        %swap3A_558 = tpu.vector_load %arg11[%swap3A_556, %swap3A_557] {strides = array<i32>} : memref<200x32xf32, #tpu.memory_space<vmem>>, vector<1x16xf32>,
        %swap3A_559 = vector.shape_cast %swap3A_558 : vector<1x16xf32> to vector<16xf32>
        %swap3A_560 = vector.shape_cast %get3A_555 : vector<16xf32> to vector<1x16xf32>
        tpu.vector_store %arg11[%swap3A_556, %swap3A_557], %swap3A_560 {add = true, strides = array<i32>} : memref<200x32xf32, #tpu.memory_space<vmem>>, vector<1x16xf32>,
        %get3A_561 = arith.index_cast %add3A_551 : i32 to index
        %get3A_562 = arith.constant 16 : index
        %get3A_563 = tpu.vector_load %arg15[%get3A_561, %get3A_562] {strides = array<i32>} : memref<200x32xf32, #tpu.memory_space<vmem>>, vector<1x16xf32>,
        %get3A_564 = vector.shape_cast %get3A_563 : vector<1x16xf32> to vector<16xf32>
        %swap3A_565 = arith.index_cast %add3A_551 : i32 to index
        %swap3A_566 = arith.constant 16 : index
        %swap3A_567 = tpu.vector_load %arg11[%swap3A_565, %swap3A_566] {strides = array<i32>} : memref<200x32xf32, #tpu.memory_space<vmem>>, vector<1x16xf32>,
        %swap3A_568 = vector.shape_cast %swap3A_567 : vector<1x16xf32> to vector<16xf32>
        %swap3A_569 = vector.shape_cast %get3A_564 : vector<16xf32> to vector<1x16xf32>
        tpu.vector_store %arg11[%swap3A_565, %swap3A_566], %swap3A_569 {add = true, strides = array<i32>} : memref<200x32xf32, #tpu.memory_space<vmem>>, vector<1x16xf32>,
        %scan3A_570 = arith.constant 4 : i32
        %scan3A_571 = arith.addi %scan3A_477, %scan3A_570 : i32
        %mul3A_572 = arith.constant 1 : i32
        %mul3A_573 = arith.muli %scan3A_571, %mul3A_572 : i32
        %add3A_574 = arith.constant 0 : i32
        %add3A_575 = arith.addi %add3A_574, %mul3A_573 : i32
        %get3A_576 = arith.index_cast %add3A_575 : i32 to index
        %get3A_577 = arith.constant 0 : index
        %get3A_578 = tpu.vector_load %arg15[%get3A_576, %get3A_577] {strides = array<i32>} : memref<200x32xf32, #tpu.memory_space<vmem>>, vector<1x16xf32>,
        %get3A_579 = vector.shape_cast %get3A_578 : vector<1x16xf32> to vector<16xf32>
        %swap3A_580 = arith.index_cast %add3A_575 : i32 to index
        %swap3A_581 = arith.constant 0 : index
        %swap3A_582 = tpu.vector_load %arg11[%swap3A_580, %swap3A_581] {strides = array<i32>} : memref<200x32xf32, #tpu.memory_space<vmem>>, vector<1x16xf32>,
        %swap3A_583 = vector.shape_cast %swap3A_582 : vector<1x16xf32> to vector<16xf32>
        %swap3A_584 = vector.shape_cast %get3A_579 : vector<16xf32> to vector<1x16xf32>
        tpu.vector_store %arg11[%swap3A_580, %swap3A_581], %swap3A_584 {add = true, strides = array<i32>} : memref<200x32xf32, #tpu.memory_space<vmem>>, vector<1x16xf32>,
        %get3A_585 = arith.index_cast %add3A_575 : i32 to index
        %get3A_586 = arith.constant 16 : index
        %get3A_587 = tpu.vector_load %arg15[%get3A_585, %get3A_586] {strides = array<i32>} : memref<200x32xf32, #tpu.memory_space<vmem>>, vector<1x16xf32>,
        %get3A_588 = vector.shape_cast %get3A_587 : vector<1x16xf32> to vector<16xf32>
        %swap3A_589 = arith.index_cast %add3A_575 : i32 to index
        %swap3A_590 = arith.constant 16 : index
        %swap3A_591 = tpu.vector_load %arg11[%swap3A_589, %swap3A_590] {strides = array<i32>} : memref<200x32xf32, #tpu.memory_space<vmem>>, vector<1x16xf32>,
        %swap3A_592 = vector.shape_cast %swap3A_591 : vector<1x16xf32> to vector<16xf32>
        %swap3A_593 = vector.shape_cast %get3A_588 : vector<16xf32> to vector<1x16xf32>
        tpu.vector_store %arg11[%swap3A_589, %swap3A_590], %swap3A_593 {add = true, strides = array<i32>} : memref<200x32xf32, #tpu.memory_space<vmem>>, vector<1x16xf32>,
        %scan3A_594 = arith.constant 5 : i32
        %scan3A_595 = arith.addi %scan3A_477, %scan3A_594 : i32
        %mul3A_596 = arith.constant 1 : i32
        %mul3A_597 = arith.muli %scan3A_595, %mul3A_596 : i32
        %add3A_598 = arith.constant 0 : i32
        %add3A_599 = arith.addi %add3A_598, %mul3A_597 : i32
        %get3A_600 = arith.index_cast %add3A_599 : i32 to index
        %get3A_601 = arith.constant 0 : index
        %get3A_602 = tpu.vector_load %arg15[%get3A_600, %get3A_601] {strides = array<i32>} : memref<200x32xf32, #tpu.memory_space<vmem>>, vector<1x16xf32>,
        %get3A_603 = vector.shape_cast %get3A_602 : vector<1x16xf32> to vector<16xf32>
        %swap3A_604 = arith.index_cast %add3A_599 : i32 to index
        %swap3A_605 = arith.constant 0 : index
        %swap3A_606 = tpu.vector_load %arg11[%swap3A_604, %swap3A_605] {strides = array<i32>} : memref<200x32xf32, #tpu.memory_space<vmem>>, vector<1x16xf32>,
        %swap3A_607 = vector.shape_cast %swap3A_606 : vector<1x16xf32> to vector<16xf32>
        %swap3A_608 = vector.shape_cast %get3A_603 : vector<16xf32> to vector<1x16xf32>
        tpu.vector_store %arg11[%swap3A_604, %swap3A_605], %swap3A_608 {add = true, strides = array<i32>} : memref<200x32xf32, #tpu.memory_space<vmem>>, vector<1x16xf32>,
        %get3A_609 = arith.index_cast %add3A_599 : i32 to index
        %get3A_610 = arith.constant 16 : index
        %get3A_611 = tpu.vector_load %arg15[%get3A_609, %get3A_610] {strides = array<i32>} : memref<200x32xf32, #tpu.memory_space<vmem>>, vector<1x16xf32>,
        %get3A_612 = vector.shape_cast %get3A_611 : vector<1x16xf32> to vector<16xf32>
        %swap3A_613 = arith.index_cast %add3A_599 : i32 to index
        %swap3A_614 = arith.constant 16 : index
        %swap3A_615 = tpu.vector_load %arg11[%swap3A_613, %swap3A_614] {strides = array<i32>} : memref<200x32xf32, #tpu.memory_space<vmem>>, vector<1x16xf32>,
        %swap3A_616 = vector.shape_cast %swap3A_615 : vector<1x16xf32> to vector<16xf32>
        %swap3A_617 = vector.shape_cast %get3A_612 : vector<16xf32> to vector<1x16xf32>
        tpu.vector_store %arg11[%swap3A_613, %swap3A_614], %swap3A_617 {add = true, strides = array<i32>} : memref<200x32xf32, #tpu.memory_space<vmem>>, vector<1x16xf32>,
        %scan3A_618 = arith.constant 6 : i32
        %scan3A_619 = arith.addi %scan3A_477, %scan3A_618 : i32
        %mul3A_620 = arith.constant 1 : i32
        %mul3A_621 = arith.muli %scan3A_619, %mul3A_620 : i32
        %add3A_622 = arith.constant 0 : i32
        %add3A_623 = arith.addi %add3A_622, %mul3A_621 : i32
        %get3A_624 = arith.index_cast %add3A_623 : i32 to index
        %get3A_625 = arith.constant 0 : index
        %get3A_626 = tpu.vector_load %arg15[%get3A_624, %get3A_625] {strides = array<i32>} : memref<200x32xf32, #tpu.memory_space<vmem>>, vector<1x16xf32>,
        %get3A_627 = vector.shape_cast %get3A_626 : vector<1x16xf32> to vector<16xf32>
        %swap3A_628 = arith.index_cast %add3A_623 : i32 to index
        %swap3A_629 = arith.constant 0 : index
        %swap3A_630 = tpu.vector_load %arg11[%swap3A_628, %swap3A_629] {strides = array<i32>} : memref<200x32xf32, #tpu.memory_space<vmem>>, vector<1x16xf32>,
        %swap3A_631 = vector.shape_cast %swap3A_630 : vector<1x16xf32> to vector<16xf32>
        %swap3A_632 = vector.shape_cast %get3A_627 : vector<16xf32> to vector<1x16xf32>
        tpu.vector_store %arg11[%swap3A_628, %swap3A_629], %swap3A_632 {add = true, strides = array<i32>} : memref<200x32xf32, #tpu.memory_space<vmem>>, vector<1x16xf32>,
        %get3A_633 = arith.index_cast %add3A_623 : i32 to index
        %get3A_634 = arith.constant 16 : index
        %get3A_635 = tpu.vector_load %arg15[%get3A_633, %get3A_634] {strides = array<i32>} : memref<200x32xf32, #tpu.memory_space<vmem>>, vector<1x16xf32>,
        %get3A_636 = vector.shape_cast %get3A_635 : vector<1x16xf32> to vector<16xf32>
        %swap3A_637 = arith.index_cast %add3A_623 : i32 to index
        %swap3A_638 = arith.constant 16 : index
        %swap3A_639 = tpu.vector_load %arg11[%swap3A_637, %swap3A_638] {strides = array<i32>} : memref<200x32xf32, #tpu.memory_space<vmem>>, vector<1x16xf32>,
        %swap3A_640 = vector.shape_cast %swap3A_639 : vector<1x16xf32> to vector<16xf32>
        %swap3A_641 = vector.shape_cast %get3A_636 : vector<16xf32> to vector<1x16xf32>
        tpu.vector_store %arg11[%swap3A_637, %swap3A_638], %swap3A_641 {add = true, strides = array<i32>} : memref<200x32xf32, #tpu.memory_space<vmem>>, vector<1x16xf32>,
        %scan3A_642 = arith.constant 7 : i32
        %scan3A_643 = arith.addi %scan3A_477, %scan3A_642 : i32
        %mul3A_644 = arith.constant 1 : i32
        %mul3A_645 = arith.muli %scan3A_643, %mul3A_644 : i32
        %add3A_646 = arith.constant 0 : i32
        %add3A_647 = arith.addi %add3A_646, %mul3A_645 : i32
        %get3A_648 = arith.index_cast %add3A_647 : i32 to index
        %get3A_649 = arith.constant 0 : index
        %get3A_650 = tpu.vector_load %arg15[%get3A_648, %get3A_649] {strides = array<i32>} : memref<200x32xf32, #tpu.memory_space<vmem>>, vector<1x16xf32>,
        %get3A_651 = vector.shape_cast %get3A_650 : vector<1x16xf32> to vector<16xf32>
        %swap3A_652 = arith.index_cast %add3A_647 : i32 to index
        %swap3A_653 = arith.constant 0 : index
        %swap3A_654 = tpu.vector_load %arg11[%swap3A_652, %swap3A_653] {strides = array<i32>} : memref<200x32xf32, #tpu.memory_space<vmem>>, vector<1x16xf32>,
        %swap3A_655 = vector.shape_cast %swap3A_654 : vector<1x16xf32> to vector<16xf32>
        %swap3A_656 = vector.shape_cast %get3A_651 : vector<16xf32> to vector<1x16xf32>
        tpu.vector_store %arg11[%swap3A_652, %swap3A_653], %swap3A_656 {add = true, strides = array<i32>} : memref<200x32xf32, #tpu.memory_space<vmem>>, vector<1x16xf32>,
        %get3A_657 = arith.index_cast %add3A_647 : i32 to index
        %get3A_658 = arith.constant 16 : index
        %get3A_659 = tpu.vector_load %arg15[%get3A_657, %get3A_658] {strides = array<i32>} : memref<200x32xf32, #tpu.memory_space<vmem>>, vector<1x16xf32>,
        %get3A_660 = vector.shape_cast %get3A_659 : vector<1x16xf32> to vector<16xf32>
        %swap3A_661 = arith.index_cast %add3A_647 : i32 to index
        %swap3A_662 = arith.constant 16 : index
        %swap3A_663 = tpu.vector_load %arg11[%swap3A_661, %swap3A_662] {strides = array<i32>} : memref<200x32xf32, #tpu.memory_space<vmem>>, vector<1x16xf32>,
        %swap3A_664 = vector.shape_cast %swap3A_663 : vector<1x16xf32> to vector<16xf32>
        %swap3A_665 = vector.shape_cast %get3A_660 : vector<16xf32> to vector<1x16xf32>
        tpu.vector_store %arg11[%swap3A_661, %swap3A_662], %swap3A_665 {add = true, strides = array<i32>} : memref<200x32xf32, #tpu.memory_space<vmem>>, vector<1x16xf32>,
      }
      %scan3A_324 = arith.constant 200 : i32
      %mul3A_325 = arith.constant 128 : i32
      %mul3A_326 = arith.muli %add3A, %mul3A_325 : i32
      %add3A_327 = arith.addi %mul3A_326, %add3A_310 : i32
      %dma_start3A_328 = arith.constant 0 : i32
      %dma_start3A_329 = arith.constant 0 : i32
      %dma_start3A_330 = tpu.memref_slice %arg5[%add3A_327, %dma_start3A_328, %dma_start3A_329] : memref<4096x200x32xf32, #tpu.memory_space<hbm>> -> memref<1x200x32xf32, #tpu.memory_space<hbm>>
      %dma_start3A_331 = tpu.memref_squeeze %dma_start3A_330 : memref<1x200x32xf32, #tpu.memory_space<hbm>> -> memref<200x32xf32, #tpu.memory_space<hbm>>
      %dma_start3A_332 = arith.constant 0 : i32
      %dma_start3A_333 = arith.constant 0 : i32
      %dma_start3A_334 = tpu.memref_slice %arg5[%add3A_327, %dma_start3A_332, %dma_start3A_333] : memref<4096x200x32xf32, #tpu.memory_space<hbm>> -> memref<1x200x32xf32, #tpu.memory_space<hbm>>
      %dma_start3A_335 = tpu.memref_squeeze %dma_start3A_334 : memref<1x200x32xf32, #tpu.memory_space<hbm>> -> memref<200x32xf32, #tpu.memory_space<hbm>>
      tpu.enqueue_dma source(%arg11 : memref<200x32xf32, #tpu.memory_space<vmem>>) target(%dma_start3A_335 : memref<200x32xf32, #tpu.memory_space<hbm>>) target_semaphore(%arg28 : memref<!tpu.dma_semaphore, #tpu.memory_space<semaphore_mem>>)
      %add3A_336 = arith.constant 3 : i32
      %add3A_337 = arith.addi %add3A_310, %add3A_336 : i32
      %ge3A_338 = arith.constant 8 : i32
      %ge3A_339 = arith.cmpi sge, %add3A_337, %ge3A_338 : i32
      %lt3A_340 = arith.constant 128 : i32
      %lt3A_341 = arith.cmpi slt, %add3A_337, %lt3A_340 : i32
      %and3A_342 = arith.andi %ge3A_339, %lt3A_341 : i1
      %convert_element_type3A_343 = arith.extui %and3A_342 : i1 to i32
      %cond3A_344 = arith.constant 0 : i32
      %cond3A_345 = arith.cmpi ne, %convert_element_type3A_343, %cond3A_344 : i32
      scf.if %cond3A_345 {
        %dma_wait3A_477 = arith.constant 0 : i32
        %dma_wait3A_478 = arith.constant 0 : i32
        %dma_wait3A_479 = arith.constant 0 : i32
        %dma_wait3A_480 = tpu.memref_slice %arg5[%dma_wait3A_477, %dma_wait3A_478, %dma_wait3A_479] : memref<4096x200x32xf32, #tpu.memory_space<hbm>> -> memref<1x200x32xf32, #tpu.memory_space<hbm>>
        %dma_wait3A_481 = tpu.memref_squeeze %dma_wait3A_480 : memref<1x200x32xf32, #tpu.memory_space<hbm>> -> memref<200x32xf32, #tpu.memory_space<hbm>>
        %dma_wait3A_482 = arith.constant 0 : i32
        %dma_wait3A_483 = arith.constant 0 : i32
        %dma_wait3A_484 = tpu.memref_slice %arg5[%dma_wait3A_477, %dma_wait3A_482, %dma_wait3A_483] : memref<4096x200x32xf32, #tpu.memory_space<hbm>> -> memref<1x200x32xf32, #tpu.memory_space<hbm>>
        %dma_wait3A_485 = tpu.memref_squeeze %dma_wait3A_484 : memref<1x200x32xf32, #tpu.memory_space<hbm>> -> memref<200x32xf32, #tpu.memory_space<hbm>>
        tpu.wait_dma2 semaphore(%arg31 : memref<!tpu.dma_semaphore, #tpu.memory_space<semaphore_mem>>) src(%arg14 : memref<200x32xf32, #tpu.memory_space<vmem>>) dst(%dma_wait3A_485 : memref<200x32xf32, #tpu.memory_space<hbm>>)
      } else {
      }
      %lt3A_346 = arith.constant 128 : i32
      %lt3A_347 = arith.cmpi slt, %add3A_337, %lt3A_346 : i32
      %convert_element_type3A_348 = arith.extui %lt3A_347 : i1 to i32
      %cond3A_349 = arith.constant 0 : i32
      %cond3A_350 = arith.cmpi ne, %convert_element_type3A_348, %cond3A_349 : i32
      scf.if %cond3A_350 {
        %mul3A_477 = arith.constant 2 : i32
        %mul3A_478 = arith.muli %add3A_337, %mul3A_477 : i32
        %add3A_479 = arith.constant 0 : i32
        %add3A_480 = arith.addi %mul3A_478, %add3A_479 : i32
        %dma_start3A_481 = arith.constant 0 : i32
        %dma_start3A_482 = arith.constant 0 : i32
        %dma_start3A_483 = tpu.memref_slice %arg14[%dma_start3A_481, %dma_start3A_482] : memref<200x32xf32, #tpu.memory_space<vmem>> -> memref<100x32xf32, #tpu.memory_space<vmem>>
        %dma_start3A_484 = arith.constant 0 : i32
        %dma_start3A_485 = tpu.memref_slice %arg6[%add3A_480, %dma_start3A_484] : memref<256x100xi32, #tpu.memory_space<vmem>> -> memref<1x100xi32, #tpu.memory_space<vmem>>
        %dma_start3A_486 = tpu.memref_squeeze %dma_start3A_485 : memref<1x100xi32, #tpu.memory_space<vmem>> -> memref<100xi32, #tpu.memory_space<vmem>>
        %dma_start3A_487 = arith.constant 0 : i32
        %dma_start3A_488 = arith.constant 0 : i32
        %dma_start3A_489 = tpu.memref_slice %arg3[%dma_start3A_487, %dma_start3A_488] : memref<100000x32xf32, #tpu.memory_space<hbm>> -> memref<100000x32xf32, #tpu.memory_space<hbm>>
        tpu.enqueue_indirect_dma source(%dma_start3A_489 : memref<100000x32xf32, #tpu.memory_space<hbm>>) target(%dma_start3A_483 : memref<100x32xf32, #tpu.memory_space<vmem>>) offsets(%dma_start3A_486 : memref<100xi32, #tpu.memory_space<vmem>>) semaphore(%arg23 : memref<!tpu.dma_semaphore, #tpu.memory_space<semaphore_mem>>)
        %mul3A_490 = arith.constant 2 : i32
        %mul3A_491 = arith.muli %add3A_337, %mul3A_490 : i32
        %add3A_492 = arith.constant 1 : i32
        %add3A_493 = arith.addi %mul3A_491, %add3A_492 : i32
        %dma_start3A_494 = arith.constant 100 : i32
        %dma_start3A_495 = arith.constant 0 : i32
        %dma_start3A_496 = tpu.memref_slice %arg14[%dma_start3A_494, %dma_start3A_495] : memref<200x32xf32, #tpu.memory_space<vmem>> -> memref<100x32xf32, #tpu.memory_space<vmem>>
        %dma_start3A_497 = arith.constant 0 : i32
        %dma_start3A_498 = tpu.memref_slice %arg6[%add3A_493, %dma_start3A_497] : memref<256x100xi32, #tpu.memory_space<vmem>> -> memref<1x100xi32, #tpu.memory_space<vmem>>
        %dma_start3A_499 = tpu.memref_squeeze %dma_start3A_498 : memref<1x100xi32, #tpu.memory_space<vmem>> -> memref<100xi32, #tpu.memory_space<vmem>>
        %dma_start3A_500 = arith.constant 0 : i32
        %dma_start3A_501 = arith.constant 0 : i32
        %dma_start3A_502 = tpu.memref_slice %arg3[%dma_start3A_500, %dma_start3A_501] : memref<100000x32xf32, #tpu.memory_space<hbm>> -> memref<100000x32xf32, #tpu.memory_space<hbm>>
        tpu.enqueue_indirect_dma source(%dma_start3A_502 : memref<100000x32xf32, #tpu.memory_space<hbm>>) target(%dma_start3A_496 : memref<100x32xf32, #tpu.memory_space<vmem>>) offsets(%dma_start3A_499 : memref<100xi32, #tpu.memory_space<vmem>>) semaphore(%arg23 : memref<!tpu.dma_semaphore, #tpu.memory_space<semaphore_mem>>)
      } else {
      }
      %add3A_351 = arith.constant 5 : i32
      %add3A_352 = arith.addi %mul3A_145, %add3A_351 : i32
      %dma_wait3A_353 = arith.constant 0 : i32
      %dma_wait3A_354 = arith.constant 0 : i32
      %dma_wait3A_355 = arith.constant 0 : i32
      %dma_wait3A_356 = tpu.memref_slice %arg5[%dma_wait3A_353, %dma_wait3A_354, %dma_wait3A_355] : memref<4096x200x32xf32, #tpu.memory_space<hbm>> -> memref<1x200x32xf32, #tpu.memory_space<hbm>>
      %dma_wait3A_357 = tpu.memref_squeeze %dma_wait3A_356 : memref<1x200x32xf32, #tpu.memory_space<hbm>> -> memref<200x32xf32, #tpu.memory_space<hbm>>
      %dma_wait3A_358 = arith.constant 0 : i32
      %dma_wait3A_359 = arith.constant 0 : i32
      %dma_wait3A_360 = tpu.memref_slice %arg5[%dma_wait3A_353, %dma_wait3A_358, %dma_wait3A_359] : memref<4096x200x32xf32, #tpu.memory_space<hbm>> -> memref<1x200x32xf32, #tpu.memory_space<hbm>>
      %dma_wait3A_361 = tpu.memref_squeeze %dma_wait3A_360 : memref<1x200x32xf32, #tpu.memory_space<hbm>> -> memref<200x32xf32, #tpu.memory_space<hbm>>
      tpu.wait_dma2 semaphore(%arg21 : memref<!tpu.dma_semaphore, #tpu.memory_space<semaphore_mem>>) src(%dma_wait3A_361 : memref<200x32xf32, #tpu.memory_space<hbm>>) dst(%arg12 : memref<200x32xf32, #tpu.memory_space<vmem>>)
      %scan3A_362 = arith.constant 0 : i32
      %scan3A_363 = arith.constant 200 : i32
      %scan3A_364 = arith.addi %scan3A_362, %scan3A_363 : i32
      %scan3A_365 = arith.constant 8 : i32
      scf.for %scan3A_477 = %scan3A_362 to %scan3A_364 step %scan3A_365  : i32 {
        %mul3A_478 = arith.constant 1 : i32
        %mul3A_479 = arith.muli %scan3A_477, %mul3A_478 : i32
        %add3A_480 = arith.constant 0 : i32
        %add3A_481 = arith.addi %add3A_480, %mul3A_479 : i32
        %get3A = arith.index_cast %add3A_481 : i32 to index
        %get3A_482 = arith.constant 0 : index
        %get3A_483 = tpu.vector_load %arg15[%get3A, %get3A_482] {strides = array<i32>} : memref<200x32xf32, #tpu.memory_space<vmem>>, vector<1x16xf32>,
        %get3A_484 = vector.shape_cast %get3A_483 : vector<1x16xf32> to vector<16xf32>
        %swap3A = arith.index_cast %add3A_481 : i32 to index
        %swap3A_485 = arith.constant 0 : index
        %swap3A_486 = tpu.vector_load %arg12[%swap3A, %swap3A_485] {strides = array<i32>} : memref<200x32xf32, #tpu.memory_space<vmem>>, vector<1x16xf32>,
        %swap3A_487 = vector.shape_cast %swap3A_486 : vector<1x16xf32> to vector<16xf32>
        %swap3A_488 = vector.shape_cast %get3A_484 : vector<16xf32> to vector<1x16xf32>
        tpu.vector_store %arg12[%swap3A, %swap3A_485], %swap3A_488 {add = true, strides = array<i32>} : memref<200x32xf32, #tpu.memory_space<vmem>>, vector<1x16xf32>,
        %get3A_489 = arith.index_cast %add3A_481 : i32 to index
        %get3A_490 = arith.constant 16 : index
        %get3A_491 = tpu.vector_load %arg15[%get3A_489, %get3A_490] {strides = array<i32>} : memref<200x32xf32, #tpu.memory_space<vmem>>, vector<1x16xf32>,
        %get3A_492 = vector.shape_cast %get3A_491 : vector<1x16xf32> to vector<16xf32>
        %swap3A_493 = arith.index_cast %add3A_481 : i32 to index
        %swap3A_494 = arith.constant 16 : index
        %swap3A_495 = tpu.vector_load %arg12[%swap3A_493, %swap3A_494] {strides = array<i32>} : memref<200x32xf32, #tpu.memory_space<vmem>>, vector<1x16xf32>,
        %swap3A_496 = vector.shape_cast %swap3A_495 : vector<1x16xf32> to vector<16xf32>
        %swap3A_497 = vector.shape_cast %get3A_492 : vector<16xf32> to vector<1x16xf32>
        tpu.vector_store %arg12[%swap3A_493, %swap3A_494], %swap3A_497 {add = true, strides = array<i32>} : memref<200x32xf32, #tpu.memory_space<vmem>>, vector<1x16xf32>,
        %scan3A_498 = arith.constant 1 : i32
        %scan3A_499 = arith.addi %scan3A_477, %scan3A_498 : i32
        %mul3A_500 = arith.constant 1 : i32
        %mul3A_501 = arith.muli %scan3A_499, %mul3A_500 : i32
        %add3A_502 = arith.constant 0 : i32
        %add3A_503 = arith.addi %add3A_502, %mul3A_501 : i32
        %get3A_504 = arith.index_cast %add3A_503 : i32 to index
        %get3A_505 = arith.constant 0 : index
        %get3A_506 = tpu.vector_load %arg15[%get3A_504, %get3A_505] {strides = array<i32>} : memref<200x32xf32, #tpu.memory_space<vmem>>, vector<1x16xf32>,
        %get3A_507 = vector.shape_cast %get3A_506 : vector<1x16xf32> to vector<16xf32>
        %swap3A_508 = arith.index_cast %add3A_503 : i32 to index
        %swap3A_509 = arith.constant 0 : index
        %swap3A_510 = tpu.vector_load %arg12[%swap3A_508, %swap3A_509] {strides = array<i32>} : memref<200x32xf32, #tpu.memory_space<vmem>>, vector<1x16xf32>,
        %swap3A_511 = vector.shape_cast %swap3A_510 : vector<1x16xf32> to vector<16xf32>
        %swap3A_512 = vector.shape_cast %get3A_507 : vector<16xf32> to vector<1x16xf32>
        tpu.vector_store %arg12[%swap3A_508, %swap3A_509], %swap3A_512 {add = true, strides = array<i32>} : memref<200x32xf32, #tpu.memory_space<vmem>>, vector<1x16xf32>,
        %get3A_513 = arith.index_cast %add3A_503 : i32 to index
        %get3A_514 = arith.constant 16 : index
        %get3A_515 = tpu.vector_load %arg15[%get3A_513, %get3A_514] {strides = array<i32>} : memref<200x32xf32, #tpu.memory_space<vmem>>, vector<1x16xf32>,
        %get3A_516 = vector.shape_cast %get3A_515 : vector<1x16xf32> to vector<16xf32>
        %swap3A_517 = arith.index_cast %add3A_503 : i32 to index
        %swap3A_518 = arith.constant 16 : index
        %swap3A_519 = tpu.vector_load %arg12[%swap3A_517, %swap3A_518] {strides = array<i32>} : memref<200x32xf32, #tpu.memory_space<vmem>>, vector<1x16xf32>,
        %swap3A_520 = vector.shape_cast %swap3A_519 : vector<1x16xf32> to vector<16xf32>
        %swap3A_521 = vector.shape_cast %get3A_516 : vector<16xf32> to vector<1x16xf32>
        tpu.vector_store %arg12[%swap3A_517, %swap3A_518], %swap3A_521 {add = true, strides = array<i32>} : memref<200x32xf32, #tpu.memory_space<vmem>>, vector<1x16xf32>,
        %scan3A_522 = arith.constant 2 : i32
        %scan3A_523 = arith.addi %scan3A_477, %scan3A_522 : i32
        %mul3A_524 = arith.constant 1 : i32
        %mul3A_525 = arith.muli %scan3A_523, %mul3A_524 : i32
        %add3A_526 = arith.constant 0 : i32
        %add3A_527 = arith.addi %add3A_526, %mul3A_525 : i32
        %get3A_528 = arith.index_cast %add3A_527 : i32 to index
        %get3A_529 = arith.constant 0 : index
        %get3A_530 = tpu.vector_load %arg15[%get3A_528, %get3A_529] {strides = array<i32>} : memref<200x32xf32, #tpu.memory_space<vmem>>, vector<1x16xf32>,
        %get3A_531 = vector.shape_cast %get3A_530 : vector<1x16xf32> to vector<16xf32>
        %swap3A_532 = arith.index_cast %add3A_527 : i32 to index
        %swap3A_533 = arith.constant 0 : index
        %swap3A_534 = tpu.vector_load %arg12[%swap3A_532, %swap3A_533] {strides = array<i32>} : memref<200x32xf32, #tpu.memory_space<vmem>>, vector<1x16xf32>,
        %swap3A_535 = vector.shape_cast %swap3A_534 : vector<1x16xf32> to vector<16xf32>
        %swap3A_536 = vector.shape_cast %get3A_531 : vector<16xf32> to vector<1x16xf32>
        tpu.vector_store %arg12[%swap3A_532, %swap3A_533], %swap3A_536 {add = true, strides = array<i32>} : memref<200x32xf32, #tpu.memory_space<vmem>>, vector<1x16xf32>,
        %get3A_537 = arith.index_cast %add3A_527 : i32 to index
        %get3A_538 = arith.constant 16 : index
        %get3A_539 = tpu.vector_load %arg15[%get3A_537, %get3A_538] {strides = array<i32>} : memref<200x32xf32, #tpu.memory_space<vmem>>, vector<1x16xf32>,
        %get3A_540 = vector.shape_cast %get3A_539 : vector<1x16xf32> to vector<16xf32>
        %swap3A_541 = arith.index_cast %add3A_527 : i32 to index
        %swap3A_542 = arith.constant 16 : index
        %swap3A_543 = tpu.vector_load %arg12[%swap3A_541, %swap3A_542] {strides = array<i32>} : memref<200x32xf32, #tpu.memory_space<vmem>>, vector<1x16xf32>,
        %swap3A_544 = vector.shape_cast %swap3A_543 : vector<1x16xf32> to vector<16xf32>
        %swap3A_545 = vector.shape_cast %get3A_540 : vector<16xf32> to vector<1x16xf32>
        tpu.vector_store %arg12[%swap3A_541, %swap3A_542], %swap3A_545 {add = true, strides = array<i32>} : memref<200x32xf32, #tpu.memory_space<vmem>>, vector<1x16xf32>,
        %scan3A_546 = arith.constant 3 : i32
        %scan3A_547 = arith.addi %scan3A_477, %scan3A_546 : i32
        %mul3A_548 = arith.constant 1 : i32
        %mul3A_549 = arith.muli %scan3A_547, %mul3A_548 : i32
        %add3A_550 = arith.constant 0 : i32
        %add3A_551 = arith.addi %add3A_550, %mul3A_549 : i32
        %get3A_552 = arith.index_cast %add3A_551 : i32 to index
        %get3A_553 = arith.constant 0 : index
        %get3A_554 = tpu.vector_load %arg15[%get3A_552, %get3A_553] {strides = array<i32>} : memref<200x32xf32, #tpu.memory_space<vmem>>, vector<1x16xf32>,
        %get3A_555 = vector.shape_cast %get3A_554 : vector<1x16xf32> to vector<16xf32>
        %swap3A_556 = arith.index_cast %add3A_551 : i32 to index
        %swap3A_557 = arith.constant 0 : index
        %swap3A_558 = tpu.vector_load %arg12[%swap3A_556, %swap3A_557] {strides = array<i32>} : memref<200x32xf32, #tpu.memory_space<vmem>>, vector<1x16xf32>,
        %swap3A_559 = vector.shape_cast %swap3A_558 : vector<1x16xf32> to vector<16xf32>
        %swap3A_560 = vector.shape_cast %get3A_555 : vector<16xf32> to vector<1x16xf32>
        tpu.vector_store %arg12[%swap3A_556, %swap3A_557], %swap3A_560 {add = true, strides = array<i32>} : memref<200x32xf32, #tpu.memory_space<vmem>>, vector<1x16xf32>,
        %get3A_561 = arith.index_cast %add3A_551 : i32 to index
        %get3A_562 = arith.constant 16 : index
        %get3A_563 = tpu.vector_load %arg15[%get3A_561, %get3A_562] {strides = array<i32>} : memref<200x32xf32, #tpu.memory_space<vmem>>, vector<1x16xf32>,
        %get3A_564 = vector.shape_cast %get3A_563 : vector<1x16xf32> to vector<16xf32>
        %swap3A_565 = arith.index_cast %add3A_551 : i32 to index
        %swap3A_566 = arith.constant 16 : index
        %swap3A_567 = tpu.vector_load %arg12[%swap3A_565, %swap3A_566] {strides = array<i32>} : memref<200x32xf32, #tpu.memory_space<vmem>>, vector<1x16xf32>,
        %swap3A_568 = vector.shape_cast %swap3A_567 : vector<1x16xf32> to vector<16xf32>
        %swap3A_569 = vector.shape_cast %get3A_564 : vector<16xf32> to vector<1x16xf32>
        tpu.vector_store %arg12[%swap3A_565, %swap3A_566], %swap3A_569 {add = true, strides = array<i32>} : memref<200x32xf32, #tpu.memory_space<vmem>>, vector<1x16xf32>,
        %scan3A_570 = arith.constant 4 : i32
        %scan3A_571 = arith.addi %scan3A_477, %scan3A_570 : i32
        %mul3A_572 = arith.constant 1 : i32
        %mul3A_573 = arith.muli %scan3A_571, %mul3A_572 : i32
        %add3A_574 = arith.constant 0 : i32
        %add3A_575 = arith.addi %add3A_574, %mul3A_573 : i32
        %get3A_576 = arith.index_cast %add3A_575 : i32 to index
        %get3A_577 = arith.constant 0 : index
        %get3A_578 = tpu.vector_load %arg15[%get3A_576, %get3A_577] {strides = array<i32>} : memref<200x32xf32, #tpu.memory_space<vmem>>, vector<1x16xf32>,
        %get3A_579 = vector.shape_cast %get3A_578 : vector<1x16xf32> to vector<16xf32>
        %swap3A_580 = arith.index_cast %add3A_575 : i32 to index
        %swap3A_581 = arith.constant 0 : index
        %swap3A_582 = tpu.vector_load %arg12[%swap3A_580, %swap3A_581] {strides = array<i32>} : memref<200x32xf32, #tpu.memory_space<vmem>>, vector<1x16xf32>,
        %swap3A_583 = vector.shape_cast %swap3A_582 : vector<1x16xf32> to vector<16xf32>
        %swap3A_584 = vector.shape_cast %get3A_579 : vector<16xf32> to vector<1x16xf32>
        tpu.vector_store %arg12[%swap3A_580, %swap3A_581], %swap3A_584 {add = true, strides = array<i32>} : memref<200x32xf32, #tpu.memory_space<vmem>>, vector<1x16xf32>,
        %get3A_585 = arith.index_cast %add3A_575 : i32 to index
        %get3A_586 = arith.constant 16 : index
        %get3A_587 = tpu.vector_load %arg15[%get3A_585, %get3A_586] {strides = array<i32>} : memref<200x32xf32, #tpu.memory_space<vmem>>, vector<1x16xf32>,
        %get3A_588 = vector.shape_cast %get3A_587 : vector<1x16xf32> to vector<16xf32>
        %swap3A_589 = arith.index_cast %add3A_575 : i32 to index
        %swap3A_590 = arith.constant 16 : index
        %swap3A_591 = tpu.vector_load %arg12[%swap3A_589, %swap3A_590] {strides = array<i32>} : memref<200x32xf32, #tpu.memory_space<vmem>>, vector<1x16xf32>,
        %swap3A_592 = vector.shape_cast %swap3A_591 : vector<1x16xf32> to vector<16xf32>
        %swap3A_593 = vector.shape_cast %get3A_588 : vector<16xf32> to vector<1x16xf32>
        tpu.vector_store %arg12[%swap3A_589, %swap3A_590], %swap3A_593 {add = true, strides = array<i32>} : memref<200x32xf32, #tpu.memory_space<vmem>>, vector<1x16xf32>,
        %scan3A_594 = arith.constant 5 : i32
        %scan3A_595 = arith.addi %scan3A_477, %scan3A_594 : i32
        %mul3A_596 = arith.constant 1 : i32
        %mul3A_597 = arith.muli %scan3A_595, %mul3A_596 : i32
        %add3A_598 = arith.constant 0 : i32
        %add3A_599 = arith.addi %add3A_598, %mul3A_597 : i32
        %get3A_600 = arith.index_cast %add3A_599 : i32 to index
        %get3A_601 = arith.constant 0 : index
        %get3A_602 = tpu.vector_load %arg15[%get3A_600, %get3A_601] {strides = array<i32>} : memref<200x32xf32, #tpu.memory_space<vmem>>, vector<1x16xf32>,
        %get3A_603 = vector.shape_cast %get3A_602 : vector<1x16xf32> to vector<16xf32>
        %swap3A_604 = arith.index_cast %add3A_599 : i32 to index
        %swap3A_605 = arith.constant 0 : index
        %swap3A_606 = tpu.vector_load %arg12[%swap3A_604, %swap3A_605] {strides = array<i32>} : memref<200x32xf32, #tpu.memory_space<vmem>>, vector<1x16xf32>,
        %swap3A_607 = vector.shape_cast %swap3A_606 : vector<1x16xf32> to vector<16xf32>
        %swap3A_608 = vector.shape_cast %get3A_603 : vector<16xf32> to vector<1x16xf32>
        tpu.vector_store %arg12[%swap3A_604, %swap3A_605], %swap3A_608 {add = true, strides = array<i32>} : memref<200x32xf32, #tpu.memory_space<vmem>>, vector<1x16xf32>,
        %get3A_609 = arith.index_cast %add3A_599 : i32 to index
        %get3A_610 = arith.constant 16 : index
        %get3A_611 = tpu.vector_load %arg15[%get3A_609, %get3A_610] {strides = array<i32>} : memref<200x32xf32, #tpu.memory_space<vmem>>, vector<1x16xf32>,
        %get3A_612 = vector.shape_cast %get3A_611 : vector<1x16xf32> to vector<16xf32>
        %swap3A_613 = arith.index_cast %add3A_599 : i32 to index
        %swap3A_614 = arith.constant 16 : index
        %swap3A_615 = tpu.vector_load %arg12[%swap3A_613, %swap3A_614] {strides = array<i32>} : memref<200x32xf32, #tpu.memory_space<vmem>>, vector<1x16xf32>,
        %swap3A_616 = vector.shape_cast %swap3A_615 : vector<1x16xf32> to vector<16xf32>
        %swap3A_617 = vector.shape_cast %get3A_612 : vector<16xf32> to vector<1x16xf32>
        tpu.vector_store %arg12[%swap3A_613, %swap3A_614], %swap3A_617 {add = true, strides = array<i32>} : memref<200x32xf32, #tpu.memory_space<vmem>>, vector<1x16xf32>,
        %scan3A_618 = arith.constant 6 : i32
        %scan3A_619 = arith.addi %scan3A_477, %scan3A_618 : i32
        %mul3A_620 = arith.constant 1 : i32
        %mul3A_621 = arith.muli %scan3A_619, %mul3A_620 : i32
        %add3A_622 = arith.constant 0 : i32
        %add3A_623 = arith.addi %add3A_622, %mul3A_621 : i32
        %get3A_624 = arith.index_cast %add3A_623 : i32 to index
        %get3A_625 = arith.constant 0 : index
        %get3A_626 = tpu.vector_load %arg15[%get3A_624, %get3A_625] {strides = array<i32>} : memref<200x32xf32, #tpu.memory_space<vmem>>, vector<1x16xf32>,
        %get3A_627 = vector.shape_cast %get3A_626 : vector<1x16xf32> to vector<16xf32>
        %swap3A_628 = arith.index_cast %add3A_623 : i32 to index
        %swap3A_629 = arith.constant 0 : index
        %swap3A_630 = tpu.vector_load %arg12[%swap3A_628, %swap3A_629] {strides = array<i32>} : memref<200x32xf32, #tpu.memory_space<vmem>>, vector<1x16xf32>,
        %swap3A_631 = vector.shape_cast %swap3A_630 : vector<1x16xf32> to vector<16xf32>
        %swap3A_632 = vector.shape_cast %get3A_627 : vector<16xf32> to vector<1x16xf32>
        tpu.vector_store %arg12[%swap3A_628, %swap3A_629], %swap3A_632 {add = true, strides = array<i32>} : memref<200x32xf32, #tpu.memory_space<vmem>>, vector<1x16xf32>,
        %get3A_633 = arith.index_cast %add3A_623 : i32 to index
        %get3A_634 = arith.constant 16 : index
        %get3A_635 = tpu.vector_load %arg15[%get3A_633, %get3A_634] {strides = array<i32>} : memref<200x32xf32, #tpu.memory_space<vmem>>, vector<1x16xf32>,
        %get3A_636 = vector.shape_cast %get3A_635 : vector<1x16xf32> to vector<16xf32>
        %swap3A_637 = arith.index_cast %add3A_623 : i32 to index
        %swap3A_638 = arith.constant 16 : index
        %swap3A_639 = tpu.vector_load %arg12[%swap3A_637, %swap3A_638] {strides = array<i32>} : memref<200x32xf32, #tpu.memory_space<vmem>>, vector<1x16xf32>,
        %swap3A_640 = vector.shape_cast %swap3A_639 : vector<1x16xf32> to vector<16xf32>
        %swap3A_641 = vector.shape_cast %get3A_636 : vector<16xf32> to vector<1x16xf32>
        tpu.vector_store %arg12[%swap3A_637, %swap3A_638], %swap3A_641 {add = true, strides = array<i32>} : memref<200x32xf32, #tpu.memory_space<vmem>>, vector<1x16xf32>,
        %scan3A_642 = arith.constant 7 : i32
        %scan3A_643 = arith.addi %scan3A_477, %scan3A_642 : i32
        %mul3A_644 = arith.constant 1 : i32
        %mul3A_645 = arith.muli %scan3A_643, %mul3A_644 : i32
        %add3A_646 = arith.constant 0 : i32
        %add3A_647 = arith.addi %add3A_646, %mul3A_645 : i32
        %get3A_648 = arith.index_cast %add3A_647 : i32 to index
        %get3A_649 = arith.constant 0 : index
        %get3A_650 = tpu.vector_load %arg15[%get3A_648, %get3A_649] {strides = array<i32>} : memref<200x32xf32, #tpu.memory_space<vmem>>, vector<1x16xf32>,
        %get3A_651 = vector.shape_cast %get3A_650 : vector<1x16xf32> to vector<16xf32>
        %swap3A_652 = arith.index_cast %add3A_647 : i32 to index
        %swap3A_653 = arith.constant 0 : index
        %swap3A_654 = tpu.vector_load %arg12[%swap3A_652, %swap3A_653] {strides = array<i32>} : memref<200x32xf32, #tpu.memory_space<vmem>>, vector<1x16xf32>,
        %swap3A_655 = vector.shape_cast %swap3A_654 : vector<1x16xf32> to vector<16xf32>
        %swap3A_656 = vector.shape_cast %get3A_651 : vector<16xf32> to vector<1x16xf32>
        tpu.vector_store %arg12[%swap3A_652, %swap3A_653], %swap3A_656 {add = true, strides = array<i32>} : memref<200x32xf32, #tpu.memory_space<vmem>>, vector<1x16xf32>,
        %get3A_657 = arith.index_cast %add3A_647 : i32 to index
        %get3A_658 = arith.constant 16 : index
        %get3A_659 = tpu.vector_load %arg15[%get3A_657, %get3A_658] {strides = array<i32>} : memref<200x32xf32, #tpu.memory_space<vmem>>, vector<1x16xf32>,
        %get3A_660 = vector.shape_cast %get3A_659 : vector<1x16xf32> to vector<16xf32>
        %swap3A_661 = arith.index_cast %add3A_647 : i32 to index
        %swap3A_662 = arith.constant 16 : index
        %swap3A_663 = tpu.vector_load %arg12[%swap3A_661, %swap3A_662] {strides = array<i32>} : memref<200x32xf32, #tpu.memory_space<vmem>>, vector<1x16xf32>,
        %swap3A_664 = vector.shape_cast %swap3A_663 : vector<1x16xf32> to vector<16xf32>
        %swap3A_665 = vector.shape_cast %get3A_660 : vector<16xf32> to vector<1x16xf32>
        tpu.vector_store %arg12[%swap3A_661, %swap3A_662], %swap3A_665 {add = true, strides = array<i32>} : memref<200x32xf32, #tpu.memory_space<vmem>>, vector<1x16xf32>,
      }
      %scan3A_366 = arith.constant 200 : i32
      %mul3A_367 = arith.constant 128 : i32
      %mul3A_368 = arith.muli %add3A, %mul3A_367 : i32
      %add3A_369 = arith.addi %mul3A_368, %add3A_352 : i32
      %dma_start3A_370 = arith.constant 0 : i32
      %dma_start3A_371 = arith.constant 0 : i32
      %dma_start3A_372 = tpu.memref_slice %arg5[%add3A_369, %dma_start3A_370, %dma_start3A_371] : memref<4096x200x32xf32, #tpu.memory_space<hbm>> -> memref<1x200x32xf32, #tpu.memory_space<hbm>>
      %dma_start3A_373 = tpu.memref_squeeze %dma_start3A_372 : memref<1x200x32xf32, #tpu.memory_space<hbm>> -> memref<200x32xf32, #tpu.memory_space<hbm>>
      %dma_start3A_374 = arith.constant 0 : i32
      %dma_start3A_375 = arith.constant 0 : i32
      %dma_start3A_376 = tpu.memref_slice %arg5[%add3A_369, %dma_start3A_374, %dma_start3A_375] : memref<4096x200x32xf32, #tpu.memory_space<hbm>> -> memref<1x200x32xf32, #tpu.memory_space<hbm>>
      %dma_start3A_377 = tpu.memref_squeeze %dma_start3A_376 : memref<1x200x32xf32, #tpu.memory_space<hbm>> -> memref<200x32xf32, #tpu.memory_space<hbm>>
      tpu.enqueue_dma source(%arg12 : memref<200x32xf32, #tpu.memory_space<vmem>>) target(%dma_start3A_377 : memref<200x32xf32, #tpu.memory_space<hbm>>) target_semaphore(%arg29 : memref<!tpu.dma_semaphore, #tpu.memory_space<semaphore_mem>>)
      %add3A_378 = arith.constant 3 : i32
      %add3A_379 = arith.addi %add3A_352, %add3A_378 : i32
      %ge3A_380 = arith.constant 8 : i32
      %ge3A_381 = arith.cmpi sge, %add3A_379, %ge3A_380 : i32
      %lt3A_382 = arith.constant 128 : i32
      %lt3A_383 = arith.cmpi slt, %add3A_379, %lt3A_382 : i32
      %and3A_384 = arith.andi %ge3A_381, %lt3A_383 : i1
      %convert_element_type3A_385 = arith.extui %and3A_384 : i1 to i32
      %cond3A_386 = arith.constant 0 : i32
      %cond3A_387 = arith.cmpi ne, %convert_element_type3A_385, %cond3A_386 : i32
      scf.if %cond3A_387 {
        %dma_wait3A_477 = arith.constant 0 : i32
        %dma_wait3A_478 = arith.constant 0 : i32
        %dma_wait3A_479 = arith.constant 0 : i32
        %dma_wait3A_480 = tpu.memref_slice %arg5[%dma_wait3A_477, %dma_wait3A_478, %dma_wait3A_479] : memref<4096x200x32xf32, #tpu.memory_space<hbm>> -> memref<1x200x32xf32, #tpu.memory_space<hbm>>
        %dma_wait3A_481 = tpu.memref_squeeze %dma_wait3A_480 : memref<1x200x32xf32, #tpu.memory_space<hbm>> -> memref<200x32xf32, #tpu.memory_space<hbm>>
        %dma_wait3A_482 = arith.constant 0 : i32
        %dma_wait3A_483 = arith.constant 0 : i32
        %dma_wait3A_484 = tpu.memref_slice %arg5[%dma_wait3A_477, %dma_wait3A_482, %dma_wait3A_483] : memref<4096x200x32xf32, #tpu.memory_space<hbm>> -> memref<1x200x32xf32, #tpu.memory_space<hbm>>
        %dma_wait3A_485 = tpu.memref_squeeze %dma_wait3A_484 : memref<1x200x32xf32, #tpu.memory_space<hbm>> -> memref<200x32xf32, #tpu.memory_space<hbm>>
        tpu.wait_dma2 semaphore(%arg24 : memref<!tpu.dma_semaphore, #tpu.memory_space<semaphore_mem>>) src(%arg7 : memref<200x32xf32, #tpu.memory_space<vmem>>) dst(%dma_wait3A_485 : memref<200x32xf32, #tpu.memory_space<hbm>>)
      } else {
      }
      %lt3A_388 = arith.constant 128 : i32
      %lt3A_389 = arith.cmpi slt, %add3A_379, %lt3A_388 : i32
      %convert_element_type3A_390 = arith.extui %lt3A_389 : i1 to i32
      %cond3A_391 = arith.constant 0 : i32
      %cond3A_392 = arith.cmpi ne, %convert_element_type3A_390, %cond3A_391 : i32
      scf.if %cond3A_392 {
        %mul3A_477 = arith.constant 2 : i32
        %mul3A_478 = arith.muli %add3A_379, %mul3A_477 : i32
        %add3A_479 = arith.constant 0 : i32
        %add3A_480 = arith.addi %mul3A_478, %add3A_479 : i32
        %dma_start3A_481 = arith.constant 0 : i32
        %dma_start3A_482 = arith.constant 0 : i32
        %dma_start3A_483 = tpu.memref_slice %arg7[%dma_start3A_481, %dma_start3A_482] : memref<200x32xf32, #tpu.memory_space<vmem>> -> memref<100x32xf32, #tpu.memory_space<vmem>>
        %dma_start3A_484 = arith.constant 0 : i32
        %dma_start3A_485 = tpu.memref_slice %arg6[%add3A_480, %dma_start3A_484] : memref<256x100xi32, #tpu.memory_space<vmem>> -> memref<1x100xi32, #tpu.memory_space<vmem>>
        %dma_start3A_486 = tpu.memref_squeeze %dma_start3A_485 : memref<1x100xi32, #tpu.memory_space<vmem>> -> memref<100xi32, #tpu.memory_space<vmem>>
        %dma_start3A_487 = arith.constant 0 : i32
        %dma_start3A_488 = arith.constant 0 : i32
        %dma_start3A_489 = tpu.memref_slice %arg3[%dma_start3A_487, %dma_start3A_488] : memref<100000x32xf32, #tpu.memory_space<hbm>> -> memref<100000x32xf32, #tpu.memory_space<hbm>>
        tpu.enqueue_indirect_dma source(%dma_start3A_489 : memref<100000x32xf32, #tpu.memory_space<hbm>>) target(%dma_start3A_483 : memref<100x32xf32, #tpu.memory_space<vmem>>) offsets(%dma_start3A_486 : memref<100xi32, #tpu.memory_space<vmem>>) semaphore(%arg16 : memref<!tpu.dma_semaphore, #tpu.memory_space<semaphore_mem>>)
        %mul3A_490 = arith.constant 2 : i32
        %mul3A_491 = arith.muli %add3A_379, %mul3A_490 : i32
        %add3A_492 = arith.constant 1 : i32
        %add3A_493 = arith.addi %mul3A_491, %add3A_492 : i32
        %dma_start3A_494 = arith.constant 100 : i32
        %dma_start3A_495 = arith.constant 0 : i32
        %dma_start3A_496 = tpu.memref_slice %arg7[%dma_start3A_494, %dma_start3A_495] : memref<200x32xf32, #tpu.memory_space<vmem>> -> memref<100x32xf32, #tpu.memory_space<vmem>>
        %dma_start3A_497 = arith.constant 0 : i32
        %dma_start3A_498 = tpu.memref_slice %arg6[%add3A_493, %dma_start3A_497] : memref<256x100xi32, #tpu.memory_space<vmem>> -> memref<1x100xi32, #tpu.memory_space<vmem>>
        %dma_start3A_499 = tpu.memref_squeeze %dma_start3A_498 : memref<1x100xi32, #tpu.memory_space<vmem>> -> memref<100xi32, #tpu.memory_space<vmem>>
        %dma_start3A_500 = arith.constant 0 : i32
        %dma_start3A_501 = arith.constant 0 : i32
        %dma_start3A_502 = tpu.memref_slice %arg3[%dma_start3A_500, %dma_start3A_501] : memref<100000x32xf32, #tpu.memory_space<hbm>> -> memref<100000x32xf32, #tpu.memory_space<hbm>>
        tpu.enqueue_indirect_dma source(%dma_start3A_502 : memref<100000x32xf32, #tpu.memory_space<hbm>>) target(%dma_start3A_496 : memref<100x32xf32, #tpu.memory_space<vmem>>) offsets(%dma_start3A_499 : memref<100xi32, #tpu.memory_space<vmem>>) semaphore(%arg16 : memref<!tpu.dma_semaphore, #tpu.memory_space<semaphore_mem>>)
      } else {
      }
      %add3A_393 = arith.constant 6 : i32
      %add3A_394 = arith.addi %mul3A_145, %add3A_393 : i32
      %dma_wait3A_395 = arith.constant 0 : i32
      %dma_wait3A_396 = arith.constant 0 : i32
      %dma_wait3A_397 = arith.constant 0 : i32
      %dma_wait3A_398 = tpu.memref_slice %arg5[%dma_wait3A_395, %dma_wait3A_396, %dma_wait3A_397] : memref<4096x200x32xf32, #tpu.memory_space<hbm>> -> memref<1x200x32xf32, #tpu.memory_space<hbm>>
      %dma_wait3A_399 = tpu.memref_squeeze %dma_wait3A_398 : memref<1x200x32xf32, #tpu.memory_space<hbm>> -> memref<200x32xf32, #tpu.memory_space<hbm>>
      %dma_wait3A_400 = arith.constant 0 : i32
      %dma_wait3A_401 = arith.constant 0 : i32
      %dma_wait3A_402 = tpu.memref_slice %arg5[%dma_wait3A_395, %dma_wait3A_400, %dma_wait3A_401] : memref<4096x200x32xf32, #tpu.memory_space<hbm>> -> memref<1x200x32xf32, #tpu.memory_space<hbm>>
      %dma_wait3A_403 = tpu.memref_squeeze %dma_wait3A_402 : memref<1x200x32xf32, #tpu.memory_space<hbm>> -> memref<200x32xf32, #tpu.memory_space<hbm>>
      tpu.wait_dma2 semaphore(%arg22 : memref<!tpu.dma_semaphore, #tpu.memory_space<semaphore_mem>>) src(%dma_wait3A_403 : memref<200x32xf32, #tpu.memory_space<hbm>>) dst(%arg13 : memref<200x32xf32, #tpu.memory_space<vmem>>)
      %scan3A_404 = arith.constant 0 : i32
      %scan3A_405 = arith.constant 200 : i32
      %scan3A_406 = arith.addi %scan3A_404, %scan3A_405 : i32
      %scan3A_407 = arith.constant 8 : i32
      scf.for %scan3A_477 = %scan3A_404 to %scan3A_406 step %scan3A_407  : i32 {
        %mul3A_478 = arith.constant 1 : i32
        %mul3A_479 = arith.muli %scan3A_477, %mul3A_478 : i32
        %add3A_480 = arith.constant 0 : i32
        %add3A_481 = arith.addi %add3A_480, %mul3A_479 : i32
        %get3A = arith.index_cast %add3A_481 : i32 to index
        %get3A_482 = arith.constant 0 : index
        %get3A_483 = tpu.vector_load %arg15[%get3A, %get3A_482] {strides = array<i32>} : memref<200x32xf32, #tpu.memory_space<vmem>>, vector<1x16xf32>,
        %get3A_484 = vector.shape_cast %get3A_483 : vector<1x16xf32> to vector<16xf32>
        %swap3A = arith.index_cast %add3A_481 : i32 to index
        %swap3A_485 = arith.constant 0 : index
        %swap3A_486 = tpu.vector_load %arg13[%swap3A, %swap3A_485] {strides = array<i32>} : memref<200x32xf32, #tpu.memory_space<vmem>>, vector<1x16xf32>,
        %swap3A_487 = vector.shape_cast %swap3A_486 : vector<1x16xf32> to vector<16xf32>
        %swap3A_488 = vector.shape_cast %get3A_484 : vector<16xf32> to vector<1x16xf32>
        tpu.vector_store %arg13[%swap3A, %swap3A_485], %swap3A_488 {add = true, strides = array<i32>} : memref<200x32xf32, #tpu.memory_space<vmem>>, vector<1x16xf32>,
        %get3A_489 = arith.index_cast %add3A_481 : i32 to index
        %get3A_490 = arith.constant 16 : index
        %get3A_491 = tpu.vector_load %arg15[%get3A_489, %get3A_490] {strides = array<i32>} : memref<200x32xf32, #tpu.memory_space<vmem>>, vector<1x16xf32>,
        %get3A_492 = vector.shape_cast %get3A_491 : vector<1x16xf32> to vector<16xf32>
        %swap3A_493 = arith.index_cast %add3A_481 : i32 to index
        %swap3A_494 = arith.constant 16 : index
        %swap3A_495 = tpu.vector_load %arg13[%swap3A_493, %swap3A_494] {strides = array<i32>} : memref<200x32xf32, #tpu.memory_space<vmem>>, vector<1x16xf32>,
        %swap3A_496 = vector.shape_cast %swap3A_495 : vector<1x16xf32> to vector<16xf32>
        %swap3A_497 = vector.shape_cast %get3A_492 : vector<16xf32> to vector<1x16xf32>
        tpu.vector_store %arg13[%swap3A_493, %swap3A_494], %swap3A_497 {add = true, strides = array<i32>} : memref<200x32xf32, #tpu.memory_space<vmem>>, vector<1x16xf32>,
        %scan3A_498 = arith.constant 1 : i32
        %scan3A_499 = arith.addi %scan3A_477, %scan3A_498 : i32
        %mul3A_500 = arith.constant 1 : i32
        %mul3A_501 = arith.muli %scan3A_499, %mul3A_500 : i32
        %add3A_502 = arith.constant 0 : i32
        %add3A_503 = arith.addi %add3A_502, %mul3A_501 : i32
        %get3A_504 = arith.index_cast %add3A_503 : i32 to index
        %get3A_505 = arith.constant 0 : index
        %get3A_506 = tpu.vector_load %arg15[%get3A_504, %get3A_505] {strides = array<i32>} : memref<200x32xf32, #tpu.memory_space<vmem>>, vector<1x16xf32>,
        %get3A_507 = vector.shape_cast %get3A_506 : vector<1x16xf32> to vector<16xf32>
        %swap3A_508 = arith.index_cast %add3A_503 : i32 to index
        %swap3A_509 = arith.constant 0 : index
        %swap3A_510 = tpu.vector_load %arg13[%swap3A_508, %swap3A_509] {strides = array<i32>} : memref<200x32xf32, #tpu.memory_space<vmem>>, vector<1x16xf32>,
        %swap3A_511 = vector.shape_cast %swap3A_510 : vector<1x16xf32> to vector<16xf32>
        %swap3A_512 = vector.shape_cast %get3A_507 : vector<16xf32> to vector<1x16xf32>
        tpu.vector_store %arg13[%swap3A_508, %swap3A_509], %swap3A_512 {add = true, strides = array<i32>} : memref<200x32xf32, #tpu.memory_space<vmem>>, vector<1x16xf32>,
        %get3A_513 = arith.index_cast %add3A_503 : i32 to index
        %get3A_514 = arith.constant 16 : index
        %get3A_515 = tpu.vector_load %arg15[%get3A_513, %get3A_514] {strides = array<i32>} : memref<200x32xf32, #tpu.memory_space<vmem>>, vector<1x16xf32>,
        %get3A_516 = vector.shape_cast %get3A_515 : vector<1x16xf32> to vector<16xf32>
        %swap3A_517 = arith.index_cast %add3A_503 : i32 to index
        %swap3A_518 = arith.constant 16 : index
        %swap3A_519 = tpu.vector_load %arg13[%swap3A_517, %swap3A_518] {strides = array<i32>} : memref<200x32xf32, #tpu.memory_space<vmem>>, vector<1x16xf32>,
        %swap3A_520 = vector.shape_cast %swap3A_519 : vector<1x16xf32> to vector<16xf32>
        %swap3A_521 = vector.shape_cast %get3A_516 : vector<16xf32> to vector<1x16xf32>
        tpu.vector_store %arg13[%swap3A_517, %swap3A_518], %swap3A_521 {add = true, strides = array<i32>} : memref<200x32xf32, #tpu.memory_space<vmem>>, vector<1x16xf32>,
        %scan3A_522 = arith.constant 2 : i32
        %scan3A_523 = arith.addi %scan3A_477, %scan3A_522 : i32
        %mul3A_524 = arith.constant 1 : i32
        %mul3A_525 = arith.muli %scan3A_523, %mul3A_524 : i32
        %add3A_526 = arith.constant 0 : i32
        %add3A_527 = arith.addi %add3A_526, %mul3A_525 : i32
        %get3A_528 = arith.index_cast %add3A_527 : i32 to index
        %get3A_529 = arith.constant 0 : index
        %get3A_530 = tpu.vector_load %arg15[%get3A_528, %get3A_529] {strides = array<i32>} : memref<200x32xf32, #tpu.memory_space<vmem>>, vector<1x16xf32>,
        %get3A_531 = vector.shape_cast %get3A_530 : vector<1x16xf32> to vector<16xf32>
        %swap3A_532 = arith.index_cast %add3A_527 : i32 to index
        %swap3A_533 = arith.constant 0 : index
        %swap3A_534 = tpu.vector_load %arg13[%swap3A_532, %swap3A_533] {strides = array<i32>} : memref<200x32xf32, #tpu.memory_space<vmem>>, vector<1x16xf32>,
        %swap3A_535 = vector.shape_cast %swap3A_534 : vector<1x16xf32> to vector<16xf32>
        %swap3A_536 = vector.shape_cast %get3A_531 : vector<16xf32> to vector<1x16xf32>
        tpu.vector_store %arg13[%swap3A_532, %swap3A_533], %swap3A_536 {add = true, strides = array<i32>} : memref<200x32xf32, #tpu.memory_space<vmem>>, vector<1x16xf32>,
        %get3A_537 = arith.index_cast %add3A_527 : i32 to index
        %get3A_538 = arith.constant 16 : index
        %get3A_539 = tpu.vector_load %arg15[%get3A_537, %get3A_538] {strides = array<i32>} : memref<200x32xf32, #tpu.memory_space<vmem>>, vector<1x16xf32>,
        %get3A_540 = vector.shape_cast %get3A_539 : vector<1x16xf32> to vector<16xf32>
        %swap3A_541 = arith.index_cast %add3A_527 : i32 to index
        %swap3A_542 = arith.constant 16 : index
        %swap3A_543 = tpu.vector_load %arg13[%swap3A_541, %swap3A_542] {strides = array<i32>} : memref<200x32xf32, #tpu.memory_space<vmem>>, vector<1x16xf32>,
        %swap3A_544 = vector.shape_cast %swap3A_543 : vector<1x16xf32> to vector<16xf32>
        %swap3A_545 = vector.shape_cast %get3A_540 : vector<16xf32> to vector<1x16xf32>
        tpu.vector_store %arg13[%swap3A_541, %swap3A_542], %swap3A_545 {add = true, strides = array<i32>} : memref<200x32xf32, #tpu.memory_space<vmem>>, vector<1x16xf32>,
        %scan3A_546 = arith.constant 3 : i32
        %scan3A_547 = arith.addi %scan3A_477, %scan3A_546 : i32
        %mul3A_548 = arith.constant 1 : i32
        %mul3A_549 = arith.muli %scan3A_547, %mul3A_548 : i32
        %add3A_550 = arith.constant 0 : i32
        %add3A_551 = arith.addi %add3A_550, %mul3A_549 : i32
        %get3A_552 = arith.index_cast %add3A_551 : i32 to index
        %get3A_553 = arith.constant 0 : index
        %get3A_554 = tpu.vector_load %arg15[%get3A_552, %get3A_553] {strides = array<i32>} : memref<200x32xf32, #tpu.memory_space<vmem>>, vector<1x16xf32>,
        %get3A_555 = vector.shape_cast %get3A_554 : vector<1x16xf32> to vector<16xf32>
        %swap3A_556 = arith.index_cast %add3A_551 : i32 to index
        %swap3A_557 = arith.constant 0 : index
        %swap3A_558 = tpu.vector_load %arg13[%swap3A_556, %swap3A_557] {strides = array<i32>} : memref<200x32xf32, #tpu.memory_space<vmem>>, vector<1x16xf32>,
        %swap3A_559 = vector.shape_cast %swap3A_558 : vector<1x16xf32> to vector<16xf32>
        %swap3A_560 = vector.shape_cast %get3A_555 : vector<16xf32> to vector<1x16xf32>
        tpu.vector_store %arg13[%swap3A_556, %swap3A_557], %swap3A_560 {add = true, strides = array<i32>} : memref<200x32xf32, #tpu.memory_space<vmem>>, vector<1x16xf32>,
        %get3A_561 = arith.index_cast %add3A_551 : i32 to index
        %get3A_562 = arith.constant 16 : index
        %get3A_563 = tpu.vector_load %arg15[%get3A_561, %get3A_562] {strides = array<i32>} : memref<200x32xf32, #tpu.memory_space<vmem>>, vector<1x16xf32>,
        %get3A_564 = vector.shape_cast %get3A_563 : vector<1x16xf32> to vector<16xf32>
        %swap3A_565 = arith.index_cast %add3A_551 : i32 to index
        %swap3A_566 = arith.constant 16 : index
        %swap3A_567 = tpu.vector_load %arg13[%swap3A_565, %swap3A_566] {strides = array<i32>} : memref<200x32xf32, #tpu.memory_space<vmem>>, vector<1x16xf32>,
        %swap3A_568 = vector.shape_cast %swap3A_567 : vector<1x16xf32> to vector<16xf32>
        %swap3A_569 = vector.shape_cast %get3A_564 : vector<16xf32> to vector<1x16xf32>
        tpu.vector_store %arg13[%swap3A_565, %swap3A_566], %swap3A_569 {add = true, strides = array<i32>} : memref<200x32xf32, #tpu.memory_space<vmem>>, vector<1x16xf32>,
        %scan3A_570 = arith.constant 4 : i32
        %scan3A_571 = arith.addi %scan3A_477, %scan3A_570 : i32
        %mul3A_572 = arith.constant 1 : i32
        %mul3A_573 = arith.muli %scan3A_571, %mul3A_572 : i32
        %add3A_574 = arith.constant 0 : i32
        %add3A_575 = arith.addi %add3A_574, %mul3A_573 : i32
        %get3A_576 = arith.index_cast %add3A_575 : i32 to index
        %get3A_577 = arith.constant 0 : index
        %get3A_578 = tpu.vector_load %arg15[%get3A_576, %get3A_577] {strides = array<i32>} : memref<200x32xf32, #tpu.memory_space<vmem>>, vector<1x16xf32>,
        %get3A_579 = vector.shape_cast %get3A_578 : vector<1x16xf32> to vector<16xf32>
        %swap3A_580 = arith.index_cast %add3A_575 : i32 to index
        %swap3A_581 = arith.constant 0 : index
        %swap3A_582 = tpu.vector_load %arg13[%swap3A_580, %swap3A_581] {strides = array<i32>} : memref<200x32xf32, #tpu.memory_space<vmem>>, vector<1x16xf32>,
        %swap3A_583 = vector.shape_cast %swap3A_582 : vector<1x16xf32> to vector<16xf32>
        %swap3A_584 = vector.shape_cast %get3A_579 : vector<16xf32> to vector<1x16xf32>
        tpu.vector_store %arg13[%swap3A_580, %swap3A_581], %swap3A_584 {add = true, strides = array<i32>} : memref<200x32xf32, #tpu.memory_space<vmem>>, vector<1x16xf32>,
        %get3A_585 = arith.index_cast %add3A_575 : i32 to index
        %get3A_586 = arith.constant 16 : index
        %get3A_587 = tpu.vector_load %arg15[%get3A_585, %get3A_586] {strides = array<i32>} : memref<200x32xf32, #tpu.memory_space<vmem>>, vector<1x16xf32>,
        %get3A_588 = vector.shape_cast %get3A_587 : vector<1x16xf32> to vector<16xf32>
        %swap3A_589 = arith.index_cast %add3A_575 : i32 to index
        %swap3A_590 = arith.constant 16 : index
        %swap3A_591 = tpu.vector_load %arg13[%swap3A_589, %swap3A_590] {strides = array<i32>} : memref<200x32xf32, #tpu.memory_space<vmem>>, vector<1x16xf32>,
        %swap3A_592 = vector.shape_cast %swap3A_591 : vector<1x16xf32> to vector<16xf32>
        %swap3A_593 = vector.shape_cast %get3A_588 : vector<16xf32> to vector<1x16xf32>
        tpu.vector_store %arg13[%swap3A_589, %swap3A_590], %swap3A_593 {add = true, strides = array<i32>} : memref<200x32xf32, #tpu.memory_space<vmem>>, vector<1x16xf32>,
        %scan3A_594 = arith.constant 5 : i32
        %scan3A_595 = arith.addi %scan3A_477, %scan3A_594 : i32
        %mul3A_596 = arith.constant 1 : i32
        %mul3A_597 = arith.muli %scan3A_595, %mul3A_596 : i32
        %add3A_598 = arith.constant 0 : i32
        %add3A_599 = arith.addi %add3A_598, %mul3A_597 : i32
        %get3A_600 = arith.index_cast %add3A_599 : i32 to index
        %get3A_601 = arith.constant 0 : index
        %get3A_602 = tpu.vector_load %arg15[%get3A_600, %get3A_601] {strides = array<i32>} : memref<200x32xf32, #tpu.memory_space<vmem>>, vector<1x16xf32>,
        %get3A_603 = vector.shape_cast %get3A_602 : vector<1x16xf32> to vector<16xf32>
        %swap3A_604 = arith.index_cast %add3A_599 : i32 to index
        %swap3A_605 = arith.constant 0 : index
        %swap3A_606 = tpu.vector_load %arg13[%swap3A_604, %swap3A_605] {strides = array<i32>} : memref<200x32xf32, #tpu.memory_space<vmem>>, vector<1x16xf32>,
        %swap3A_607 = vector.shape_cast %swap3A_606 : vector<1x16xf32> to vector<16xf32>
        %swap3A_608 = vector.shape_cast %get3A_603 : vector<16xf32> to vector<1x16xf32>
        tpu.vector_store %arg13[%swap3A_604, %swap3A_605], %swap3A_608 {add = true, strides = array<i32>} : memref<200x32xf32, #tpu.memory_space<vmem>>, vector<1x16xf32>,
        %get3A_609 = arith.index_cast %add3A_599 : i32 to index
        %get3A_610 = arith.constant 16 : index
        %get3A_611 = tpu.vector_load %arg15[%get3A_609, %get3A_610] {strides = array<i32>} : memref<200x32xf32, #tpu.memory_space<vmem>>, vector<1x16xf32>,
        %get3A_612 = vector.shape_cast %get3A_611 : vector<1x16xf32> to vector<16xf32>
        %swap3A_613 = arith.index_cast %add3A_599 : i32 to index
        %swap3A_614 = arith.constant 16 : index
        %swap3A_615 = tpu.vector_load %arg13[%swap3A_613, %swap3A_614] {strides = array<i32>} : memref<200x32xf32, #tpu.memory_space<vmem>>, vector<1x16xf32>,
        %swap3A_616 = vector.shape_cast %swap3A_615 : vector<1x16xf32> to vector<16xf32>
        %swap3A_617 = vector.shape_cast %get3A_612 : vector<16xf32> to vector<1x16xf32>
        tpu.vector_store %arg13[%swap3A_613, %swap3A_614], %swap3A_617 {add = true, strides = array<i32>} : memref<200x32xf32, #tpu.memory_space<vmem>>, vector<1x16xf32>,
        %scan3A_618 = arith.constant 6 : i32
        %scan3A_619 = arith.addi %scan3A_477, %scan3A_618 : i32
        %mul3A_620 = arith.constant 1 : i32
        %mul3A_621 = arith.muli %scan3A_619, %mul3A_620 : i32
        %add3A_622 = arith.constant 0 : i32
        %add3A_623 = arith.addi %add3A_622, %mul3A_621 : i32
        %get3A_624 = arith.index_cast %add3A_623 : i32 to index
        %get3A_625 = arith.constant 0 : index
        %get3A_626 = tpu.vector_load %arg15[%get3A_624, %get3A_625] {strides = array<i32>} : memref<200x32xf32, #tpu.memory_space<vmem>>, vector<1x16xf32>,
        %get3A_627 = vector.shape_cast %get3A_626 : vector<1x16xf32> to vector<16xf32>
        %swap3A_628 = arith.index_cast %add3A_623 : i32 to index
        %swap3A_629 = arith.constant 0 : index
        %swap3A_630 = tpu.vector_load %arg13[%swap3A_628, %swap3A_629] {strides = array<i32>} : memref<200x32xf32, #tpu.memory_space<vmem>>, vector<1x16xf32>,
        %swap3A_631 = vector.shape_cast %swap3A_630 : vector<1x16xf32> to vector<16xf32>
        %swap3A_632 = vector.shape_cast %get3A_627 : vector<16xf32> to vector<1x16xf32>
        tpu.vector_store %arg13[%swap3A_628, %swap3A_629], %swap3A_632 {add = true, strides = array<i32>} : memref<200x32xf32, #tpu.memory_space<vmem>>, vector<1x16xf32>,
        %get3A_633 = arith.index_cast %add3A_623 : i32 to index
        %get3A_634 = arith.constant 16 : index
        %get3A_635 = tpu.vector_load %arg15[%get3A_633, %get3A_634] {strides = array<i32>} : memref<200x32xf32, #tpu.memory_space<vmem>>, vector<1x16xf32>,
        %get3A_636 = vector.shape_cast %get3A_635 : vector<1x16xf32> to vector<16xf32>
        %swap3A_637 = arith.index_cast %add3A_623 : i32 to index
        %swap3A_638 = arith.constant 16 : index
        %swap3A_639 = tpu.vector_load %arg13[%swap3A_637, %swap3A_638] {strides = array<i32>} : memref<200x32xf32, #tpu.memory_space<vmem>>, vector<1x16xf32>,
        %swap3A_640 = vector.shape_cast %swap3A_639 : vector<1x16xf32> to vector<16xf32>
        %swap3A_641 = vector.shape_cast %get3A_636 : vector<16xf32> to vector<1x16xf32>
        tpu.vector_store %arg13[%swap3A_637, %swap3A_638], %swap3A_641 {add = true, strides = array<i32>} : memref<200x32xf32, #tpu.memory_space<vmem>>, vector<1x16xf32>,
        %scan3A_642 = arith.constant 7 : i32
        %scan3A_643 = arith.addi %scan3A_477, %scan3A_642 : i32
        %mul3A_644 = arith.constant 1 : i32
        %mul3A_645 = arith.muli %scan3A_643, %mul3A_644 : i32
        %add3A_646 = arith.constant 0 : i32
        %add3A_647 = arith.addi %add3A_646, %mul3A_645 : i32
        %get3A_648 = arith.index_cast %add3A_647 : i32 to index
        %get3A_649 = arith.constant 0 : index
        %get3A_650 = tpu.vector_load %arg15[%get3A_648, %get3A_649] {strides = array<i32>} : memref<200x32xf32, #tpu.memory_space<vmem>>, vector<1x16xf32>,
        %get3A_651 = vector.shape_cast %get3A_650 : vector<1x16xf32> to vector<16xf32>
        %swap3A_652 = arith.index_cast %add3A_647 : i32 to index
        %swap3A_653 = arith.constant 0 : index
        %swap3A_654 = tpu.vector_load %arg13[%swap3A_652, %swap3A_653] {strides = array<i32>} : memref<200x32xf32, #tpu.memory_space<vmem>>, vector<1x16xf32>,
        %swap3A_655 = vector.shape_cast %swap3A_654 : vector<1x16xf32> to vector<16xf32>
        %swap3A_656 = vector.shape_cast %get3A_651 : vector<16xf32> to vector<1x16xf32>
        tpu.vector_store %arg13[%swap3A_652, %swap3A_653], %swap3A_656 {add = true, strides = array<i32>} : memref<200x32xf32, #tpu.memory_space<vmem>>, vector<1x16xf32>,
        %get3A_657 = arith.index_cast %add3A_647 : i32 to index
        %get3A_658 = arith.constant 16 : index
        %get3A_659 = tpu.vector_load %arg15[%get3A_657, %get3A_658] {strides = array<i32>} : memref<200x32xf32, #tpu.memory_space<vmem>>, vector<1x16xf32>,
        %get3A_660 = vector.shape_cast %get3A_659 : vector<1x16xf32> to vector<16xf32>
        %swap3A_661 = arith.index_cast %add3A_647 : i32 to index
        %swap3A_662 = arith.constant 16 : index
        %swap3A_663 = tpu.vector_load %arg13[%swap3A_661, %swap3A_662] {strides = array<i32>} : memref<200x32xf32, #tpu.memory_space<vmem>>, vector<1x16xf32>,
        %swap3A_664 = vector.shape_cast %swap3A_663 : vector<1x16xf32> to vector<16xf32>
        %swap3A_665 = vector.shape_cast %get3A_660 : vector<16xf32> to vector<1x16xf32>
        tpu.vector_store %arg13[%swap3A_661, %swap3A_662], %swap3A_665 {add = true, strides = array<i32>} : memref<200x32xf32, #tpu.memory_space<vmem>>, vector<1x16xf32>,
      }
      %scan3A_408 = arith.constant 200 : i32
      %mul3A_409 = arith.constant 128 : i32
      %mul3A_410 = arith.muli %add3A, %mul3A_409 : i32
      %add3A_411 = arith.addi %mul3A_410, %add3A_394 : i32
      %dma_start3A_412 = arith.constant 0 : i32
      %dma_start3A_413 = arith.constant 0 : i32
      %dma_start3A_414 = tpu.memref_slice %arg5[%add3A_411, %dma_start3A_412, %dma_start3A_413] : memref<4096x200x32xf32, #tpu.memory_space<hbm>> -> memref<1x200x32xf32, #tpu.memory_space<hbm>>
      %dma_start3A_415 = tpu.memref_squeeze %dma_start3A_414 : memref<1x200x32xf32, #tpu.memory_space<hbm>> -> memref<200x32xf32, #tpu.memory_space<hbm>>
      %dma_start3A_416 = arith.constant 0 : i32
      %dma_start3A_417 = arith.constant 0 : i32
      %dma_start3A_418 = tpu.memref_slice %arg5[%add3A_411, %dma_start3A_416, %dma_start3A_417] : memref<4096x200x32xf32, #tpu.memory_space<hbm>> -> memref<1x200x32xf32, #tpu.memory_space<hbm>>
      %dma_start3A_419 = tpu.memref_squeeze %dma_start3A_418 : memref<1x200x32xf32, #tpu.memory_space<hbm>> -> memref<200x32xf32, #tpu.memory_space<hbm>>
      tpu.enqueue_dma source(%arg13 : memref<200x32xf32, #tpu.memory_space<vmem>>) target(%dma_start3A_419 : memref<200x32xf32, #tpu.memory_space<hbm>>) target_semaphore(%arg30 : memref<!tpu.dma_semaphore, #tpu.memory_space<semaphore_mem>>)
      %add3A_420 = arith.constant 3 : i32
      %add3A_421 = arith.addi %add3A_394, %add3A_420 : i32
      %ge3A_422 = arith.constant 8 : i32
      %ge3A_423 = arith.cmpi sge, %add3A_421, %ge3A_422 : i32
      %lt3A_424 = arith.constant 128 : i32
      %lt3A_425 = arith.cmpi slt, %add3A_421, %lt3A_424 : i32
      %and3A_426 = arith.andi %ge3A_423, %lt3A_425 : i1
      %convert_element_type3A_427 = arith.extui %and3A_426 : i1 to i32
      %cond3A_428 = arith.constant 0 : i32
      %cond3A_429 = arith.cmpi ne, %convert_element_type3A_427, %cond3A_428 : i32
      scf.if %cond3A_429 {
        %dma_wait3A_477 = arith.constant 0 : i32
        %dma_wait3A_478 = arith.constant 0 : i32
        %dma_wait3A_479 = arith.constant 0 : i32
        %dma_wait3A_480 = tpu.memref_slice %arg5[%dma_wait3A_477, %dma_wait3A_478, %dma_wait3A_479] : memref<4096x200x32xf32, #tpu.memory_space<hbm>> -> memref<1x200x32xf32, #tpu.memory_space<hbm>>
        %dma_wait3A_481 = tpu.memref_squeeze %dma_wait3A_480 : memref<1x200x32xf32, #tpu.memory_space<hbm>> -> memref<200x32xf32, #tpu.memory_space<hbm>>
        %dma_wait3A_482 = arith.constant 0 : i32
        %dma_wait3A_483 = arith.constant 0 : i32
        %dma_wait3A_484 = tpu.memref_slice %arg5[%dma_wait3A_477, %dma_wait3A_482, %dma_wait3A_483] : memref<4096x200x32xf32, #tpu.memory_space<hbm>> -> memref<1x200x32xf32, #tpu.memory_space<hbm>>
        %dma_wait3A_485 = tpu.memref_squeeze %dma_wait3A_484 : memref<1x200x32xf32, #tpu.memory_space<hbm>> -> memref<200x32xf32, #tpu.memory_space<hbm>>
        tpu.wait_dma2 semaphore(%arg25 : memref<!tpu.dma_semaphore, #tpu.memory_space<semaphore_mem>>) src(%arg8 : memref<200x32xf32, #tpu.memory_space<vmem>>) dst(%dma_wait3A_485 : memref<200x32xf32, #tpu.memory_space<hbm>>)
      } else {
      }
      %lt3A_430 = arith.constant 128 : i32
      %lt3A_431 = arith.cmpi slt, %add3A_421, %lt3A_430 : i32
      %convert_element_type3A_432 = arith.extui %lt3A_431 : i1 to i32
      %cond3A_433 = arith.constant 0 : i32
      %cond3A_434 = arith.cmpi ne, %convert_element_type3A_432, %cond3A_433 : i32
      scf.if %cond3A_434 {
        %mul3A_477 = arith.constant 2 : i32
        %mul3A_478 = arith.muli %add3A_421, %mul3A_477 : i32
        %add3A_479 = arith.constant 0 : i32
        %add3A_480 = arith.addi %mul3A_478, %add3A_479 : i32
        %dma_start3A_481 = arith.constant 0 : i32
        %dma_start3A_482 = arith.constant 0 : i32
        %dma_start3A_483 = tpu.memref_slice %arg8[%dma_start3A_481, %dma_start3A_482] : memref<200x32xf32, #tpu.memory_space<vmem>> -> memref<100x32xf32, #tpu.memory_space<vmem>>
        %dma_start3A_484 = arith.constant 0 : i32
        %dma_start3A_485 = tpu.memref_slice %arg6[%add3A_480, %dma_start3A_484] : memref<256x100xi32, #tpu.memory_space<vmem>> -> memref<1x100xi32, #tpu.memory_space<vmem>>
        %dma_start3A_486 = tpu.memref_squeeze %dma_start3A_485 : memref<1x100xi32, #tpu.memory_space<vmem>> -> memref<100xi32, #tpu.memory_space<vmem>>
        %dma_start3A_487 = arith.constant 0 : i32
        %dma_start3A_488 = arith.constant 0 : i32
        %dma_start3A_489 = tpu.memref_slice %arg3[%dma_start3A_487, %dma_start3A_488] : memref<100000x32xf32, #tpu.memory_space<hbm>> -> memref<100000x32xf32, #tpu.memory_space<hbm>>
        tpu.enqueue_indirect_dma source(%dma_start3A_489 : memref<100000x32xf32, #tpu.memory_space<hbm>>) target(%dma_start3A_483 : memref<100x32xf32, #tpu.memory_space<vmem>>) offsets(%dma_start3A_486 : memref<100xi32, #tpu.memory_space<vmem>>) semaphore(%arg17 : memref<!tpu.dma_semaphore, #tpu.memory_space<semaphore_mem>>)
        %mul3A_490 = arith.constant 2 : i32
        %mul3A_491 = arith.muli %add3A_421, %mul3A_490 : i32
        %add3A_492 = arith.constant 1 : i32
        %add3A_493 = arith.addi %mul3A_491, %add3A_492 : i32
        %dma_start3A_494 = arith.constant 100 : i32
        %dma_start3A_495 = arith.constant 0 : i32
        %dma_start3A_496 = tpu.memref_slice %arg8[%dma_start3A_494, %dma_start3A_495] : memref<200x32xf32, #tpu.memory_space<vmem>> -> memref<100x32xf32, #tpu.memory_space<vmem>>
        %dma_start3A_497 = arith.constant 0 : i32
        %dma_start3A_498 = tpu.memref_slice %arg6[%add3A_493, %dma_start3A_497] : memref<256x100xi32, #tpu.memory_space<vmem>> -> memref<1x100xi32, #tpu.memory_space<vmem>>
        %dma_start3A_499 = tpu.memref_squeeze %dma_start3A_498 : memref<1x100xi32, #tpu.memory_space<vmem>> -> memref<100xi32, #tpu.memory_space<vmem>>
        %dma_start3A_500 = arith.constant 0 : i32
        %dma_start3A_501 = arith.constant 0 : i32
        %dma_start3A_502 = tpu.memref_slice %arg3[%dma_start3A_500, %dma_start3A_501] : memref<100000x32xf32, #tpu.memory_space<hbm>> -> memref<100000x32xf32, #tpu.memory_space<hbm>>
        tpu.enqueue_indirect_dma source(%dma_start3A_502 : memref<100000x32xf32, #tpu.memory_space<hbm>>) target(%dma_start3A_496 : memref<100x32xf32, #tpu.memory_space<vmem>>) offsets(%dma_start3A_499 : memref<100xi32, #tpu.memory_space<vmem>>) semaphore(%arg17 : memref<!tpu.dma_semaphore, #tpu.memory_space<semaphore_mem>>)
      } else {
      }
      %add3A_435 = arith.constant 7 : i32
      %add3A_436 = arith.addi %mul3A_145, %add3A_435 : i32
      %dma_wait3A_437 = arith.constant 0 : i32
      %dma_wait3A_438 = arith.constant 0 : i32
      %dma_wait3A_439 = arith.constant 0 : i32
      %dma_wait3A_440 = tpu.memref_slice %arg5[%dma_wait3A_437, %dma_wait3A_438, %dma_wait3A_439] : memref<4096x200x32xf32, #tpu.memory_space<hbm>> -> memref<1x200x32xf32, #tpu.memory_space<hbm>>
      %dma_wait3A_441 = tpu.memref_squeeze %dma_wait3A_440 : memref<1x200x32xf32, #tpu.memory_space<hbm>> -> memref<200x32xf32, #tpu.memory_space<hbm>>
      %dma_wait3A_442 = arith.constant 0 : i32
      %dma_wait3A_443 = arith.constant 0 : i32
      %dma_wait3A_444 = tpu.memref_slice %arg5[%dma_wait3A_437, %dma_wait3A_442, %dma_wait3A_443] : memref<4096x200x32xf32, #tpu.memory_space<hbm>> -> memref<1x200x32xf32, #tpu.memory_space<hbm>>
      %dma_wait3A_445 = tpu.memref_squeeze %dma_wait3A_444 : memref<1x200x32xf32, #tpu.memory_space<hbm>> -> memref<200x32xf32, #tpu.memory_space<hbm>>
      tpu.wait_dma2 semaphore(%arg23 : memref<!tpu.dma_semaphore, #tpu.memory_space<semaphore_mem>>) src(%dma_wait3A_445 : memref<200x32xf32, #tpu.memory_space<hbm>>) dst(%arg14 : memref<200x32xf32, #tpu.memory_space<vmem>>)
      %scan3A_446 = arith.constant 0 : i32
      %scan3A_447 = arith.constant 200 : i32
      %scan3A_448 = arith.addi %scan3A_446, %scan3A_447 : i32
      %scan3A_449 = arith.constant 8 : i32
      scf.for %scan3A_477 = %scan3A_446 to %scan3A_448 step %scan3A_449  : i32 {
        %mul3A_478 = arith.constant 1 : i32
        %mul3A_479 = arith.muli %scan3A_477, %mul3A_478 : i32
        %add3A_480 = arith.constant 0 : i32
        %add3A_481 = arith.addi %add3A_480, %mul3A_479 : i32
        %get3A = arith.index_cast %add3A_481 : i32 to index
        %get3A_482 = arith.constant 0 : index
        %get3A_483 = tpu.vector_load %arg15[%get3A, %get3A_482] {strides = array<i32>} : memref<200x32xf32, #tpu.memory_space<vmem>>, vector<1x16xf32>,
        %get3A_484 = vector.shape_cast %get3A_483 : vector<1x16xf32> to vector<16xf32>
        %swap3A = arith.index_cast %add3A_481 : i32 to index
        %swap3A_485 = arith.constant 0 : index
        %swap3A_486 = tpu.vector_load %arg14[%swap3A, %swap3A_485] {strides = array<i32>} : memref<200x32xf32, #tpu.memory_space<vmem>>, vector<1x16xf32>,
        %swap3A_487 = vector.shape_cast %swap3A_486 : vector<1x16xf32> to vector<16xf32>
        %swap3A_488 = vector.shape_cast %get3A_484 : vector<16xf32> to vector<1x16xf32>
        tpu.vector_store %arg14[%swap3A, %swap3A_485], %swap3A_488 {add = true, strides = array<i32>} : memref<200x32xf32, #tpu.memory_space<vmem>>, vector<1x16xf32>,
        %get3A_489 = arith.index_cast %add3A_481 : i32 to index
        %get3A_490 = arith.constant 16 : index
        %get3A_491 = tpu.vector_load %arg15[%get3A_489, %get3A_490] {strides = array<i32>} : memref<200x32xf32, #tpu.memory_space<vmem>>, vector<1x16xf32>,
        %get3A_492 = vector.shape_cast %get3A_491 : vector<1x16xf32> to vector<16xf32>
        %swap3A_493 = arith.index_cast %add3A_481 : i32 to index
        %swap3A_494 = arith.constant 16 : index
        %swap3A_495 = tpu.vector_load %arg14[%swap3A_493, %swap3A_494] {strides = array<i32>} : memref<200x32xf32, #tpu.memory_space<vmem>>, vector<1x16xf32>,
        %swap3A_496 = vector.shape_cast %swap3A_495 : vector<1x16xf32> to vector<16xf32>
        %swap3A_497 = vector.shape_cast %get3A_492 : vector<16xf32> to vector<1x16xf32>
        tpu.vector_store %arg14[%swap3A_493, %swap3A_494], %swap3A_497 {add = true, strides = array<i32>} : memref<200x32xf32, #tpu.memory_space<vmem>>, vector<1x16xf32>,
        %scan3A_498 = arith.constant 1 : i32
        %scan3A_499 = arith.addi %scan3A_477, %scan3A_498 : i32
        %mul3A_500 = arith.constant 1 : i32
        %mul3A_501 = arith.muli %scan3A_499, %mul3A_500 : i32
        %add3A_502 = arith.constant 0 : i32
        %add3A_503 = arith.addi %add3A_502, %mul3A_501 : i32
        %get3A_504 = arith.index_cast %add3A_503 : i32 to index
        %get3A_505 = arith.constant 0 : index
        %get3A_506 = tpu.vector_load %arg15[%get3A_504, %get3A_505] {strides = array<i32>} : memref<200x32xf32, #tpu.memory_space<vmem>>, vector<1x16xf32>,
        %get3A_507 = vector.shape_cast %get3A_506 : vector<1x16xf32> to vector<16xf32>
        %swap3A_508 = arith.index_cast %add3A_503 : i32 to index
        %swap3A_509 = arith.constant 0 : index
        %swap3A_510 = tpu.vector_load %arg14[%swap3A_508, %swap3A_509] {strides = array<i32>} : memref<200x32xf32, #tpu.memory_space<vmem>>, vector<1x16xf32>,
        %swap3A_511 = vector.shape_cast %swap3A_510 : vector<1x16xf32> to vector<16xf32>
        %swap3A_512 = vector.shape_cast %get3A_507 : vector<16xf32> to vector<1x16xf32>
        tpu.vector_store %arg14[%swap3A_508, %swap3A_509], %swap3A_512 {add = true, strides = array<i32>} : memref<200x32xf32, #tpu.memory_space<vmem>>, vector<1x16xf32>,
        %get3A_513 = arith.index_cast %add3A_503 : i32 to index
        %get3A_514 = arith.constant 16 : index
        %get3A_515 = tpu.vector_load %arg15[%get3A_513, %get3A_514] {strides = array<i32>} : memref<200x32xf32, #tpu.memory_space<vmem>>, vector<1x16xf32>,
        %get3A_516 = vector.shape_cast %get3A_515 : vector<1x16xf32> to vector<16xf32>
        %swap3A_517 = arith.index_cast %add3A_503 : i32 to index
        %swap3A_518 = arith.constant 16 : index
        %swap3A_519 = tpu.vector_load %arg14[%swap3A_517, %swap3A_518] {strides = array<i32>} : memref<200x32xf32, #tpu.memory_space<vmem>>, vector<1x16xf32>,
        %swap3A_520 = vector.shape_cast %swap3A_519 : vector<1x16xf32> to vector<16xf32>
        %swap3A_521 = vector.shape_cast %get3A_516 : vector<16xf32> to vector<1x16xf32>
        tpu.vector_store %arg14[%swap3A_517, %swap3A_518], %swap3A_521 {add = true, strides = array<i32>} : memref<200x32xf32, #tpu.memory_space<vmem>>, vector<1x16xf32>,
        %scan3A_522 = arith.constant 2 : i32
        %scan3A_523 = arith.addi %scan3A_477, %scan3A_522 : i32
        %mul3A_524 = arith.constant 1 : i32
        %mul3A_525 = arith.muli %scan3A_523, %mul3A_524 : i32
        %add3A_526 = arith.constant 0 : i32
        %add3A_527 = arith.addi %add3A_526, %mul3A_525 : i32
        %get3A_528 = arith.index_cast %add3A_527 : i32 to index
        %get3A_529 = arith.constant 0 : index
        %get3A_530 = tpu.vector_load %arg15[%get3A_528, %get3A_529] {strides = array<i32>} : memref<200x32xf32, #tpu.memory_space<vmem>>, vector<1x16xf32>,
        %get3A_531 = vector.shape_cast %get3A_530 : vector<1x16xf32> to vector<16xf32>
        %swap3A_532 = arith.index_cast %add3A_527 : i32 to index
        %swap3A_533 = arith.constant 0 : index
        %swap3A_534 = tpu.vector_load %arg14[%swap3A_532, %swap3A_533] {strides = array<i32>} : memref<200x32xf32, #tpu.memory_space<vmem>>, vector<1x16xf32>,
        %swap3A_535 = vector.shape_cast %swap3A_534 : vector<1x16xf32> to vector<16xf32>
        %swap3A_536 = vector.shape_cast %get3A_531 : vector<16xf32> to vector<1x16xf32>
        tpu.vector_store %arg14[%swap3A_532, %swap3A_533], %swap3A_536 {add = true, strides = array<i32>} : memref<200x32xf32, #tpu.memory_space<vmem>>, vector<1x16xf32>,
        %get3A_537 = arith.index_cast %add3A_527 : i32 to index
        %get3A_538 = arith.constant 16 : index
        %get3A_539 = tpu.vector_load %arg15[%get3A_537, %get3A_538] {strides = array<i32>} : memref<200x32xf32, #tpu.memory_space<vmem>>, vector<1x16xf32>,
        %get3A_540 = vector.shape_cast %get3A_539 : vector<1x16xf32> to vector<16xf32>
        %swap3A_541 = arith.index_cast %add3A_527 : i32 to index
        %swap3A_542 = arith.constant 16 : index
        %swap3A_543 = tpu.vector_load %arg14[%swap3A_541, %swap3A_542] {strides = array<i32>} : memref<200x32xf32, #tpu.memory_space<vmem>>, vector<1x16xf32>,
        %swap3A_544 = vector.shape_cast %swap3A_543 : vector<1x16xf32> to vector<16xf32>
        %swap3A_545 = vector.shape_cast %get3A_540 : vector<16xf32> to vector<1x16xf32>
        tpu.vector_store %arg14[%swap3A_541, %swap3A_542], %swap3A_545 {add = true, strides = array<i32>} : memref<200x32xf32, #tpu.memory_space<vmem>>, vector<1x16xf32>,
        %scan3A_546 = arith.constant 3 : i32
        %scan3A_547 = arith.addi %scan3A_477, %scan3A_546 : i32
        %mul3A_548 = arith.constant 1 : i32
        %mul3A_549 = arith.muli %scan3A_547, %mul3A_548 : i32
        %add3A_550 = arith.constant 0 : i32
        %add3A_551 = arith.addi %add3A_550, %mul3A_549 : i32
        %get3A_552 = arith.index_cast %add3A_551 : i32 to index
        %get3A_553 = arith.constant 0 : index
        %get3A_554 = tpu.vector_load %arg15[%get3A_552, %get3A_553] {strides = array<i32>} : memref<200x32xf32, #tpu.memory_space<vmem>>, vector<1x16xf32>,
        %get3A_555 = vector.shape_cast %get3A_554 : vector<1x16xf32> to vector<16xf32>
        %swap3A_556 = arith.index_cast %add3A_551 : i32 to index
        %swap3A_557 = arith.constant 0 : index
        %swap3A_558 = tpu.vector_load %arg14[%swap3A_556, %swap3A_557] {strides = array<i32>} : memref<200x32xf32, #tpu.memory_space<vmem>>, vector<1x16xf32>,
        %swap3A_559 = vector.shape_cast %swap3A_558 : vector<1x16xf32> to vector<16xf32>
        %swap3A_560 = vector.shape_cast %get3A_555 : vector<16xf32> to vector<1x16xf32>
        tpu.vector_store %arg14[%swap3A_556, %swap3A_557], %swap3A_560 {add = true, strides = array<i32>} : memref<200x32xf32, #tpu.memory_space<vmem>>, vector<1x16xf32>,
        %get3A_561 = arith.index_cast %add3A_551 : i32 to index
        %get3A_562 = arith.constant 16 : index
        %get3A_563 = tpu.vector_load %arg15[%get3A_561, %get3A_562] {strides = array<i32>} : memref<200x32xf32, #tpu.memory_space<vmem>>, vector<1x16xf32>,
        %get3A_564 = vector.shape_cast %get3A_563 : vector<1x16xf32> to vector<16xf32>
        %swap3A_565 = arith.index_cast %add3A_551 : i32 to index
        %swap3A_566 = arith.constant 16 : index
        %swap3A_567 = tpu.vector_load %arg14[%swap3A_565, %swap3A_566] {strides = array<i32>} : memref<200x32xf32, #tpu.memory_space<vmem>>, vector<1x16xf32>,
        %swap3A_568 = vector.shape_cast %swap3A_567 : vector<1x16xf32> to vector<16xf32>
        %swap3A_569 = vector.shape_cast %get3A_564 : vector<16xf32> to vector<1x16xf32>
        tpu.vector_store %arg14[%swap3A_565, %swap3A_566], %swap3A_569 {add = true, strides = array<i32>} : memref<200x32xf32, #tpu.memory_space<vmem>>, vector<1x16xf32>,
        %scan3A_570 = arith.constant 4 : i32
        %scan3A_571 = arith.addi %scan3A_477, %scan3A_570 : i32
        %mul3A_572 = arith.constant 1 : i32
        %mul3A_573 = arith.muli %scan3A_571, %mul3A_572 : i32
        %add3A_574 = arith.constant 0 : i32
        %add3A_575 = arith.addi %add3A_574, %mul3A_573 : i32
        %get3A_576 = arith.index_cast %add3A_575 : i32 to index
        %get3A_577 = arith.constant 0 : index
        %get3A_578 = tpu.vector_load %arg15[%get3A_576, %get3A_577] {strides = array<i32>} : memref<200x32xf32, #tpu.memory_space<vmem>>, vector<1x16xf32>,
        %get3A_579 = vector.shape_cast %get3A_578 : vector<1x16xf32> to vector<16xf32>
        %swap3A_580 = arith.index_cast %add3A_575 : i32 to index
        %swap3A_581 = arith.constant 0 : index
        %swap3A_582 = tpu.vector_load %arg14[%swap3A_580, %swap3A_581] {strides = array<i32>} : memref<200x32xf32, #tpu.memory_space<vmem>>, vector<1x16xf32>,
        %swap3A_583 = vector.shape_cast %swap3A_582 : vector<1x16xf32> to vector<16xf32>
        %swap3A_584 = vector.shape_cast %get3A_579 : vector<16xf32> to vector<1x16xf32>
        tpu.vector_store %arg14[%swap3A_580, %swap3A_581], %swap3A_584 {add = true, strides = array<i32>} : memref<200x32xf32, #tpu.memory_space<vmem>>, vector<1x16xf32>,
        %get3A_585 = arith.index_cast %add3A_575 : i32 to index
        %get3A_586 = arith.constant 16 : index
        %get3A_587 = tpu.vector_load %arg15[%get3A_585, %get3A_586] {strides = array<i32>} : memref<200x32xf32, #tpu.memory_space<vmem>>, vector<1x16xf32>,
        %get3A_588 = vector.shape_cast %get3A_587 : vector<1x16xf32> to vector<16xf32>
        %swap3A_589 = arith.index_cast %add3A_575 : i32 to index
        %swap3A_590 = arith.constant 16 : index
        %swap3A_591 = tpu.vector_load %arg14[%swap3A_589, %swap3A_590] {strides = array<i32>} : memref<200x32xf32, #tpu.memory_space<vmem>>, vector<1x16xf32>,
        %swap3A_592 = vector.shape_cast %swap3A_591 : vector<1x16xf32> to vector<16xf32>
        %swap3A_593 = vector.shape_cast %get3A_588 : vector<16xf32> to vector<1x16xf32>
        tpu.vector_store %arg14[%swap3A_589, %swap3A_590], %swap3A_593 {add = true, strides = array<i32>} : memref<200x32xf32, #tpu.memory_space<vmem>>, vector<1x16xf32>,
        %scan3A_594 = arith.constant 5 : i32
        %scan3A_595 = arith.addi %scan3A_477, %scan3A_594 : i32
        %mul3A_596 = arith.constant 1 : i32
        %mul3A_597 = arith.muli %scan3A_595, %mul3A_596 : i32
        %add3A_598 = arith.constant 0 : i32
        %add3A_599 = arith.addi %add3A_598, %mul3A_597 : i32
        %get3A_600 = arith.index_cast %add3A_599 : i32 to index
        %get3A_601 = arith.constant 0 : index
        %get3A_602 = tpu.vector_load %arg15[%get3A_600, %get3A_601] {strides = array<i32>} : memref<200x32xf32, #tpu.memory_space<vmem>>, vector<1x16xf32>,
        %get3A_603 = vector.shape_cast %get3A_602 : vector<1x16xf32> to vector<16xf32>
        %swap3A_604 = arith.index_cast %add3A_599 : i32 to index
        %swap3A_605 = arith.constant 0 : index
        %swap3A_606 = tpu.vector_load %arg14[%swap3A_604, %swap3A_605] {strides = array<i32>} : memref<200x32xf32, #tpu.memory_space<vmem>>, vector<1x16xf32>,
        %swap3A_607 = vector.shape_cast %swap3A_606 : vector<1x16xf32> to vector<16xf32>
        %swap3A_608 = vector.shape_cast %get3A_603 : vector<16xf32> to vector<1x16xf32>
        tpu.vector_store %arg14[%swap3A_604, %swap3A_605], %swap3A_608 {add = true, strides = array<i32>} : memref<200x32xf32, #tpu.memory_space<vmem>>, vector<1x16xf32>,
        %get3A_609 = arith.index_cast %add3A_599 : i32 to index
        %get3A_610 = arith.constant 16 : index
        %get3A_611 = tpu.vector_load %arg15[%get3A_609, %get3A_610] {strides = array<i32>} : memref<200x32xf32, #tpu.memory_space<vmem>>, vector<1x16xf32>,
        %get3A_612 = vector.shape_cast %get3A_611 : vector<1x16xf32> to vector<16xf32>
        %swap3A_613 = arith.index_cast %add3A_599 : i32 to index
        %swap3A_614 = arith.constant 16 : index
        %swap3A_615 = tpu.vector_load %arg14[%swap3A_613, %swap3A_614] {strides = array<i32>} : memref<200x32xf32, #tpu.memory_space<vmem>>, vector<1x16xf32>,
        %swap3A_616 = vector.shape_cast %swap3A_615 : vector<1x16xf32> to vector<16xf32>
        %swap3A_617 = vector.shape_cast %get3A_612 : vector<16xf32> to vector<1x16xf32>
        tpu.vector_store %arg14[%swap3A_613, %swap3A_614], %swap3A_617 {add = true, strides = array<i32>} : memref<200x32xf32, #tpu.memory_space<vmem>>, vector<1x16xf32>,
        %scan3A_618 = arith.constant 6 : i32
        %scan3A_619 = arith.addi %scan3A_477, %scan3A_618 : i32
        %mul3A_620 = arith.constant 1 : i32
        %mul3A_621 = arith.muli %scan3A_619, %mul3A_620 : i32
        %add3A_622 = arith.constant 0 : i32
        %add3A_623 = arith.addi %add3A_622, %mul3A_621 : i32
        %get3A_624 = arith.index_cast %add3A_623 : i32 to index
        %get3A_625 = arith.constant 0 : index
        %get3A_626 = tpu.vector_load %arg15[%get3A_624, %get3A_625] {strides = array<i32>} : memref<200x32xf32, #tpu.memory_space<vmem>>, vector<1x16xf32>,
        %get3A_627 = vector.shape_cast %get3A_626 : vector<1x16xf32> to vector<16xf32>
        %swap3A_628 = arith.index_cast %add3A_623 : i32 to index
        %swap3A_629 = arith.constant 0 : index
        %swap3A_630 = tpu.vector_load %arg14[%swap3A_628, %swap3A_629] {strides = array<i32>} : memref<200x32xf32, #tpu.memory_space<vmem>>, vector<1x16xf32>,
        %swap3A_631 = vector.shape_cast %swap3A_630 : vector<1x16xf32> to vector<16xf32>
        %swap3A_632 = vector.shape_cast %get3A_627 : vector<16xf32> to vector<1x16xf32>
        tpu.vector_store %arg14[%swap3A_628, %swap3A_629], %swap3A_632 {add = true, strides = array<i32>} : memref<200x32xf32, #tpu.memory_space<vmem>>, vector<1x16xf32>,
        %get3A_633 = arith.index_cast %add3A_623 : i32 to index
        %get3A_634 = arith.constant 16 : index
        %get3A_635 = tpu.vector_load %arg15[%get3A_633, %get3A_634] {strides = array<i32>} : memref<200x32xf32, #tpu.memory_space<vmem>>, vector<1x16xf32>,
        %get3A_636 = vector.shape_cast %get3A_635 : vector<1x16xf32> to vector<16xf32>
        %swap3A_637 = arith.index_cast %add3A_623 : i32 to index
        %swap3A_638 = arith.constant 16 : index
        %swap3A_639 = tpu.vector_load %arg14[%swap3A_637, %swap3A_638] {strides = array<i32>} : memref<200x32xf32, #tpu.memory_space<vmem>>, vector<1x16xf32>,
        %swap3A_640 = vector.shape_cast %swap3A_639 : vector<1x16xf32> to vector<16xf32>
        %swap3A_641 = vector.shape_cast %get3A_636 : vector<16xf32> to vector<1x16xf32>
        tpu.vector_store %arg14[%swap3A_637, %swap3A_638], %swap3A_641 {add = true, strides = array<i32>} : memref<200x32xf32, #tpu.memory_space<vmem>>, vector<1x16xf32>,
        %scan3A_642 = arith.constant 7 : i32
        %scan3A_643 = arith.addi %scan3A_477, %scan3A_642 : i32
        %mul3A_644 = arith.constant 1 : i32
        %mul3A_645 = arith.muli %scan3A_643, %mul3A_644 : i32
        %add3A_646 = arith.constant 0 : i32
        %add3A_647 = arith.addi %add3A_646, %mul3A_645 : i32
        %get3A_648 = arith.index_cast %add3A_647 : i32 to index
        %get3A_649 = arith.constant 0 : index
        %get3A_650 = tpu.vector_load %arg15[%get3A_648, %get3A_649] {strides = array<i32>} : memref<200x32xf32, #tpu.memory_space<vmem>>, vector<1x16xf32>,
        %get3A_651 = vector.shape_cast %get3A_650 : vector<1x16xf32> to vector<16xf32>
        %swap3A_652 = arith.index_cast %add3A_647 : i32 to index
        %swap3A_653 = arith.constant 0 : index
        %swap3A_654 = tpu.vector_load %arg14[%swap3A_652, %swap3A_653] {strides = array<i32>} : memref<200x32xf32, #tpu.memory_space<vmem>>, vector<1x16xf32>,
        %swap3A_655 = vector.shape_cast %swap3A_654 : vector<1x16xf32> to vector<16xf32>
        %swap3A_656 = vector.shape_cast %get3A_651 : vector<16xf32> to vector<1x16xf32>
        tpu.vector_store %arg14[%swap3A_652, %swap3A_653], %swap3A_656 {add = true, strides = array<i32>} : memref<200x32xf32, #tpu.memory_space<vmem>>, vector<1x16xf32>,
        %get3A_657 = arith.index_cast %add3A_647 : i32 to index
        %get3A_658 = arith.constant 16 : index
        %get3A_659 = tpu.vector_load %arg15[%get3A_657, %get3A_658] {strides = array<i32>} : memref<200x32xf32, #tpu.memory_space<vmem>>, vector<1x16xf32>,
        %get3A_660 = vector.shape_cast %get3A_659 : vector<1x16xf32> to vector<16xf32>
        %swap3A_661 = arith.index_cast %add3A_647 : i32 to index
        %swap3A_662 = arith.constant 16 : index
        %swap3A_663 = tpu.vector_load %arg14[%swap3A_661, %swap3A_662] {strides = array<i32>} : memref<200x32xf32, #tpu.memory_space<vmem>>, vector<1x16xf32>,
        %swap3A_664 = vector.shape_cast %swap3A_663 : vector<1x16xf32> to vector<16xf32>
        %swap3A_665 = vector.shape_cast %get3A_660 : vector<16xf32> to vector<1x16xf32>
        tpu.vector_store %arg14[%swap3A_661, %swap3A_662], %swap3A_665 {add = true, strides = array<i32>} : memref<200x32xf32, #tpu.memory_space<vmem>>, vector<1x16xf32>,
      }
      %scan3A_450 = arith.constant 200 : i32
      %mul3A_451 = arith.constant 128 : i32
      %mul3A_452 = arith.muli %add3A, %mul3A_451 : i32
      %add3A_453 = arith.addi %mul3A_452, %add3A_436 : i32
      %dma_start3A_454 = arith.constant 0 : i32
      %dma_start3A_455 = arith.constant 0 : i32
      %dma_start3A_456 = tpu.memref_slice %arg5[%add3A_453, %dma_start3A_454, %dma_start3A_455] : memref<4096x200x32xf32, #tpu.memory_space<hbm>> -> memref<1x200x32xf32, #tpu.memory_space<hbm>>
      %dma_start3A_457 = tpu.memref_squeeze %dma_start3A_456 : memref<1x200x32xf32, #tpu.memory_space<hbm>> -> memref<200x32xf32, #tpu.memory_space<hbm>>
      %dma_start3A_458 = arith.constant 0 : i32
      %dma_start3A_459 = arith.constant 0 : i32
      %dma_start3A_460 = tpu.memref_slice %arg5[%add3A_453, %dma_start3A_458, %dma_start3A_459] : memref<4096x200x32xf32, #tpu.memory_space<hbm>> -> memref<1x200x32xf32, #tpu.memory_space<hbm>>
      %dma_start3A_461 = tpu.memref_squeeze %dma_start3A_460 : memref<1x200x32xf32, #tpu.memory_space<hbm>> -> memref<200x32xf32, #tpu.memory_space<hbm>>
      tpu.enqueue_dma source(%arg14 : memref<200x32xf32, #tpu.memory_space<vmem>>) target(%dma_start3A_461 : memref<200x32xf32, #tpu.memory_space<hbm>>) target_semaphore(%arg31 : memref<!tpu.dma_semaphore, #tpu.memory_space<semaphore_mem>>)
      %add3A_462 = arith.constant 3 : i32
      %add3A_463 = arith.addi %add3A_436, %add3A_462 : i32
      %ge3A_464 = arith.constant 8 : i32
      %ge3A_465 = arith.cmpi sge, %add3A_463, %ge3A_464 : i32
      %lt3A_466 = arith.constant 128 : i32
      %lt3A_467 = arith.cmpi slt, %add3A_463, %lt3A_466 : i32
      %and3A_468 = arith.andi %ge3A_465, %lt3A_467 : i1
      %convert_element_type3A_469 = arith.extui %and3A_468 : i1 to i32
      %cond3A_470 = arith.constant 0 : i32
      %cond3A_471 = arith.cmpi ne, %convert_element_type3A_469, %cond3A_470 : i32
      scf.if %cond3A_471 {
        %dma_wait3A_477 = arith.constant 0 : i32
        %dma_wait3A_478 = arith.constant 0 : i32
        %dma_wait3A_479 = arith.constant 0 : i32
        %dma_wait3A_480 = tpu.memref_slice %arg5[%dma_wait3A_477, %dma_wait3A_478, %dma_wait3A_479] : memref<4096x200x32xf32, #tpu.memory_space<hbm>> -> memref<1x200x32xf32, #tpu.memory_space<hbm>>
        %dma_wait3A_481 = tpu.memref_squeeze %dma_wait3A_480 : memref<1x200x32xf32, #tpu.memory_space<hbm>> -> memref<200x32xf32, #tpu.memory_space<hbm>>
        %dma_wait3A_482 = arith.constant 0 : i32
        %dma_wait3A_483 = arith.constant 0 : i32
        %dma_wait3A_484 = tpu.memref_slice %arg5[%dma_wait3A_477, %dma_wait3A_482, %dma_wait3A_483] : memref<4096x200x32xf32, #tpu.memory_space<hbm>> -> memref<1x200x32xf32, #tpu.memory_space<hbm>>
        %dma_wait3A_485 = tpu.memref_squeeze %dma_wait3A_484 : memref<1x200x32xf32, #tpu.memory_space<hbm>> -> memref<200x32xf32, #tpu.memory_space<hbm>>
        tpu.wait_dma2 semaphore(%arg26 : memref<!tpu.dma_semaphore, #tpu.memory_space<semaphore_mem>>) src(%arg9 : memref<200x32xf32, #tpu.memory_space<vmem>>) dst(%dma_wait3A_485 : memref<200x32xf32, #tpu.memory_space<hbm>>)
      } else {
      }
      %lt3A_472 = arith.constant 128 : i32
      %lt3A_473 = arith.cmpi slt, %add3A_463, %lt3A_472 : i32
      %convert_element_type3A_474 = arith.extui %lt3A_473 : i1 to i32
      %cond3A_475 = arith.constant 0 : i32
      %cond3A_476 = arith.cmpi ne, %convert_element_type3A_474, %cond3A_475 : i32
      scf.if %cond3A_476 {
        %mul3A_477 = arith.constant 2 : i32
        %mul3A_478 = arith.muli %add3A_463, %mul3A_477 : i32
        %add3A_479 = arith.constant 0 : i32
        %add3A_480 = arith.addi %mul3A_478, %add3A_479 : i32
        %dma_start3A_481 = arith.constant 0 : i32
        %dma_start3A_482 = arith.constant 0 : i32
        %dma_start3A_483 = tpu.memref_slice %arg9[%dma_start3A_481, %dma_start3A_482] : memref<200x32xf32, #tpu.memory_space<vmem>> -> memref<100x32xf32, #tpu.memory_space<vmem>>
        %dma_start3A_484 = arith.constant 0 : i32
        %dma_start3A_485 = tpu.memref_slice %arg6[%add3A_480, %dma_start3A_484] : memref<256x100xi32, #tpu.memory_space<vmem>> -> memref<1x100xi32, #tpu.memory_space<vmem>>
        %dma_start3A_486 = tpu.memref_squeeze %dma_start3A_485 : memref<1x100xi32, #tpu.memory_space<vmem>> -> memref<100xi32, #tpu.memory_space<vmem>>
        %dma_start3A_487 = arith.constant 0 : i32
        %dma_start3A_488 = arith.constant 0 : i32
        %dma_start3A_489 = tpu.memref_slice %arg3[%dma_start3A_487, %dma_start3A_488] : memref<100000x32xf32, #tpu.memory_space<hbm>> -> memref<100000x32xf32, #tpu.memory_space<hbm>>
        tpu.enqueue_indirect_dma source(%dma_start3A_489 : memref<100000x32xf32, #tpu.memory_space<hbm>>) target(%dma_start3A_483 : memref<100x32xf32, #tpu.memory_space<vmem>>) offsets(%dma_start3A_486 : memref<100xi32, #tpu.memory_space<vmem>>) semaphore(%arg18 : memref<!tpu.dma_semaphore, #tpu.memory_space<semaphore_mem>>)
        %mul3A_490 = arith.constant 2 : i32
        %mul3A_491 = arith.muli %add3A_463, %mul3A_490 : i32
        %add3A_492 = arith.constant 1 : i32
        %add3A_493 = arith.addi %mul3A_491, %add3A_492 : i32
        %dma_start3A_494 = arith.constant 100 : i32
        %dma_start3A_495 = arith.constant 0 : i32
        %dma_start3A_496 = tpu.memref_slice %arg9[%dma_start3A_494, %dma_start3A_495] : memref<200x32xf32, #tpu.memory_space<vmem>> -> memref<100x32xf32, #tpu.memory_space<vmem>>
        %dma_start3A_497 = arith.constant 0 : i32
        %dma_start3A_498 = tpu.memref_slice %arg6[%add3A_493, %dma_start3A_497] : memref<256x100xi32, #tpu.memory_space<vmem>> -> memref<1x100xi32, #tpu.memory_space<vmem>>
        %dma_start3A_499 = tpu.memref_squeeze %dma_start3A_498 : memref<1x100xi32, #tpu.memory_space<vmem>> -> memref<100xi32, #tpu.memory_space<vmem>>
        %dma_start3A_500 = arith.constant 0 : i32
        %dma_start3A_501 = arith.constant 0 : i32
        %dma_start3A_502 = tpu.memref_slice %arg3[%dma_start3A_500, %dma_start3A_501] : memref<100000x32xf32, #tpu.memory_space<hbm>> -> memref<100000x32xf32, #tpu.memory_space<hbm>>
        tpu.enqueue_indirect_dma source(%dma_start3A_502 : memref<100000x32xf32, #tpu.memory_space<hbm>>) target(%dma_start3A_496 : memref<100x32xf32, #tpu.memory_space<vmem>>) offsets(%dma_start3A_499 : memref<100xi32, #tpu.memory_space<vmem>>) semaphore(%arg18 : memref<!tpu.dma_semaphore, #tpu.memory_space<semaphore_mem>>)
      } else {
      }
    }
    %scan3A_67 = arith.constant 16 : i32
    %dma_wait3A = arith.constant 0 : i32
    %dma_wait3A_68 = arith.constant 0 : i32
    %dma_wait3A_69 = arith.constant 0 : i32
    %dma_wait3A_70 = tpu.memref_slice %arg5[%dma_wait3A, %dma_wait3A_68, %dma_wait3A_69] : memref<4096x200x32xf32, #tpu.memory_space<hbm>> -> memref<1x200x32xf32, #tpu.memory_space<hbm>>
    %dma_wait3A_71 = tpu.memref_squeeze %dma_wait3A_70 : memref<1x200x32xf32, #tpu.memory_space<hbm>> -> memref<200x32xf32, #tpu.memory_space<hbm>>
    %dma_wait3A_72 = arith.constant 0 : i32
    %dma_wait3A_73 = arith.constant 0 : i32
    %dma_wait3A_74 = tpu.memref_slice %arg5[%dma_wait3A, %dma_wait3A_72, %dma_wait3A_73] : memref<4096x200x32xf32, #tpu.memory_space<hbm>> -> memref<1x200x32xf32, #tpu.memory_space<hbm>>
    %dma_wait3A_75 = tpu.memref_squeeze %dma_wait3A_74 : memref<1x200x32xf32, #tpu.memory_space<hbm>> -> memref<200x32xf32, #tpu.memory_space<hbm>>
    tpu.wait_dma2 semaphore(%arg24 : memref<!tpu.dma_semaphore, #tpu.memory_space<semaphore_mem>>) src(%arg7 : memref<200x32xf32, #tpu.memory_space<vmem>>) dst(%dma_wait3A_75 : memref<200x32xf32, #tpu.memory_space<hbm>>)
    %dma_wait3A_76 = arith.constant 0 : i32
    %dma_wait3A_77 = arith.constant 0 : i32
    %dma_wait3A_78 = arith.constant 0 : i32
    %dma_wait3A_79 = tpu.memref_slice %arg5[%dma_wait3A_76, %dma_wait3A_77, %dma_wait3A_78] : memref<4096x200x32xf32, #tpu.memory_space<hbm>> -> memref<1x200x32xf32, #tpu.memory_space<hbm>>
    %dma_wait3A_80 = tpu.memref_squeeze %dma_wait3A_79 : memref<1x200x32xf32, #tpu.memory_space<hbm>> -> memref<200x32xf32, #tpu.memory_space<hbm>>
    %dma_wait3A_81 = arith.constant 0 : i32
    %dma_wait3A_82 = arith.constant 0 : i32
    %dma_wait3A_83 = tpu.memref_slice %arg5[%dma_wait3A_76, %dma_wait3A_81, %dma_wait3A_82] : memref<4096x200x32xf32, #tpu.memory_space<hbm>> -> memref<1x200x32xf32, #tpu.memory_space<hbm>>
    %dma_wait3A_84 = tpu.memref_squeeze %dma_wait3A_83 : memref<1x200x32xf32, #tpu.memory_space<hbm>> -> memref<200x32xf32, #tpu.memory_space<hbm>>
    tpu.wait_dma2 semaphore(%arg25 : memref<!tpu.dma_semaphore, #tpu.memory_space<semaphore_mem>>) src(%arg8 : memref<200x32xf32, #tpu.memory_space<vmem>>) dst(%dma_wait3A_84 : memref<200x32xf32, #tpu.memory_space<hbm>>)
    %dma_wait3A_85 = arith.constant 0 : i32
    %dma_wait3A_86 = arith.constant 0 : i32
    %dma_wait3A_87 = arith.constant 0 : i32
    %dma_wait3A_88 = tpu.memref_slice %arg5[%dma_wait3A_85, %dma_wait3A_86, %dma_wait3A_87] : memref<4096x200x32xf32, #tpu.memory_space<hbm>> -> memref<1x200x32xf32, #tpu.memory_space<hbm>>
    %dma_wait3A_89 = tpu.memref_squeeze %dma_wait3A_88 : memref<1x200x32xf32, #tpu.memory_space<hbm>> -> memref<200x32xf32, #tpu.memory_space<hbm>>
    %dma_wait3A_90 = arith.constant 0 : i32
    %dma_wait3A_91 = arith.constant 0 : i32
    %dma_wait3A_92 = tpu.memref_slice %arg5[%dma_wait3A_85, %dma_wait3A_90, %dma_wait3A_91] : memref<4096x200x32xf32, #tpu.memory_space<hbm>> -> memref<1x200x32xf32, #tpu.memory_space<hbm>>
    %dma_wait3A_93 = tpu.memref_squeeze %dma_wait3A_92 : memref<1x200x32xf32, #tpu.memory_space<hbm>> -> memref<200x32xf32, #tpu.memory_space<hbm>>
    tpu.wait_dma2 semaphore(%arg26 : memref<!tpu.dma_semaphore, #tpu.memory_space<semaphore_mem>>) src(%arg9 : memref<200x32xf32, #tpu.memory_space<vmem>>) dst(%dma_wait3A_93 : memref<200x32xf32, #tpu.memory_space<hbm>>)
    %dma_wait3A_94 = arith.constant 0 : i32
    %dma_wait3A_95 = arith.constant 0 : i32
    %dma_wait3A_96 = arith.constant 0 : i32
    %dma_wait3A_97 = tpu.memref_slice %arg5[%dma_wait3A_94, %dma_wait3A_95, %dma_wait3A_96] : memref<4096x200x32xf32, #tpu.memory_space<hbm>> -> memref<1x200x32xf32, #tpu.memory_space<hbm>>
    %dma_wait3A_98 = tpu.memref_squeeze %dma_wait3A_97 : memref<1x200x32xf32, #tpu.memory_space<hbm>> -> memref<200x32xf32, #tpu.memory_space<hbm>>
    %dma_wait3A_99 = arith.constant 0 : i32
    %dma_wait3A_100 = arith.constant 0 : i32
    %dma_wait3A_101 = tpu.memref_slice %arg5[%dma_wait3A_94, %dma_wait3A_99, %dma_wait3A_100] : memref<4096x200x32xf32, #tpu.memory_space<hbm>> -> memref<1x200x32xf32, #tpu.memory_space<hbm>>
    %dma_wait3A_102 = tpu.memref_squeeze %dma_wait3A_101 : memref<1x200x32xf32, #tpu.memory_space<hbm>> -> memref<200x32xf32, #tpu.memory_space<hbm>>
    tpu.wait_dma2 semaphore(%arg27 : memref<!tpu.dma_semaphore, #tpu.memory_space<semaphore_mem>>) src(%arg10 : memref<200x32xf32, #tpu.memory_space<vmem>>) dst(%dma_wait3A_102 : memref<200x32xf32, #tpu.memory_space<hbm>>)
    %dma_wait3A_103 = arith.constant 0 : i32
    %dma_wait3A_104 = arith.constant 0 : i32
    %dma_wait3A_105 = arith.constant 0 : i32
    %dma_wait3A_106 = tpu.memref_slice %arg5[%dma_wait3A_103, %dma_wait3A_104, %dma_wait3A_105] : memref<4096x200x32xf32, #tpu.memory_space<hbm>> -> memref<1x200x32xf32, #tpu.memory_space<hbm>>
    %dma_wait3A_107 = tpu.memref_squeeze %dma_wait3A_106 : memref<1x200x32xf32, #tpu.memory_space<hbm>> -> memref<200x32xf32, #tpu.memory_space<hbm>>
    %dma_wait3A_108 = arith.constant 0 : i32
    %dma_wait3A_109 = arith.constant 0 : i32
    %dma_wait3A_110 = tpu.memref_slice %arg5[%dma_wait3A_103, %dma_wait3A_108, %dma_wait3A_109] : memref<4096x200x32xf32, #tpu.memory_space<hbm>> -> memref<1x200x32xf32, #tpu.memory_space<hbm>>
    %dma_wait3A_111 = tpu.memref_squeeze %dma_wait3A_110 : memref<1x200x32xf32, #tpu.memory_space<hbm>> -> memref<200x32xf32, #tpu.memory_space<hbm>>
    tpu.wait_dma2 semaphore(%arg28 : memref<!tpu.dma_semaphore, #tpu.memory_space<semaphore_mem>>) src(%arg11 : memref<200x32xf32, #tpu.memory_space<vmem>>) dst(%dma_wait3A_111 : memref<200x32xf32, #tpu.memory_space<hbm>>)
    %dma_wait3A_112 = arith.constant 0 : i32
    %dma_wait3A_113 = arith.constant 0 : i32
    %dma_wait3A_114 = arith.constant 0 : i32
    %dma_wait3A_115 = tpu.memref_slice %arg5[%dma_wait3A_112, %dma_wait3A_113, %dma_wait3A_114] : memref<4096x200x32xf32, #tpu.memory_space<hbm>> -> memref<1x200x32xf32, #tpu.memory_space<hbm>>
    %dma_wait3A_116 = tpu.memref_squeeze %dma_wait3A_115 : memref<1x200x32xf32, #tpu.memory_space<hbm>> -> memref<200x32xf32, #tpu.memory_space<hbm>>
    %dma_wait3A_117 = arith.constant 0 : i32
    %dma_wait3A_118 = arith.constant 0 : i32
    %dma_wait3A_119 = tpu.memref_slice %arg5[%dma_wait3A_112, %dma_wait3A_117, %dma_wait3A_118] : memref<4096x200x32xf32, #tpu.memory_space<hbm>> -> memref<1x200x32xf32, #tpu.memory_space<hbm>>
    %dma_wait3A_120 = tpu.memref_squeeze %dma_wait3A_119 : memref<1x200x32xf32, #tpu.memory_space<hbm>> -> memref<200x32xf32, #tpu.memory_space<hbm>>
    tpu.wait_dma2 semaphore(%arg29 : memref<!tpu.dma_semaphore, #tpu.memory_space<semaphore_mem>>) src(%arg12 : memref<200x32xf32, #tpu.memory_space<vmem>>) dst(%dma_wait3A_120 : memref<200x32xf32, #tpu.memory_space<hbm>>)
    %dma_wait3A_121 = arith.constant 0 : i32
    %dma_wait3A_122 = arith.constant 0 : i32
    %dma_wait3A_123 = arith.constant 0 : i32
    %dma_wait3A_124 = tpu.memref_slice %arg5[%dma_wait3A_121, %dma_wait3A_122, %dma_wait3A_123] : memref<4096x200x32xf32, #tpu.memory_space<hbm>> -> memref<1x200x32xf32, #tpu.memory_space<hbm>>
    %dma_wait3A_125 = tpu.memref_squeeze %dma_wait3A_124 : memref<1x200x32xf32, #tpu.memory_space<hbm>> -> memref<200x32xf32, #tpu.memory_space<hbm>>
    %dma_wait3A_126 = arith.constant 0 : i32
    %dma_wait3A_127 = arith.constant 0 : i32
    %dma_wait3A_128 = tpu.memref_slice %arg5[%dma_wait3A_121, %dma_wait3A_126, %dma_wait3A_127] : memref<4096x200x32xf32, #tpu.memory_space<hbm>> -> memref<1x200x32xf32, #tpu.memory_space<hbm>>
    %dma_wait3A_129 = tpu.memref_squeeze %dma_wait3A_128 : memref<1x200x32xf32, #tpu.memory_space<hbm>> -> memref<200x32xf32, #tpu.memory_space<hbm>>
    tpu.wait_dma2 semaphore(%arg30 : memref<!tpu.dma_semaphore, #tpu.memory_space<semaphore_mem>>) src(%arg13 : memref<200x32xf32, #tpu.memory_space<vmem>>) dst(%dma_wait3A_129 : memref<200x32xf32, #tpu.memory_space<hbm>>)
    %dma_wait3A_130 = arith.constant 0 : i32
    %dma_wait3A_131 = arith.constant 0 : i32
    %dma_wait3A_132 = arith.constant 0 : i32
    %dma_wait3A_133 = tpu.memref_slice %arg5[%dma_wait3A_130, %dma_wait3A_131, %dma_wait3A_132] : memref<4096x200x32xf32, #tpu.memory_space<hbm>> -> memref<1x200x32xf32, #tpu.memory_space<hbm>>
    %dma_wait3A_134 = tpu.memref_squeeze %dma_wait3A_133 : memref<1x200x32xf32, #tpu.memory_space<hbm>> -> memref<200x32xf32, #tpu.memory_space<hbm>>
    %dma_wait3A_135 = arith.constant 0 : i32
    %dma_wait3A_136 = arith.constant 0 : i32
    %dma_wait3A_137 = tpu.memref_slice %arg5[%dma_wait3A_130, %dma_wait3A_135, %dma_wait3A_136] : memref<4096x200x32xf32, #tpu.memory_space<hbm>> -> memref<1x200x32xf32, #tpu.memory_space<hbm>>
    %dma_wait3A_138 = tpu.memref_squeeze %dma_wait3A_137 : memref<1x200x32xf32, #tpu.memory_space<hbm>> -> memref<200x32xf32, #tpu.memory_space<hbm>>
    tpu.wait_dma2 semaphore(%arg31 : memref<!tpu.dma_semaphore, #tpu.memory_space<semaphore_mem>>) src(%arg14 : memref<200x32xf32, #tpu.memory_space<vmem>>) dst(%dma_wait3A_138 : memref<200x32xf32, #tpu.memory_space<hbm>>)
    return
  }
}

</mosaic_0001>

<sc_bundles>
// kernel: kernel.3.cloned.1.call-start
scs
__scs_entry_jumppad:
0x0: {  	(pc) =	sbr.rel $0x88, $3  }
0x1: {  	(tag) =	ssettag $0x0;
	lr =	simm.s32 $0x1  }
0x2: {  	[smem:$0x3F9E] =	sst lr;
	_ =	strace $0xD0000000  }
0x3: {  	_ = 	snop  }
0x4: {  	_ = 	snop  }
0x5: {  	_ = 	snop  }
0x6: {  	_ = 	snop  }
0x7: {  	_ = 	snop  }
__scs_overlays_trampoline_lowered:
0x8: {  	[smem:$0x3FAD] =	sst s0  }
0x9: {  	[smem:$0x3FAE] =	sst s1  }
0xa: {  	[smem:$0x3FAF] =	sst s2  }
0xb: {  	[smem:$0x3FB0] =	sst s3  }
0xc: {  	[smem:$0x3FB1] =	sst s4  }
0xd: {  	[smem:$0x3FB2] =	sst s5  }
0xe: {  	[smem:$0x3FB3] =	sst s6  }
0xf: {  	[smem:$0x3FB4] =	sst s7  }
0x10: {  	[smem:$0x3FB5] =	sst s8  }
0x11: {  	[smem:$0x3FB6] =	sst s9;
	s0 =	simm.s32 @!p0 $0x0  }
0x12: {  	s1 =	sld [smem:$0x3F9C];
	s0 =	simm.s32 @p0 $0x1  }
0x13: {  	[smem:$0x3FB7] =	sst s0;
	s0 =	simm.s32 @!p1 $0x0  }
0x14: {  	s2 =	sld [smem:$0x3F9B];
	s0 =	simm.s32 @p1 $0x1  }
0x15: {  	[smem:$0x3FB8] =	sst s0;
	s0 =	simm.s32 @!p2 $0x0  }
0x16: {  	s3 =	sld [smem:$0x3FDB];
	s0 =	simm.s32 @p2 $0x1  }
0x17: {  	s4 =	simm.s32 $0x1BF5;
	[smem:$0x3FBA] =	sst s0  }
0x18: {  	s0 =	sld [smem:$0x3F9D];
	_ =	swait.ge [sflag:s4], $0x0  }
0x19: {  	s7 =	sld [smem:$0x3F9E]  }
0x1a: {  	s8 =	sadd.s32 $0xFFFFE003, lr  }
0x1b: {  	s9 =	sadd.s32 $0xFFFFFEF7, lr;
	s5 =	simm.s32 $0xFFFFFFFF;
	p2 =	slt.u32 s8, $0xFFFFF086  }
0x1c: {  	p1 =	slt.u32 s9, $0xF7A;
	s5 =	simm.s32 @!p2 $0x0  }
0x1d: {  	s5 =	simm.s32 @p1 $0x1;
	p0 =	seq.s32 s7, s2  }
0x1e: {  	s7 =	smul.u32 @!p0 $0xF7A, s2;
	p2 =	seq.s32 @!p0 s5, $0x0  }
0x1f: {  	s9 =	smul.u32 $0xF7A, s1;
	s8 =	simm.s32 @!p0 $0x1BF5;
	p2 =	por !p2, p0  }
0x20: {  	[sflag:s8] =	ssyncset.s32 @!p0 $0xFFFFF086;
	s6 =	sadd.s32 @!p0 s3, s7;
	s7 =	simm.s32 @!p0 $0x108  }
0x21: {  	s3 =	sadd.s32 s3, s9;
	s6 =	sadd.s32 @!p0 $0x88, s6;
	s7 =	simm.s32 @p2 $0x1082  }
0x22: {  	[simem:s7], [sflag:s8] =	dma.local @!p0 [hbm:s6], $0xF7A  }
0x23: {  	s9 =	sor.u32 $0xD0000000, s2;
	s6 =	simm.s32 $0x108;
	_ =	swait.ge @!p0 [sflag:s8], $0x0  }
0x24: {  	s3 =	sadd.s32 $0x88, s3;
	s6 =	simm.s32 @!p1 $0x1082;
	[sflag:s4] =	ssyncset.s32 $0xFFFFF086  }
0x25: {  	[simem:s6], [sflag:s4] =	dma.local [hbm:s3], $0xF7A  }
0x26: {  	[smem:$0x3F9E] =	sst s1;
	(tag) =	ssettag s2;
	_ =	strace s9  }
0x27: {  	s1 =	sld [smem:$0x3FAE]  }
0x28: {  	s2 =	sld [smem:$0x3FAF]  }
0x29: {  	s4 =	sld [smem:$0x3FB1]  }
0x2a: {  	p0 =	seq.s32 s5, $0x0;
	s5 =	sld [smem:$0x3FB2]  }
0x2b: {  	s6 =	sld [smem:$0x3FB3]  }
0x2c: {  	s7 =	sld [smem:$0x3FB4]  }
0x2d: {  	s3 =	simm.s32 $0x108;
	s8 =	sld [smem:$0x3FB5]  }
0x2e: {  	s3 =	simm.s32 @!p0 $0x1082;
	s9 =	sld [smem:$0x3FB6]  }
0x2f: {  	lr =	sadd.s32 s0, s3;
	s0 =	sld [smem:$0x3FAD]  }
0x30: {  	s3 =	sld [smem:$0x3FB0]  }
0x31: {  	[smem:$0x3FB9] =	sst s10  }
0x32: {  	s10 =	sld [smem:$0x3FB7];
	_ =	sdelay $0x3  }
0x33: {  	p0 =	seq.s32 s10, $0x1;
	s10 =	sld [smem:$0x3FB9];
	_ =	sdelay $0x3  }
0x34: {  	[smem:$0x3FB9] =	sst s10  }
0x35: {  	s10 =	sld [smem:$0x3FB8];
	_ =	sdelay $0x3  }
0x36: {  	p1 =	seq.s32 s10, $0x1;
	s10 =	sld [smem:$0x3FB9];
	_ =	sdelay $0x3  }
0x37: {  	[smem:$0x3FB9] =	sst s10  }
0x38: {  	s10 =	sld [smem:$0x3FBA]  }
0x39: {  	_ = 	snop;
	(pc) =	sbr.ind lr, $3  }
0x3a: {  	_ = 	snop  }
0x3b: {  	_ = 	snop  }
0x3c: {  	p2 =	seq.s32 s10, $0x1;
	s10 =	sld [smem:$0x3FB9]  }
0x3d: {  	_ =	shalt  }
0x3e: {  	_ =	shalt  }
0x3f: {  	_ =	shalt  }
0x40: {  	_ =	shalt  }
0x41: {  	_ =	shalt  }
0x42: {  	_ =	shalt  }
0x43: {  	_ =	shalt  }
0x44: {  	_ =	shalt  }
0x45: {  	_ =	shalt  }
0x46: {  	_ =	shalt  }
0x47: {  	_ =	shalt  }
0x48: {  	_ =	shalt  }
0x49: {  	_ =	shalt  }
0x4a: {  	_ =	shalt  }
0x4b: {  	_ =	shalt  }
0x4c: {  	_ =	shalt  }
0x4d: {  	_ =	shalt  }
0x4e: {  	_ =	shalt  }
0x4f: {  	_ =	shalt  }
0x50: {  	_ =	shalt  }
0x51: {  	_ =	shalt  }
0x52: {  	_ =	shalt  }
0x53: {  	_ =	shalt  }
0x54: {  	_ =	shalt  }
0x55: {  	_ =	shalt  }
0x56: {  	_ =	shalt  }
0x57: {  	_ =	shalt  }
0x58: {  	_ =	shalt  }
0x59: {  	_ =	shalt  }
0x5a: {  	_ =	shalt  }
0x5b: {  	_ =	shalt  }
0x5c: {  	_ =	shalt  }
0x5d: {  	_ =	shalt  }
0x5e: {  	_ =	shalt  }
0x5f: {  	_ =	shalt  }
0x60: {  	_ =	shalt  }
0x61: {  	_ =	shalt  }
0x62: {  	_ =	shalt  }
0x63: {  	_ =	shalt  }
0x64: {  	_ =	shalt  }
0x65: {  	_ =	shalt  }
0x66: {  	_ =	shalt  }
0x67: {  	_ =	shalt  }
0x68: {  	_ =	shalt  }
0x69: {  	_ =	shalt  }
0x6a: {  	_ =	shalt  }
0x6b: {  	_ =	shalt  }
0x6c: {  	_ =	shalt  }
0x6d: {  	_ =	shalt  }
0x6e: {  	_ =	shalt  }
0x6f: {  	_ =	shalt  }
0x70: {  	_ =	shalt  }
0x71: {  	_ =	shalt  }
0x72: {  	_ =	shalt  }
0x73: {  	_ =	shalt  }
0x74: {  	_ =	shalt  }
0x75: {  	_ =	shalt  }
0x76: {  	_ =	shalt  }
0x77: {  	_ =	shalt  }
0x78: {  	_ =	shalt  }
0x79: {  	_ =	shalt  }
0x7a: {  	_ =	shalt  }
0x7b: {  	_ =	shalt  }
0x7c: {  	_ =	shalt  }
0x7d: {  	_ =	shalt  }
0x7e: {  	_ =	shalt  }
0x7f: {  	_ =	shalt  }
0x80: {  	_ =	shalt  }
0x81: {  	_ =	shalt  }
0x82: {  	_ =	shalt  }
0x83: {  	_ =	shalt  }
0x84: {  	_ =	shalt  }
0x85: {  	_ =	shalt  }
0x86: {  	_ =	shalt  }
0x87: {  	_ =	shalt  }
.Lfunc_end0:
.L_simem_size_0:
called_computation.1_lowered:
.L_overlay_start_0:
0x88: {  	s2 =	sld [smem:$0x3FD9]  }
0x89: {  	s3 =	sld [smem:$0x3FFE];
	_ =	sdelay $0x1  }
0x8a: {  	s1 =	srdreg.scid  }
0x8b: {  	s0 =	sand.u32 $0x1, s1  }
0x8c: {  	s17 =	sshll.u32 s0, $0xA;
	s2 =	sadd.s32 s3, s2  }
0x8d: {  	s2 =	sadd.s32 s2, s17  }
0x8e: {  	[smem:$0x3FC5] =	sst s2  }
0x8f: {  	_ = 	snop  }
0x90: {  	s2 =	sld [smem:$0x3FD0];
	(tm) =	ssettm $0x1  }
0x91: {  	s18 =	sld [smem:$0x3FFB];
	_ =	sdelay $0x3  }
0x92: {  	_ =	strace s18  }
0x93: {  	s3 =	sld [smem:$0x3FFC];
	_ =	sdelay $0x3  }
0x94: {  	_ =	strace s3  }
0x95: {  	s3 =	sld [smem:$0x3FFD];
	_ =	sdelay $0x3  }
0x96: {  	_ =	strace s3  }
0x97: {  	_ =	strace $0x8FFFFFFF  }
0x98: {  	s19 =	sld [smem:$0x3FDB];
	_ =	sdelay $0x1  }
0x99: {  	s4 =	simm.s32 $_scs_section_size  }
0x9a: {  	s5 =	simm.s32 $_size__tile_overlayer_lowered;
	s6 =	simm.s32 $_tile_overlayer_lowered  }
0x9b: {  	s22 =	simm.s32 $0x1BFF;
	s21 =	sshll.u32 s6, $0x1;
	s3 =	sadd.s32 s4, s19  }
0x9c: {  	s7 =	simm.s32 $0x0;
	s20 =	sshll.u32 s5, $0x1;
	s5 =	sadd.s32 s21, s3  }
0x9d: {  	[timem:s7], [sflag:s22] =	dma.local [hbm:s5], s20  }
0x9e: {  	_ =	swait.ge [sflag:s22], s20  }
0x9f: {  	s4 =	ssub.s32 $0x0, s20;
	[sflag:s22] =	ssyncset.done $0x0  }
0xa0: {  	[sflag:s22] =	ssyncadd.s32 s4;
	_ =	sdelay $0x1  }
0xa1: {  	s23 =	simm.s32 $0x1B8B  }
0xa2: {  	_ =	swait.ge [sflag:s23], $0x1  }
0xa3: {  	[sflag:s23] =	ssyncset.done $0x0  }
0xa4: {  	s25 =	simm.s32 $0x1B8E;
	s24 =	sld [smem:$0x3FFE];
	[sflag:s23] =	ssyncadd.s32 $0xFFFFFFFF  }
0xa5: {  	s26 =	simm.s32 $execute0_lowered;
	[smem:$0x3FD2] =	sst s25  }
0xa6: {  	s5 =	sshll.u32 s26, $0x1;
	_ =	strace $0x80000046;
	[dreg:$0x1] =	wrdreg $0xFFFFFFFF  }
0xa7: {  	s28 =	simm.s32 $_size_execute0_lowered;
	s3 =	sadd.s32 s3, s5;
	[dreg:$0x0] =	wrdreg $0x0  }
0xa8: {  	s5 =	sshll.u32 s28, $0x1;
	[dreg:$0x2] =	wrdreg s3  }
0xa9: {  	[dreg:$0x3] =	wrdreg s5  }
0xaa: {  	[dreg:$0x4] =	wrdreg $0xC0  }
0xab: {  	_ =	task [dreg:s7], $0x5FFFF  }
0xac: {  	[dreg:$0x1] =	wrdreg $0xFFFFFFFF  }
0xad: {  	[dreg:$0x0] =	wrdreg $0x60  }
0xae: {  	[dreg:$0x2] =	wrdreg s24  }
0xaf: {  	[dreg:$0x3] =	wrdreg s2  }
0xb0: {  	[dreg:$0x4] =	wrdreg $0x9  }
0xb1: {  	_ =	task.clear_ibuf [dreg:s7], $0x5FFFF;
	_ =	strace $0x90000046  }
0xb2: {  	s29 =	simm.s32 $0x9;
	_ =	strace $0x80000048  }
0xb3: {  	_ =	swait.ge [sflag:s29], $0x1  }
0xb4: {  	[sflag:s29] =	ssyncadd.s32 $0xFFFFFFFF  }
0xb5: {  	_ =	strace $0x90000048  }
0xb6: {  	_ =	sfence  }
0xb7: {  	s30 =	sld [smem:$0x0];
	_ =	sdelay $0x2  }
0xb8: {  	s31 =	sshll.u32 s1, $0xD;
	s1 =	sshrl.u32 s1, $0x2  }
0xb9: {  	s3 =	sand.u32 $0x4000, s31;
	s1 =	sadd.s32 s1, s30  }
0xba: {  	s0 =	sor.u32 s3, s0;
	s1 =	sshll.u32 s1, $0x11  }
0xbb: {  	s0 =	sor.u32 s1, s0  }
0xbc: {  	s0 =	sadd.s32 $0x8F2B, s0  }
0xbd: {  	[sflag:s0] =	ssyncadd.remote.s32 $0x1  }
0xbe: {  	_ =	sfence.sel $0xFFFF  }
0xbf: {  	[dreg:$0x0] =	wrdreg $0xFFFFFFFF;
	(pc) =	sbr.abs _section_cstart, $3  }
0xc0: {  	[dreg:$0x1] =	wrdreg $0xFFFFFFFF  }
0xc1: {  	_ =	task.clear_ibuf [dreg:s7], $0x2FFFF;
	_ =	strace $0x9FFFFFFF  }
0xc2: {  	(tm) =	ssettm $0x7FFFFFFF  }
0xc3: {  	_ =	shalt  }
tec
execute0_lowered:
.L_overlay_start_1:
0x0: {  	(tag) =	ssettag $0x1  }
0x1: {  	s0 =	srdreg.scid;
	s2 =	stileid.u32  }
0x2: {  	s1 =	rddreg [dreg:$0x0];
	s11 =	simm.s32 $0x64;
	s12 =	simm.s32 $0x6800  }
0x3: {  	s16 =	simm.s32 $0x8100;
	s20 =	simm.s32 $0x9A00;
	s23 =	simm.s32 $0x1  }
0x4: {  	s24 =	simm.s32 $0xB300;
	s28 =	simm.s32 $0xCC00;
	s30 =	simm.s32 $0x3  }
0x5: {  	s31 =	simm.s32 $0xE500;
	s9 =	simm.s32 $0xFE00;
	s14 =	simm.s32 $0x5  }
0x6: {  	s15 =	simm.s32 $0x11700;
	s17 =	simm.s32 $0x12380;
	s18 =	simm.s32 $0x6  }
0x7: {  	s19 =	simm.s32 $0x7;
	s21 =	simm.s32 $0x8;
	s8 =	simm.s32 $0xB  }
0x8: {  	s0 =	sand.u32 $0x1, s0;
	s3 =	sshll.u32 s2, $0x1;
	s2 =	rddreg [dreg:$0x1]  }
0x9: {  	s5 =	sor.u32 s0, s3;
	s3 =	simm.s32 $0x0;
	s0 =	ssub.s32 $0x2, s0  }
0xa: {  	s4 =	smul.u32 $0xD00, s5;
	[smem:$0x7FF] =	sst s3;
	s26 =	sshrl.u32 s0, $0x1  }
.Ltmp0:
0xb: {  	s7 =	sshll.u32 s5, $0x7;
	s0 =	ssub.s32 s0, s26;
	(pc) =	sbr.rel .LBB2_1-.Ltmp0, $4  }
0xc: {  	s6 =	sadd.s32 s4, s1;
	s4 =	sadd.s32 $0x1BC00, s1;
	s1 =	sadd.s32 $0x1800, s1  }
0xd: {  	_ =	strace $0x80000047;
	s0 =	smax.u32 s0, $0x1;
	[dreg:$0x3] =	wrdreg s1  }
0xe: {  	s26 =	simm.s32 $0x2;
	s29 =	sadd.s32 $0x1C00, s6;
	[dreg:$0x5] =	wrdreg s0  }
0xf: {  	s0 =	simm.s32 $0x4;
	s6 =	simm.s32 $0x0;
	[dreg:$0x4] =	wrdreg s29  }
.LBB2_20:
0x10: {  	s1 =	simm.s32 $0x9  }
0x11: {  	_ =	swait.ge [sflag:s1], $0x1900  }
0x12: {  	[sflag:s1] =	ssyncset.done $0x0  }
0x13: {  	s6 =	simm.s32 $0xA;
	[sflag:s1] =	ssyncadd.s32 $0xFFFFE700  }
0x14: {  	_ =	swait.ge [sflag:s6], $0x1900  }
0x15: {  	[sflag:s6] =	ssyncset.done $0x0  }
0x16: {  	[sflag:s6] =	ssyncadd.s32 $0xFFFFE700  }
0x17: {  	_ =	swait.ge [sflag:s8], $0x1900  }
0x18: {  	[sflag:s8] =	ssyncset.done $0x0  }
0x19: {  	s10 =	simm.s32 $0xC;
	[sflag:s8] =	ssyncadd.s32 $0xFFFFE700  }
0x1a: {  	_ =	swait.ge [sflag:s10], $0x1900  }
0x1b: {  	[sflag:s10] =	ssyncset.done $0x0  }
0x1c: {  	s13 =	simm.s32 $0xD;
	[sflag:s10] =	ssyncadd.s32 $0xFFFFE700  }
0x1d: {  	_ =	swait.ge [sflag:s13], $0x1900  }
0x1e: {  	[sflag:s13] =	ssyncset.done $0x0  }
0x1f: {  	s22 =	simm.s32 $0xE;
	[sflag:s13] =	ssyncadd.s32 $0xFFFFE700  }
0x20: {  	_ =	swait.ge [sflag:s22], $0x1900  }
0x21: {  	[sflag:s22] =	ssyncset.done $0x0  }
0x22: {  	s25 =	simm.s32 $0xF;
	[sflag:s22] =	ssyncadd.s32 $0xFFFFE700  }
0x23: {  	_ =	swait.ge [sflag:s25], $0x1900  }
0x24: {  	[sflag:s25] =	ssyncset.done $0x0  }
0x25: {  	s5 =	simm.s32 $0x10;
	[sflag:s25] =	ssyncadd.s32 $0xFFFFE700  }
0x26: {  	_ =	swait.ge [sflag:s5], $0x1900  }
0x27: {  	s6 =	rddreg [dreg:$0x6]  }
0x28: {  	s29 =	rddreg [dreg:$0x5];
	s6 =	sadd.s32 $0x1, s6  }
0x29: {  	p0 =	sne.s32 s6, s29  }
.Ltmp1:
0x2a: {  	_ = 	snop;
	(pc) =	sbr.rel @!p0 .LBB2_21-.Ltmp1, $3  }
0x2b: {  	_ =	sdelay $0x1  }
0x2c: {  	[sflag:s5] =	ssyncset.done $0x0  }
0x2d: {  	[sflag:s5] =	ssyncadd.s32 $0xFFFFE700  }
.LBB2_1:
0x2e: {  	[dreg:$0x6] =	wrdreg s6  }
0x2f: {  	s1 =	rddreg [dreg:$0x3];
	s5 =	simm.s32 $0x13000;
	s13 =	simm.s32 $0x11  }
0x30: {  	[tilespmem:s5], [sflag:$0x11] =	stream.linear.gather [hbm4b:s1+s3], $0x1900, $0x38;
	[tilespmem:$0x14900] =	vst v63  }
0x31: {  	_ =	swait.ge [sflag:s13], $0x1900  }
0x32: {  	[sflag:s13] =	ssyncset.done $0x0  }
0x33: {  	s22 =	rddreg [dreg:$0x4];
	[sflag:s13] =	ssyncadd.s32 $0xFFFFE700  }
0x34: {  	[tilespmem:s3], [sflag:$0x11] =	stream.linear.gather [hbm4b:s22+s3], $0x6800, $0x38;
	[tilespmem:$0x14900] =	vst v63  }
0x35: {  	_ =	swait.ge [sflag:s13], $0x6800  }
0x36: {  	[sflag:s13] =	ssyncset.done $0x0  }
0x37: {  	[sflag:s13] =	ssyncadd.s32 $0xFFFF9800  }
0x38: {  	[tilespmem:s12], [sflag:$0x1] =	stream.indirect.gather [hbm4b:s4+s11], $0x20, s3, s11, $0xb8;
	[tilespmem:$0x14900] =	vst v63  }
0x39: {  	s25 =	simm.s32 $0x68;
	s29 =	simm.s32 $0x7480  }
0x3a: {  	[tilespmem:s29], [sflag:$0x1] =	stream.indirect.gather [hbm4b:s4+s11], $0x20, s25, s11, $0xb8;
	[tilespmem:$0x14900] =	vst v63  }
0x3b: {  	s6 =	simm.s32 $0xD0  }
0x3c: {  	[tilespmem:s16], [sflag:$0x2] =	stream.indirect.gather [hbm4b:s4+s11], $0x20, s6, s11, $0xb8;
	[tilespmem:$0x14900] =	vst v63  }
0x3d: {  	s10 =	simm.s32 $0x138;
	s13 =	simm.s32 $0x8D80  }
0x3e: {  	[tilespmem:s13], [sflag:$0x2] =	stream.indirect.gather [hbm4b:s4+s11], $0x20, s10, s11, $0xb8;
	[tilespmem:$0x14900] =	vst v63  }
0x3f: {  	s22 =	simm.s32 $0x1A0  }
0x40: {  	[tilespmem:s20], [sflag:$0x3] =	stream.indirect.gather [hbm4b:s4+s11], $0x20, s22, s11, $0xb8;
	[tilespmem:$0x14900] =	vst v63  }
0x41: {  	s5 =	simm.s32 $0x0;
	s25 =	simm.s32 $0x208;
	s29 =	simm.s32 $0xA680  }
0x42: {  	[tilespmem:s29], [sflag:$0x3] =	stream.indirect.gather [hbm4b:s4+s11], $0x20, s25, s11, $0xb8;
	[tilespmem:$0x14900] =	vst v63  }
.LBB2_2:
0x43: {  	_ =	swait.ge [sflag:s23], $0x1900  }
0x44: {  	[sflag:s23] =	ssyncset.done $0x0  }
0x45: {  	s6 =	simm.s32 $0x0;
	[sflag:s23] =	ssyncadd.s32 $0xFFFFE700  }
0x46: {  	v0 =	vld [tilespmem:s6+$0x130F0]  }
0x47: {  	v1 =	vld [tilespmem:s6+$0x13000]  }
0x48: {  	v2 =	vld [tilespmem:s6+$0x13010]  }
0x49: {  	v3 =	vld [tilespmem:s6+$0x13020]  }
0x4a: {  	v4 =	vld [tilespmem:s6+$0x13030]  }
0x4b: {  	v5 =	vld [tilespmem:s6+$0x13040]  }
0x4c: {  	v6 =	vld [tilespmem:s6+$0x13050]  }
0x4d: {  	v7 =	vld [tilespmem:s6+$0x13060]  }
0x4e: {  	v8 =	vld [tilespmem:s6+$0x13070]  }
0x4f: {  	v9 =	vld [tilespmem:s6+$0x13080]  }
0x50: {  	v10 =	vld [tilespmem:s6+$0x13090]  }
0x51: {  	v11 =	vld [tilespmem:s6+$0x130A0]  }
0x52: {  	v12 =	vld [tilespmem:s6+$0x130B0]  }
0x53: {  	v13 =	vld [tilespmem:s6+$0x130C0]  }
0x54: {  	v14 =	vld [tilespmem:s6+$0x130D0]  }
0x55: {  	[tilespmem:s6+$0x68F0] =	vst.add.f32.msk $0xffff, v0  }
0x56: {  	v0 =	vld [tilespmem:s6+$0x130E0]  }
0x57: {  	[tilespmem:s6+$0x6800] =	vst.add.f32.msk $0xffff, v1  }
0x58: {  	[tilespmem:s6+$0x6810] =	vst.add.f32.msk $0xffff, v2  }
0x59: {  	[tilespmem:s6+$0x6820] =	vst.add.f32.msk $0xffff, v3  }
0x5a: {  	[tilespmem:s6+$0x6830] =	vst.add.f32.msk $0xffff, v4  }
0x5b: {  	[tilespmem:s6+$0x6840] =	vst.add.f32.msk $0xffff, v5  }
0x5c: {  	[tilespmem:s6+$0x6850] =	vst.add.f32.msk $0xffff, v6  }
0x5d: {  	[tilespmem:s6+$0x6860] =	vst.add.f32.msk $0xffff, v7  }
0x5e: {  	[tilespmem:s6+$0x6870] =	vst.add.f32.msk $0xffff, v8  }
0x5f: {  	[tilespmem:s6+$0x6880] =	vst.add.f32.msk $0xffff, v9  }
0x60: {  	[tilespmem:s6+$0x6890] =	vst.add.f32.msk $0xffff, v10  }
0x61: {  	[tilespmem:s6+$0x68A0] =	vst.add.f32.msk $0xffff, v11  }
0x62: {  	[tilespmem:s6+$0x68B0] =	vst.add.f32.msk $0xffff, v12  }
0x63: {  	[tilespmem:s6+$0x68C0] =	vst.add.f32.msk $0xffff, v13  }
0x64: {  	s10 =	simm.s32 $0x0;
	s1 =	simm.s32 $0x400;
	[tilespmem:s6+$0x68D0] =	vst.add.f32.msk $0xffff, v14  }
.LBB2_3:
0x65: {  	s10 =	sadd.s32 $0x8, s10;
	[tilespmem:s6+$0x68E0] =	vst.add.f32.msk $0xffff, v0;
	s6 =	sshra.s32 s1, $0x2  }
0x66: {  	v0 =	vld [tilespmem:s6+$0x130F0];
	p0 =	slt.u32 s10, $0xC0  }
0x67: {  	v1 =	vld [tilespmem:s6+$0x13000]  }
0x68: {  	v2 =	vld [tilespmem:s6+$0x13010]  }
0x69: {  	v3 =	vld [tilespmem:s6+$0x13020]  }
0x6a: {  	v4 =	vld [tilespmem:s6+$0x13030]  }
0x6b: {  	[tilespmem:s6+$0x68F0] =	vst.add.f32.msk $0xffff, v0  }
0x6c: {  	v5 =	vld [tilespmem:s6+$0x13040]  }
0x6d: {  	v6 =	vld [tilespmem:s6+$0x13050]  }
0x6e: {  	v7 =	vld [tilespmem:s6+$0x13060]  }
0x6f: {  	v8 =	vld [tilespmem:s6+$0x13070]  }
0x70: {  	v9 =	vld [tilespmem:s6+$0x13080]  }
0x71: {  	v10 =	vld [tilespmem:s6+$0x13090]  }
0x72: {  	v11 =	vld [tilespmem:s6+$0x130A0]  }
0x73: {  	v12 =	vld [tilespmem:s6+$0x130B0]  }
0x74: {  	v13 =	vld [tilespmem:s6+$0x130C0]  }
0x75: {  	v14 =	vld [tilespmem:s6+$0x130D0]  }
0x76: {  	v0 =	vld [tilespmem:s6+$0x130E0]  }
0x77: {  	[tilespmem:s6+$0x6800] =	vst.add.f32.msk $0xffff, v1  }
0x78: {  	[tilespmem:s6+$0x6810] =	vst.add.f32.msk $0xffff, v2  }
0x79: {  	[tilespmem:s6+$0x6820] =	vst.add.f32.msk $0xffff, v3  }
0x7a: {  	[tilespmem:s6+$0x6830] =	vst.add.f32.msk $0xffff, v4  }
0x7b: {  	[tilespmem:s6+$0x6840] =	vst.add.f32.msk $0xffff, v5  }
0x7c: {  	[tilespmem:s6+$0x6850] =	vst.add.f32.msk $0xffff, v6  }
0x7d: {  	[tilespmem:s6+$0x6860] =	vst.add.f32.msk $0xffff, v7  }
0x7e: {  	[tilespmem:s6+$0x6870] =	vst.add.f32.msk $0xffff, v8  }
0x7f: {  	[tilespmem:s6+$0x6880] =	vst.add.f32.msk $0xffff, v9  }
.Ltmp2:
0x80: {  	[tilespmem:s6+$0x6890] =	vst.add.f32.msk $0xffff, v10;
	(pc) =	sbr.rel @p0 .LBB2_3-.Ltmp2, $4  }
0x81: {  	[tilespmem:s6+$0x68A0] =	vst.add.f32.msk $0xffff, v11  }
0x82: {  	[tilespmem:s6+$0x68B0] =	vst.add.f32.msk $0xffff, v12  }
0x83: {  	[tilespmem:s6+$0x68C0] =	vst.add.f32.msk $0xffff, v13  }
0x84: {  	s1 =	sadd.s32 $0x400, s1;
	[tilespmem:s6+$0x68D0] =	vst.add.f32.msk $0xffff, v14  }
0x85: {  	s10 =	sshll.u32 s5, $0x3  }
0x86: {  	s1 =	sadd.s32 s7, s10  }
0x87: {  	s1 =	smul.u32 $0x320, s1  }
0x88: {  	s22 =	sadd.s32 $0xFFFFFFF8, s10  }
0x89: {  	[tilespmem:s6+$0x68E0] =	vst.add.f32.msk $0xffff, v0;
	p0 =	sgt.u32 s22, $0x77;
	s1 =	sadd.s32 s2, s1  }
0x8a: {  	[hbm4b:s1+s3] =	stream.linear.scatter [tilespmem:s12], [sflag:$0x9], $0x1900, $0x38;
	[tilespmem:$0x14900] =	vst v63  }
0x8b: {  	s6 =	sor.u32 $0x3, s10;
	s1 =	simm.s32 @!p0 $0xC  }
0x8c: {  	s13 =	smul.u32 $0x340, s6;
	_ =	swait.ge @!p0 [sflag:s1], $0x1900  }
0x8d: {  	[sflag:s1] =	ssyncset.done @!p0 $0x0  }
0x8e: {  	s25 =	sshra.s32 s13, $0x2;
	[sflag:s1] =	ssyncadd.s32 @!p0 $0xFFFFE700  }
0x8f: {  	[tilespmem:s24], [sflag:$0x4] =	stream.indirect.gather [hbm4b:s4+s11], $0x20, s25, s11, $0xb8;
	[tilespmem:$0x14900] =	vst v63  }
0x90: {  	s29 =	simm.s32 $0xBF80;
	s1 =	sadd.s32 $0x68, s25  }
0x91: {  	[tilespmem:s29], [sflag:$0x4] =	stream.indirect.gather [hbm4b:s4+s11], $0x20, s1, s11, $0xb8;
	[tilespmem:$0x14900] =	vst v63  }
0x92: {  	_ =	swait.ge [sflag:s26], $0x1900  }
0x93: {  	[sflag:s26] =	ssyncset.done $0x0  }
0x94: {  	s25 =	simm.s32 $0x0;
	[sflag:s26] =	ssyncadd.s32 $0xFFFFE700  }
0x95: {  	v0 =	vld [tilespmem:s25+$0x130F0]  }
0x96: {  	v1 =	vld [tilespmem:s25+$0x13000]  }
0x97: {  	v2 =	vld [tilespmem:s25+$0x13010]  }
0x98: {  	v3 =	vld [tilespmem:s25+$0x13020]  }
0x99: {  	v4 =	vld [tilespmem:s25+$0x13030]  }
0x9a: {  	v5 =	vld [tilespmem:s25+$0x13040]  }
0x9b: {  	v6 =	vld [tilespmem:s25+$0x13050]  }
0x9c: {  	v7 =	vld [tilespmem:s25+$0x13060]  }
0x9d: {  	v8 =	vld [tilespmem:s25+$0x13070]  }
0x9e: {  	v9 =	vld [tilespmem:s25+$0x13080]  }
0x9f: {  	v10 =	vld [tilespmem:s25+$0x13090]  }
0xa0: {  	v11 =	vld [tilespmem:s25+$0x130A0]  }
0xa1: {  	v12 =	vld [tilespmem:s25+$0x130B0]  }
0xa2: {  	v13 =	vld [tilespmem:s25+$0x130C0]  }
0xa3: {  	v14 =	vld [tilespmem:s25+$0x130D0]  }
0xa4: {  	[tilespmem:s25+$0x81F0] =	vst.add.f32.msk $0xffff, v0  }
0xa5: {  	v0 =	vld [tilespmem:s25+$0x130E0]  }
0xa6: {  	[tilespmem:s25+$0x8100] =	vst.add.f32.msk $0xffff, v1  }
0xa7: {  	[tilespmem:s25+$0x8110] =	vst.add.f32.msk $0xffff, v2  }
0xa8: {  	[tilespmem:s25+$0x8120] =	vst.add.f32.msk $0xffff, v3  }
0xa9: {  	[tilespmem:s25+$0x8130] =	vst.add.f32.msk $0xffff, v4  }
0xaa: {  	[tilespmem:s25+$0x8140] =	vst.add.f32.msk $0xffff, v5  }
0xab: {  	[tilespmem:s25+$0x8150] =	vst.add.f32.msk $0xffff, v6  }
0xac: {  	[tilespmem:s25+$0x8160] =	vst.add.f32.msk $0xffff, v7  }
0xad: {  	[tilespmem:s25+$0x8170] =	vst.add.f32.msk $0xffff, v8  }
0xae: {  	[tilespmem:s25+$0x8180] =	vst.add.f32.msk $0xffff, v9  }
0xaf: {  	[tilespmem:s25+$0x8190] =	vst.add.f32.msk $0xffff, v10  }
0xb0: {  	[tilespmem:s25+$0x81A0] =	vst.add.f32.msk $0xffff, v11  }
0xb1: {  	[tilespmem:s25+$0x81B0] =	vst.add.f32.msk $0xffff, v12  }
0xb2: {  	[tilespmem:s25+$0x81C0] =	vst.add.f32.msk $0xffff, v13  }
0xb3: {  	s22 =	simm.s32 $0x0;
	s1 =	simm.s32 $0x400;
	[tilespmem:s25+$0x81D0] =	vst.add.f32.msk $0xffff, v14  }
.LBB2_5:
0xb4: {  	s22 =	sadd.s32 $0x8, s22;
	[tilespmem:s25+$0x81E0] =	vst.add.f32.msk $0xffff, v0;
	s25 =	sshra.s32 s1, $0x2  }
0xb5: {  	v0 =	vld [tilespmem:s25+$0x130F0];
	p1 =	slt.u32 s22, $0xC0  }
0xb6: {  	v1 =	vld [tilespmem:s25+$0x13000]  }
0xb7: {  	v2 =	vld [tilespmem:s25+$0x13010]  }
0xb8: {  	v3 =	vld [tilespmem:s25+$0x13020]  }
0xb9: {  	v4 =	vld [tilespmem:s25+$0x13030]  }
0xba: {  	[tilespmem:s25+$0x81F0] =	vst.add.f32.msk $0xffff, v0  }
0xbb: {  	v5 =	vld [tilespmem:s25+$0x13040]  }
0xbc: {  	v6 =	vld [tilespmem:s25+$0x13050]  }
0xbd: {  	v7 =	vld [tilespmem:s25+$0x13060]  }
0xbe: {  	v8 =	vld [tilespmem:s25+$0x13070]  }
0xbf: {  	v9 =	vld [tilespmem:s25+$0x13080]  }
0xc0: {  	v10 =	vld [tilespmem:s25+$0x13090]  }
0xc1: {  	v11 =	vld [tilespmem:s25+$0x130A0]  }
0xc2: {  	v12 =	vld [tilespmem:s25+$0x130B0]  }
0xc3: {  	v13 =	vld [tilespmem:s25+$0x130C0]  }
0xc4: {  	v14 =	vld [tilespmem:s25+$0x130D0]  }
0xc5: {  	v0 =	vld [tilespmem:s25+$0x130E0]  }
0xc6: {  	[tilespmem:s25+$0x8100] =	vst.add.f32.msk $0xffff, v1  }
0xc7: {  	[tilespmem:s25+$0x8110] =	vst.add.f32.msk $0xffff, v2  }
0xc8: {  	[tilespmem:s25+$0x8120] =	vst.add.f32.msk $0xffff, v3  }
0xc9: {  	[tilespmem:s25+$0x8130] =	vst.add.f32.msk $0xffff, v4  }
0xca: {  	[tilespmem:s25+$0x8140] =	vst.add.f32.msk $0xffff, v5  }
0xcb: {  	[tilespmem:s25+$0x8150] =	vst.add.f32.msk $0xffff, v6  }
0xcc: {  	[tilespmem:s25+$0x8160] =	vst.add.f32.msk $0xffff, v7  }
0xcd: {  	[tilespmem:s25+$0x8170] =	vst.add.f32.msk $0xffff, v8  }
0xce: {  	[tilespmem:s25+$0x8180] =	vst.add.f32.msk $0xffff, v9  }
.Ltmp3:
0xcf: {  	[tilespmem:s25+$0x8190] =	vst.add.f32.msk $0xffff, v10;
	(pc) =	sbr.rel @p1 .LBB2_5-.Ltmp3, $4  }
0xd0: {  	[tilespmem:s25+$0x81A0] =	vst.add.f32.msk $0xffff, v11  }
0xd1: {  	[tilespmem:s25+$0x81B0] =	vst.add.f32.msk $0xffff, v12  }
0xd2: {  	[tilespmem:s25+$0x81C0] =	vst.add.f32.msk $0xffff, v13  }
0xd3: {  	s1 =	sadd.s32 $0x400, s1;
	[tilespmem:s25+$0x81D0] =	vst.add.f32.msk $0xffff, v14  }
0xd4: {  	s1 =	sadd.s32 s10, s7  }
0xd5: {  	s1 =	smul.u32 $0x320, s1;
	_ =	sdelay $0x1  }
0xd6: {  	s22 =	sadd.s32 s2, s1  }
0xd7: {  	[tilespmem:s25+$0x81E0] =	vst.add.f32.msk $0xffff, v0;
	s1 =	sadd.s32 $0x320, s22  }
0xd8: {  	[hbm4b:s1+s3] =	stream.linear.scatter [tilespmem:s16], [sflag:$0xA], $0x1900, $0x38;
	[tilespmem:$0x14900] =	vst v63  }
0xd9: {  	s25 =	sor.u32 $0x4, s10;
	s1 =	simm.s32 @!p0 $0xD  }
0xda: {  	s13 =	smul.u32 $0x340, s25;
	_ =	swait.ge @!p0 [sflag:s1], $0x1900  }
0xdb: {  	[sflag:s1] =	ssyncset.done @!p0 $0x0  }
0xdc: {  	s13 =	sshra.s32 s13, $0x2;
	[sflag:s1] =	ssyncadd.s32 @!p0 $0xFFFFE700  }
0xdd: {  	[tilespmem:s28], [sflag:$0x5] =	stream.indirect.gather [hbm4b:s4+s11], $0x20, s13, s11, $0xb8;
	[tilespmem:$0x14900] =	vst v63  }
0xde: {  	s1 =	sadd.s32 $0x68, s13;
	s13 =	simm.s32 $0xD880  }
0xdf: {  	[tilespmem:s13], [sflag:$0x5] =	stream.indirect.gather [hbm4b:s4+s11], $0x20, s1, s11, $0xb8;
	[tilespmem:$0x14900] =	vst v63  }
0xe0: {  	_ =	swait.ge [sflag:s30], $0x1900  }
0xe1: {  	[sflag:s30] =	ssyncset.done $0x0  }
0xe2: {  	s29 =	simm.s32 $0x0;
	[sflag:s30] =	ssyncadd.s32 $0xFFFFE700  }
0xe3: {  	v0 =	vld [tilespmem:s29+$0x130F0]  }
0xe4: {  	v1 =	vld [tilespmem:s29+$0x13000]  }
0xe5: {  	v2 =	vld [tilespmem:s29+$0x13010]  }
0xe6: {  	v3 =	vld [tilespmem:s29+$0x13020]  }
0xe7: {  	v4 =	vld [tilespmem:s29+$0x13030]  }
0xe8: {  	v5 =	vld [tilespmem:s29+$0x13040]  }
0xe9: {  	v6 =	vld [tilespmem:s29+$0x13050]  }
0xea: {  	v7 =	vld [tilespmem:s29+$0x13060]  }
0xeb: {  	v8 =	vld [tilespmem:s29+$0x13070]  }
0xec: {  	v9 =	vld [tilespmem:s29+$0x13080]  }
0xed: {  	v10 =	vld [tilespmem:s29+$0x13090]  }
0xee: {  	v11 =	vld [tilespmem:s29+$0x130A0]  }
0xef: {  	v12 =	vld [tilespmem:s29+$0x130B0]  }
0xf0: {  	v13 =	vld [tilespmem:s29+$0x130C0]  }
0xf1: {  	v14 =	vld [tilespmem:s29+$0x130D0]  }
0xf2: {  	[tilespmem:s29+$0x9AF0] =	vst.add.f32.msk $0xffff, v0  }
0xf3: {  	v0 =	vld [tilespmem:s29+$0x130E0]  }
0xf4: {  	[tilespmem:s29+$0x9A00] =	vst.add.f32.msk $0xffff, v1  }
0xf5: {  	[tilespmem:s29+$0x9A10] =	vst.add.f32.msk $0xffff, v2  }
0xf6: {  	[tilespmem:s29+$0x9A20] =	vst.add.f32.msk $0xffff, v3  }
0xf7: {  	[tilespmem:s29+$0x9A30] =	vst.add.f32.msk $0xffff, v4  }
0xf8: {  	[tilespmem:s29+$0x9A40] =	vst.add.f32.msk $0xffff, v5  }
0xf9: {  	[tilespmem:s29+$0x9A50] =	vst.add.f32.msk $0xffff, v6  }
0xfa: {  	[tilespmem:s29+$0x9A60] =	vst.add.f32.msk $0xffff, v7  }
0xfb: {  	[tilespmem:s29+$0x9A70] =	vst.add.f32.msk $0xffff, v8  }
0xfc: {  	[tilespmem:s29+$0x9A80] =	vst.add.f32.msk $0xffff, v9  }
0xfd: {  	[tilespmem:s29+$0x9A90] =	vst.add.f32.msk $0xffff, v10  }
0xfe: {  	[tilespmem:s29+$0x9AA0] =	vst.add.f32.msk $0xffff, v11  }
0xff: {  	[tilespmem:s29+$0x9AB0] =	vst.add.f32.msk $0xffff, v12  }
0x100: {  	[tilespmem:s29+$0x9AC0] =	vst.add.f32.msk $0xffff, v13  }
0x101: {  	s1 =	simm.s32 $0x0;
	s13 =	simm.s32 $0x400;
	[tilespmem:s29+$0x9AD0] =	vst.add.f32.msk $0xffff, v14  }
.LBB2_7:
0x102: {  	s1 =	sadd.s32 $0x8, s1;
	[tilespmem:s29+$0x9AE0] =	vst.add.f32.msk $0xffff, v0;
	s29 =	sshra.s32 s13, $0x2  }
0x103: {  	v0 =	vld [tilespmem:s29+$0x130F0];
	p1 =	slt.u32 s1, $0xC0  }
0x104: {  	v1 =	vld [tilespmem:s29+$0x13000]  }
0x105: {  	v2 =	vld [tilespmem:s29+$0x13010]  }
0x106: {  	v3 =	vld [tilespmem:s29+$0x13020]  }
0x107: {  	v4 =	vld [tilespmem:s29+$0x13030]  }
0x108: {  	[tilespmem:s29+$0x9AF0] =	vst.add.f32.msk $0xffff, v0  }
0x109: {  	v5 =	vld [tilespmem:s29+$0x13040]  }
0x10a: {  	v6 =	vld [tilespmem:s29+$0x13050]  }
0x10b: {  	v7 =	vld [tilespmem:s29+$0x13060]  }
0x10c: {  	v8 =	vld [tilespmem:s29+$0x13070]  }
0x10d: {  	v9 =	vld [tilespmem:s29+$0x13080]  }
0x10e: {  	v10 =	vld [tilespmem:s29+$0x13090]  }
0x10f: {  	v11 =	vld [tilespmem:s29+$0x130A0]  }
0x110: {  	v12 =	vld [tilespmem:s29+$0x130B0]  }
0x111: {  	v13 =	vld [tilespmem:s29+$0x130C0]  }
0x112: {  	v14 =	vld [tilespmem:s29+$0x130D0]  }
0x113: {  	v0 =	vld [tilespmem:s29+$0x130E0]  }
0x114: {  	[tilespmem:s29+$0x9A00] =	vst.add.f32.msk $0xffff, v1  }
0x115: {  	[tilespmem:s29+$0x9A10] =	vst.add.f32.msk $0xffff, v2  }
0x116: {  	[tilespmem:s29+$0x9A20] =	vst.add.f32.msk $0xffff, v3  }
0x117: {  	[tilespmem:s29+$0x9A30] =	vst.add.f32.msk $0xffff, v4  }
0x118: {  	[tilespmem:s29+$0x9A40] =	vst.add.f32.msk $0xffff, v5  }
0x119: {  	[tilespmem:s29+$0x9A50] =	vst.add.f32.msk $0xffff, v6  }
0x11a: {  	[tilespmem:s29+$0x9A60] =	vst.add.f32.msk $0xffff, v7  }
0x11b: {  	[tilespmem:s29+$0x9A70] =	vst.add.f32.msk $0xffff, v8  }
0x11c: {  	[tilespmem:s29+$0x9A80] =	vst.add.f32.msk $0xffff, v9  }
.Ltmp4:
0x11d: {  	[tilespmem:s29+$0x9A90] =	vst.add.f32.msk $0xffff, v10;
	(pc) =	sbr.rel @p1 .LBB2_7-.Ltmp4, $4  }
0x11e: {  	[tilespmem:s29+$0x9AA0] =	vst.add.f32.msk $0xffff, v11  }
0x11f: {  	[tilespmem:s29+$0x9AB0] =	vst.add.f32.msk $0xffff, v12  }
0x120: {  	[tilespmem:s29+$0x9AC0] =	vst.add.f32.msk $0xffff, v13  }
0x121: {  	s13 =	sadd.s32 $0x400, s13;
	[tilespmem:s29+$0x9AD0] =	vst.add.f32.msk $0xffff, v14  }
0x122: {  	[tilespmem:s29+$0x9AE0] =	vst.add.f32.msk $0xffff, v0;
	s1 =	sadd.s32 $0x640, s22  }
0x123: {  	[hbm4b:s1+s3] =	stream.linear.scatter [tilespmem:s20], [sflag:$0xB], $0x1900, $0x38;
	[tilespmem:$0x14900] =	vst v63  }
0x124: {  	s22 =	sor.u32 $0x5, s10;
	s1 =	simm.s32 @!p0 $0xE  }
0x125: {  	s13 =	smul.u32 $0x340, s22;
	_ =	swait.ge @!p0 [sflag:s1], $0x1900  }
0x126: {  	[sflag:s1] =	ssyncset.done @!p0 $0x0  }
0x127: {  	s13 =	sshra.s32 s13, $0x2;
	[sflag:s1] =	ssyncadd.s32 @!p0 $0xFFFFE700  }
0x128: {  	[tilespmem:s31], [sflag:$0x6] =	stream.indirect.gather [hbm4b:s4+s11], $0x20, s13, s11, $0xb8;
	[tilespmem:$0x14900] =	vst v63  }
0x129: {  	s1 =	sadd.s32 $0x68, s13;
	s13 =	simm.s32 $0xF180  }
0x12a: {  	[tilespmem:s13], [sflag:$0x6] =	stream.indirect.gather [hbm4b:s4+s11], $0x20, s1, s11, $0xb8;
	[tilespmem:$0x14900] =	vst v63  }
0x12b: {  	_ =	swait.ge [sflag:s0], $0x1900  }
0x12c: {  	[sflag:s0] =	ssyncset.done $0x0  }
0x12d: {  	s29 =	simm.s32 $0x0;
	[sflag:s0] =	ssyncadd.s32 $0xFFFFE700  }
0x12e: {  	v0 =	vld [tilespmem:s29+$0x130F0]  }
0x12f: {  	v1 =	vld [tilespmem:s29+$0x13000]  }
0x130: {  	v2 =	vld [tilespmem:s29+$0x13010]  }
0x131: {  	v3 =	vld [tilespmem:s29+$0x13020]  }
0x132: {  	v4 =	vld [tilespmem:s29+$0x13030]  }
0x133: {  	v5 =	vld [tilespmem:s29+$0x13040]  }
0x134: {  	v6 =	vld [tilespmem:s29+$0x13050]  }
0x135: {  	v7 =	vld [tilespmem:s29+$0x13060]  }
0x136: {  	v8 =	vld [tilespmem:s29+$0x13070]  }
0x137: {  	v9 =	vld [tilespmem:s29+$0x13080]  }
0x138: {  	v10 =	vld [tilespmem:s29+$0x13090]  }
0x139: {  	v11 =	vld [tilespmem:s29+$0x130A0]  }
0x13a: {  	v12 =	vld [tilespmem:s29+$0x130B0]  }
0x13b: {  	v13 =	vld [tilespmem:s29+$0x130C0]  }
0x13c: {  	v14 =	vld [tilespmem:s29+$0x130D0]  }
0x13d: {  	[tilespmem:s29+$0xB3F0] =	vst.add.f32.msk $0xffff, v0  }
0x13e: {  	v0 =	vld [tilespmem:s29+$0x130E0]  }
0x13f: {  	[tilespmem:s29+$0xB300] =	vst.add.f32.msk $0xffff, v1  }
0x140: {  	[tilespmem:s29+$0xB310] =	vst.add.f32.msk $0xffff, v2  }
0x141: {  	[tilespmem:s29+$0xB320] =	vst.add.f32.msk $0xffff, v3  }
0x142: {  	[tilespmem:s29+$0xB330] =	vst.add.f32.msk $0xffff, v4  }
0x143: {  	[tilespmem:s29+$0xB340] =	vst.add.f32.msk $0xffff, v5  }
0x144: {  	[tilespmem:s29+$0xB350] =	vst.add.f32.msk $0xffff, v6  }
0x145: {  	[tilespmem:s29+$0xB360] =	vst.add.f32.msk $0xffff, v7  }
0x146: {  	[tilespmem:s29+$0xB370] =	vst.add.f32.msk $0xffff, v8  }
0x147: {  	[tilespmem:s29+$0xB380] =	vst.add.f32.msk $0xffff, v9  }
0x148: {  	[tilespmem:s29+$0xB390] =	vst.add.f32.msk $0xffff, v10  }
0x149: {  	[tilespmem:s29+$0xB3A0] =	vst.add.f32.msk $0xffff, v11  }
0x14a: {  	[tilespmem:s29+$0xB3B0] =	vst.add.f32.msk $0xffff, v12  }
0x14b: {  	[tilespmem:s29+$0xB3C0] =	vst.add.f32.msk $0xffff, v13  }
0x14c: {  	s1 =	simm.s32 $0x0;
	s13 =	simm.s32 $0x400;
	[tilespmem:s29+$0xB3D0] =	vst.add.f32.msk $0xffff, v14  }
.LBB2_9:
0x14d: {  	s1 =	sadd.s32 $0x8, s1;
	[tilespmem:s29+$0xB3E0] =	vst.add.f32.msk $0xffff, v0;
	s29 =	sshra.s32 s13, $0x2  }
0x14e: {  	v0 =	vld [tilespmem:s29+$0x130F0];
	p1 =	slt.u32 s1, $0xC0  }
0x14f: {  	v1 =	vld [tilespmem:s29+$0x13000]  }
0x150: {  	v2 =	vld [tilespmem:s29+$0x13010]  }
0x151: {  	v3 =	vld [tilespmem:s29+$0x13020]  }
0x152: {  	v4 =	vld [tilespmem:s29+$0x13030]  }
0x153: {  	[tilespmem:s29+$0xB3F0] =	vst.add.f32.msk $0xffff, v0  }
0x154: {  	v5 =	vld [tilespmem:s29+$0x13040]  }
0x155: {  	v6 =	vld [tilespmem:s29+$0x13050]  }
0x156: {  	v7 =	vld [tilespmem:s29+$0x13060]  }
0x157: {  	v8 =	vld [tilespmem:s29+$0x13070]  }
0x158: {  	v9 =	vld [tilespmem:s29+$0x13080]  }
0x159: {  	v10 =	vld [tilespmem:s29+$0x13090]  }
0x15a: {  	v11 =	vld [tilespmem:s29+$0x130A0]  }
0x15b: {  	v12 =	vld [tilespmem:s29+$0x130B0]  }
0x15c: {  	v13 =	vld [tilespmem:s29+$0x130C0]  }
0x15d: {  	v14 =	vld [tilespmem:s29+$0x130D0]  }
0x15e: {  	v0 =	vld [tilespmem:s29+$0x130E0]  }
0x15f: {  	[tilespmem:s29+$0xB300] =	vst.add.f32.msk $0xffff, v1  }
0x160: {  	[tilespmem:s29+$0xB310] =	vst.add.f32.msk $0xffff, v2  }
0x161: {  	[tilespmem:s29+$0xB320] =	vst.add.f32.msk $0xffff, v3  }
0x162: {  	[tilespmem:s29+$0xB330] =	vst.add.f32.msk $0xffff, v4  }
0x163: {  	[tilespmem:s29+$0xB340] =	vst.add.f32.msk $0xffff, v5  }
0x164: {  	[tilespmem:s29+$0xB350] =	vst.add.f32.msk $0xffff, v6  }
0x165: {  	[tilespmem:s29+$0xB360] =	vst.add.f32.msk $0xffff, v7  }
0x166: {  	[tilespmem:s29+$0xB370] =	vst.add.f32.msk $0xffff, v8  }
0x167: {  	[tilespmem:s29+$0xB380] =	vst.add.f32.msk $0xffff, v9  }
.Ltmp5:
0x168: {  	[tilespmem:s29+$0xB390] =	vst.add.f32.msk $0xffff, v10;
	(pc) =	sbr.rel @p1 .LBB2_9-.Ltmp5, $4  }
0x169: {  	[tilespmem:s29+$0xB3A0] =	vst.add.f32.msk $0xffff, v11  }
0x16a: {  	[tilespmem:s29+$0xB3B0] =	vst.add.f32.msk $0xffff, v12  }
0x16b: {  	[tilespmem:s29+$0xB3C0] =	vst.add.f32.msk $0xffff, v13  }
0x16c: {  	s13 =	sadd.s32 $0x400, s13;
	[tilespmem:s29+$0xB3D0] =	vst.add.f32.msk $0xffff, v14  }
0x16d: {  	s1 =	sadd.s32 s7, s6  }
0x16e: {  	s1 =	smul.u32 $0x320, s1;
	_ =	sdelay $0x1  }
0x16f: {  	[tilespmem:s29+$0xB3E0] =	vst.add.f32.msk $0xffff, v0;
	s1 =	sadd.s32 s2, s1  }
0x170: {  	[hbm4b:s1+s3] =	stream.linear.scatter [tilespmem:s24], [sflag:$0xC], $0x1900, $0x38;
	[tilespmem:$0x14900] =	vst v63  }
0x171: {  	s6 =	sor.u32 $0x6, s10;
	s1 =	simm.s32 @!p0 $0xF  }
0x172: {  	s13 =	smul.u32 $0x340, s6;
	_ =	swait.ge @!p0 [sflag:s1], $0x1900  }
0x173: {  	[sflag:s1] =	ssyncset.done @!p0 $0x0  }
0x174: {  	s13 =	sshra.s32 s13, $0x2;
	[sflag:s1] =	ssyncadd.s32 @!p0 $0xFFFFE700  }
0x175: {  	[tilespmem:s9], [sflag:$0x7] =	stream.indirect.gather [hbm4b:s4+s11], $0x20, s13, s11, $0xb8;
	[tilespmem:$0x14900] =	vst v63  }
0x176: {  	s1 =	sadd.s32 $0x68, s13;
	s13 =	simm.s32 $0x10A80  }
0x177: {  	[tilespmem:s13], [sflag:$0x7] =	stream.indirect.gather [hbm4b:s4+s11], $0x20, s1, s11, $0xb8;
	[tilespmem:$0x14900] =	vst v63  }
0x178: {  	_ =	swait.ge [sflag:s14], $0x1900  }
0x179: {  	[sflag:s14] =	ssyncset.done $0x0  }
0x17a: {  	s29 =	simm.s32 $0x0;
	[sflag:s14] =	ssyncadd.s32 $0xFFFFE700  }
0x17b: {  	v0 =	vld [tilespmem:s29+$0x130F0]  }
0x17c: {  	v1 =	vld [tilespmem:s29+$0x13000]  }
0x17d: {  	v2 =	vld [tilespmem:s29+$0x13010]  }
0x17e: {  	v3 =	vld [tilespmem:s29+$0x13020]  }
0x17f: {  	v4 =	vld [tilespmem:s29+$0x13030]  }
0x180: {  	v5 =	vld [tilespmem:s29+$0x13040]  }
0x181: {  	v6 =	vld [tilespmem:s29+$0x13050]  }
0x182: {  	v7 =	vld [tilespmem:s29+$0x13060]  }
0x183: {  	v8 =	vld [tilespmem:s29+$0x13070]  }
0x184: {  	v9 =	vld [tilespmem:s29+$0x13080]  }
0x185: {  	v10 =	vld [tilespmem:s29+$0x13090]  }
0x186: {  	v11 =	vld [tilespmem:s29+$0x130A0]  }
0x187: {  	v12 =	vld [tilespmem:s29+$0x130B0]  }
0x188: {  	v13 =	vld [tilespmem:s29+$0x130C0]  }
0x189: {  	v14 =	vld [tilespmem:s29+$0x130D0]  }
0x18a: {  	[tilespmem:s29+$0xCCF0] =	vst.add.f32.msk $0xffff, v0  }
0x18b: {  	v0 =	vld [tilespmem:s29+$0x130E0]  }
0x18c: {  	[tilespmem:s29+$0xCC00] =	vst.add.f32.msk $0xffff, v1  }
0x18d: {  	[tilespmem:s29+$0xCC10] =	vst.add.f32.msk $0xffff, v2  }
0x18e: {  	[tilespmem:s29+$0xCC20] =	vst.add.f32.msk $0xffff, v3  }
0x18f: {  	[tilespmem:s29+$0xCC30] =	vst.add.f32.msk $0xffff, v4  }
0x190: {  	[tilespmem:s29+$0xCC40] =	vst.add.f32.msk $0xffff, v5  }
0x191: {  	[tilespmem:s29+$0xCC50] =	vst.add.f32.msk $0xffff, v6  }
0x192: {  	[tilespmem:s29+$0xCC60] =	vst.add.f32.msk $0xffff, v7  }
0x193: {  	[tilespmem:s29+$0xCC70] =	vst.add.f32.msk $0xffff, v8  }
0x194: {  	[tilespmem:s29+$0xCC80] =	vst.add.f32.msk $0xffff, v9  }
0x195: {  	[tilespmem:s29+$0xCC90] =	vst.add.f32.msk $0xffff, v10  }
0x196: {  	[tilespmem:s29+$0xCCA0] =	vst.add.f32.msk $0xffff, v11  }
0x197: {  	[tilespmem:s29+$0xCCB0] =	vst.add.f32.msk $0xffff, v12  }
0x198: {  	[tilespmem:s29+$0xCCC0] =	vst.add.f32.msk $0xffff, v13  }
0x199: {  	s1 =	simm.s32 $0x0;
	s13 =	simm.s32 $0x400;
	[tilespmem:s29+$0xCCD0] =	vst.add.f32.msk $0xffff, v14  }
.LBB2_11:
0x19a: {  	s1 =	sadd.s32 $0x8, s1;
	[tilespmem:s29+$0xCCE0] =	vst.add.f32.msk $0xffff, v0;
	s29 =	sshra.s32 s13, $0x2  }
0x19b: {  	v0 =	vld [tilespmem:s29+$0x130F0];
	p0 =	slt.u32 s1, $0xC0  }
0x19c: {  	v1 =	vld [tilespmem:s29+$0x13000]  }
0x19d: {  	v2 =	vld [tilespmem:s29+$0x13010]  }
0x19e: {  	v3 =	vld [tilespmem:s29+$0x13020]  }
0x19f: {  	v4 =	vld [tilespmem:s29+$0x13030]  }
0x1a0: {  	[tilespmem:s29+$0xCCF0] =	vst.add.f32.msk $0xffff, v0  }
0x1a1: {  	v5 =	vld [tilespmem:s29+$0x13040]  }
0x1a2: {  	v6 =	vld [tilespmem:s29+$0x13050]  }
0x1a3: {  	v7 =	vld [tilespmem:s29+$0x13060]  }
0x1a4: {  	v8 =	vld [tilespmem:s29+$0x13070]  }
0x1a5: {  	v9 =	vld [tilespmem:s29+$0x13080]  }
0x1a6: {  	v10 =	vld [tilespmem:s29+$0x13090]  }
0x1a7: {  	v11 =	vld [tilespmem:s29+$0x130A0]  }
0x1a8: {  	v12 =	vld [tilespmem:s29+$0x130B0]  }
0x1a9: {  	v13 =	vld [tilespmem:s29+$0x130C0]  }
0x1aa: {  	v14 =	vld [tilespmem:s29+$0x130D0]  }
0x1ab: {  	v0 =	vld [tilespmem:s29+$0x130E0]  }
0x1ac: {  	[tilespmem:s29+$0xCC00] =	vst.add.f32.msk $0xffff, v1  }
0x1ad: {  	[tilespmem:s29+$0xCC10] =	vst.add.f32.msk $0xffff, v2  }
0x1ae: {  	[tilespmem:s29+$0xCC20] =	vst.add.f32.msk $0xffff, v3  }
0x1af: {  	[tilespmem:s29+$0xCC30] =	vst.add.f32.msk $0xffff, v4  }
0x1b0: {  	[tilespmem:s29+$0xCC40] =	vst.add.f32.msk $0xffff, v5  }
0x1b1: {  	[tilespmem:s29+$0xCC50] =	vst.add.f32.msk $0xffff, v6  }
0x1b2: {  	[tilespmem:s29+$0xCC60] =	vst.add.f32.msk $0xffff, v7  }
0x1b3: {  	[tilespmem:s29+$0xCC70] =	vst.add.f32.msk $0xffff, v8  }
0x1b4: {  	[tilespmem:s29+$0xCC80] =	vst.add.f32.msk $0xffff, v9  }
.Ltmp6:
0x1b5: {  	[tilespmem:s29+$0xCC90] =	vst.add.f32.msk $0xffff, v10;
	(pc) =	sbr.rel @p0 .LBB2_11-.Ltmp6, $4  }
0x1b6: {  	[tilespmem:s29+$0xCCA0] =	vst.add.f32.msk $0xffff, v11  }
0x1b7: {  	[tilespmem:s29+$0xCCB0] =	vst.add.f32.msk $0xffff, v12  }
0x1b8: {  	[tilespmem:s29+$0xCCC0] =	vst.add.f32.msk $0xffff, v13  }
0x1b9: {  	s13 =	sadd.s32 $0x400, s13;
	[tilespmem:s29+$0xCCD0] =	vst.add.f32.msk $0xffff, v14  }
0x1ba: {  	s1 =	sadd.s32 s7, s25  }
0x1bb: {  	s1 =	smul.u32 $0x320, s1;
	_ =	sdelay $0x1  }
0x1bc: {  	[tilespmem:s29+$0xCCE0] =	vst.add.f32.msk $0xffff, v0;
	p0 =	seq.s32 s5, $0x0;
	s1 =	sadd.s32 s2, s1  }
0x1bd: {  	[hbm4b:s1+s3] =	stream.linear.scatter [tilespmem:s28], [sflag:$0xD], $0x1900, $0x38;
	[tilespmem:$0x14900] =	vst v63  }
0x1be: {  	s10 =	sor.u32 $0x7, s10;
	s1 =	simm.s32 @!p0 $0x10  }
0x1bf: {  	s13 =	smul.u32 $0x340, s10;
	_ =	swait.ge @!p0 [sflag:s1], $0x1900  }
0x1c0: {  	[sflag:s1] =	ssyncset.done @!p0 $0x0  }
0x1c1: {  	s29 =	sshra.s32 s13, $0x2;
	[sflag:s1] =	ssyncadd.s32 @!p0 $0xFFFFE700  }
0x1c2: {  	[tilespmem:s15], [sflag:$0x8] =	stream.indirect.gather [hbm4b:s4+s11], $0x20, s29, s11, $0xb8;
	[tilespmem:$0x14900] =	vst v63  }
0x1c3: {  	s1 =	sadd.s32 $0x68, s29  }
0x1c4: {  	[tilespmem:s17], [sflag:$0x8] =	stream.indirect.gather [hbm4b:s4+s11], $0x20, s1, s11, $0xb8;
	[tilespmem:$0x14900] =	vst v63  }
0x1c5: {  	_ =	swait.ge [sflag:s18], $0x1900  }
0x1c6: {  	[sflag:s18] =	ssyncset.done $0x0  }
0x1c7: {  	s25 =	simm.s32 $0x0;
	[sflag:s18] =	ssyncadd.s32 $0xFFFFE700  }
0x1c8: {  	v0 =	vld [tilespmem:s25+$0x130F0]  }
0x1c9: {  	v1 =	vld [tilespmem:s25+$0x13000]  }
0x1ca: {  	v2 =	vld [tilespmem:s25+$0x13010]  }
0x1cb: {  	v3 =	vld [tilespmem:s25+$0x13020]  }
0x1cc: {  	v4 =	vld [tilespmem:s25+$0x13030]  }
0x1cd: {  	v5 =	vld [tilespmem:s25+$0x13040]  }
0x1ce: {  	v6 =	vld [tilespmem:s25+$0x13050]  }
0x1cf: {  	v7 =	vld [tilespmem:s25+$0x13060]  }
0x1d0: {  	v8 =	vld [tilespmem:s25+$0x13070]  }
0x1d1: {  	v9 =	vld [tilespmem:s25+$0x13080]  }
0x1d2: {  	v10 =	vld [tilespmem:s25+$0x13090]  }
0x1d3: {  	v11 =	vld [tilespmem:s25+$0x130A0]  }
0x1d4: {  	v12 =	vld [tilespmem:s25+$0x130B0]  }
0x1d5: {  	v13 =	vld [tilespmem:s25+$0x130C0]  }
0x1d6: {  	v14 =	vld [tilespmem:s25+$0x130D0]  }
0x1d7: {  	[tilespmem:s25+$0xE5F0] =	vst.add.f32.msk $0xffff, v0  }
0x1d8: {  	v0 =	vld [tilespmem:s25+$0x130E0]  }
0x1d9: {  	[tilespmem:s25+$0xE500] =	vst.add.f32.msk $0xffff, v1  }
0x1da: {  	[tilespmem:s25+$0xE510] =	vst.add.f32.msk $0xffff, v2  }
0x1db: {  	[tilespmem:s25+$0xE520] =	vst.add.f32.msk $0xffff, v3  }
0x1dc: {  	[tilespmem:s25+$0xE530] =	vst.add.f32.msk $0xffff, v4  }
0x1dd: {  	[tilespmem:s25+$0xE540] =	vst.add.f32.msk $0xffff, v5  }
0x1de: {  	[tilespmem:s25+$0xE550] =	vst.add.f32.msk $0xffff, v6  }
0x1df: {  	[tilespmem:s25+$0xE560] =	vst.add.f32.msk $0xffff, v7  }
0x1e0: {  	[tilespmem:s25+$0xE570] =	vst.add.f32.msk $0xffff, v8  }
0x1e1: {  	[tilespmem:s25+$0xE580] =	vst.add.f32.msk $0xffff, v9  }
0x1e2: {  	[tilespmem:s25+$0xE590] =	vst.add.f32.msk $0xffff, v10  }
0x1e3: {  	[tilespmem:s25+$0xE5A0] =	vst.add.f32.msk $0xffff, v11  }
0x1e4: {  	[tilespmem:s25+$0xE5B0] =	vst.add.f32.msk $0xffff, v12  }
0x1e5: {  	[tilespmem:s25+$0xE5C0] =	vst.add.f32.msk $0xffff, v13  }
0x1e6: {  	s13 =	simm.s32 $0x400;
	s1 =	simm.s32 $0x0;
	[tilespmem:s25+$0xE5D0] =	vst.add.f32.msk $0xffff, v14  }
.LBB2_13:
0x1e7: {  	s1 =	sadd.s32 $0x8, s1;
	[tilespmem:s25+$0xE5E0] =	vst.add.f32.msk $0xffff, v0;
	s25 =	sshra.s32 s13, $0x2  }
0x1e8: {  	v0 =	vld [tilespmem:s25+$0x130F0];
	p0 =	slt.u32 s1, $0xC0  }
0x1e9: {  	v1 =	vld [tilespmem:s25+$0x13000]  }
0x1ea: {  	v2 =	vld [tilespmem:s25+$0x13010]  }
0x1eb: {  	v3 =	vld [tilespmem:s25+$0x13020]  }
0x1ec: {  	v4 =	vld [tilespmem:s25+$0x13030]  }
0x1ed: {  	[tilespmem:s25+$0xE5F0] =	vst.add.f32.msk $0xffff, v0  }
0x1ee: {  	v5 =	vld [tilespmem:s25+$0x13040]  }
0x1ef: {  	v6 =	vld [tilespmem:s25+$0x13050]  }
0x1f0: {  	v7 =	vld [tilespmem:s25+$0x13060]  }
0x1f1: {  	v8 =	vld [tilespmem:s25+$0x13070]  }
0x1f2: {  	v9 =	vld [tilespmem:s25+$0x13080]  }
0x1f3: {  	v10 =	vld [tilespmem:s25+$0x13090]  }
0x1f4: {  	v11 =	vld [tilespmem:s25+$0x130A0]  }
0x1f5: {  	v12 =	vld [tilespmem:s25+$0x130B0]  }
0x1f6: {  	v13 =	vld [tilespmem:s25+$0x130C0]  }
0x1f7: {  	v14 =	vld [tilespmem:s25+$0x130D0]  }
0x1f8: {  	v0 =	vld [tilespmem:s25+$0x130E0]  }
0x1f9: {  	[tilespmem:s25+$0xE500] =	vst.add.f32.msk $0xffff, v1  }
0x1fa: {  	[tilespmem:s25+$0xE510] =	vst.add.f32.msk $0xffff, v2  }
0x1fb: {  	[tilespmem:s25+$0xE520] =	vst.add.f32.msk $0xffff, v3  }
0x1fc: {  	[tilespmem:s25+$0xE530] =	vst.add.f32.msk $0xffff, v4  }
0x1fd: {  	[tilespmem:s25+$0xE540] =	vst.add.f32.msk $0xffff, v5  }
0x1fe: {  	[tilespmem:s25+$0xE550] =	vst.add.f32.msk $0xffff, v6  }
0x1ff: {  	[tilespmem:s25+$0xE560] =	vst.add.f32.msk $0xffff, v7  }
0x200: {  	[tilespmem:s25+$0xE570] =	vst.add.f32.msk $0xffff, v8  }
0x201: {  	[tilespmem:s25+$0xE580] =	vst.add.f32.msk $0xffff, v9  }
.Ltmp7:
0x202: {  	[tilespmem:s25+$0xE590] =	vst.add.f32.msk $0xffff, v10;
	(pc) =	sbr.rel @p0 .LBB2_13-.Ltmp7, $4  }
0x203: {  	[tilespmem:s25+$0xE5A0] =	vst.add.f32.msk $0xffff, v11  }
0x204: {  	[tilespmem:s25+$0xE5B0] =	vst.add.f32.msk $0xffff, v12  }
0x205: {  	[tilespmem:s25+$0xE5C0] =	vst.add.f32.msk $0xffff, v13  }
0x206: {  	s13 =	sadd.s32 $0x400, s13;
	[tilespmem:s25+$0xE5D0] =	vst.add.f32.msk $0xffff, v14  }
0x207: {  	s1 =	sadd.s32 s7, s22  }
0x208: {  	s1 =	smul.u32 $0x320, s1;
	_ =	sdelay $0x1  }
0x209: {  	[tilespmem:s25+$0xE5E0] =	vst.add.f32.msk $0xffff, v0;
	p0 =	seq.s32 s5, $0xF;
	s1 =	sadd.s32 s2, s1  }
0x20a: {  	[hbm4b:s1+s3] =	stream.linear.scatter [tilespmem:s31], [sflag:$0xE], $0x1900, $0x38;
	[tilespmem:$0x14900] =	vst v63  }
0x20b: {  	s13 =	smul.u32 @!p0 $0x1A00, s5;
	s1 =	simm.s32 @!p0 $0x9  }
0x20c: {  	_ =	swait.ge @!p0 [sflag:s1], $0x1900  }
0x20d: {  	s25 =	simm.s32 @!p0 $0x6800;
	s22 =	sshra.s32 @!p0 s13, $0x2;
	[sflag:s1] =	ssyncset.done @!p0 $0x0  }
0x20e: {  	s13 =	simm.s32 @!p0 $0x64;
	[sflag:s1] =	ssyncadd.s32 @!p0 $0xFFFFE700;
	s1 =	sadd.s32 @!p0 $0x680, s22  }
0x20f: {  	[tilespmem:s25], [sflag:$0x1] =	stream.indirect.gather @!p0 [hbm4b:s4+s13], $0x20, s1, s13, $0xb8;
	[tilespmem:$0x14900] =	vst v63  }
0x210: {  	s1 =	sadd.s32 @!p0 $0x6E8, s22;
	s25 =	simm.s32 @!p0 $0x7480  }
0x211: {  	[tilespmem:s25], [sflag:$0x1] =	stream.indirect.gather @!p0 [hbm4b:s4+s13], $0x20, s1, s13, $0xb8;
	[tilespmem:$0x14900] =	vst v63  }
0x212: {  	_ =	swait.ge [sflag:s19], $0x1900  }
0x213: {  	[sflag:s19] =	ssyncset.done $0x0  }
0x214: {  	s25 =	simm.s32 $0x0;
	[sflag:s19] =	ssyncadd.s32 $0xFFFFE700  }
0x215: {  	v0 =	vld [tilespmem:s25+$0x130F0]  }
0x216: {  	v1 =	vld [tilespmem:s25+$0x13000]  }
0x217: {  	v2 =	vld [tilespmem:s25+$0x13010]  }
0x218: {  	v3 =	vld [tilespmem:s25+$0x13020]  }
0x219: {  	v4 =	vld [tilespmem:s25+$0x13030]  }
0x21a: {  	v5 =	vld [tilespmem:s25+$0x13040]  }
0x21b: {  	v6 =	vld [tilespmem:s25+$0x13050]  }
0x21c: {  	v7 =	vld [tilespmem:s25+$0x13060]  }
0x21d: {  	v8 =	vld [tilespmem:s25+$0x13070]  }
0x21e: {  	v9 =	vld [tilespmem:s25+$0x13080]  }
0x21f: {  	v10 =	vld [tilespmem:s25+$0x13090]  }
0x220: {  	v11 =	vld [tilespmem:s25+$0x130A0]  }
0x221: {  	v12 =	vld [tilespmem:s25+$0x130B0]  }
0x222: {  	v13 =	vld [tilespmem:s25+$0x130C0]  }
0x223: {  	v14 =	vld [tilespmem:s25+$0x130D0]  }
0x224: {  	[tilespmem:s25+$0xFEF0] =	vst.add.f32.msk $0xffff, v0  }
0x225: {  	v0 =	vld [tilespmem:s25+$0x130E0]  }
0x226: {  	[tilespmem:s25+$0xFE00] =	vst.add.f32.msk $0xffff, v1  }
0x227: {  	[tilespmem:s25+$0xFE10] =	vst.add.f32.msk $0xffff, v2  }
0x228: {  	[tilespmem:s25+$0xFE20] =	vst.add.f32.msk $0xffff, v3  }
0x229: {  	[tilespmem:s25+$0xFE30] =	vst.add.f32.msk $0xffff, v4  }
0x22a: {  	[tilespmem:s25+$0xFE40] =	vst.add.f32.msk $0xffff, v5  }
0x22b: {  	[tilespmem:s25+$0xFE50] =	vst.add.f32.msk $0xffff, v6  }
0x22c: {  	[tilespmem:s25+$0xFE60] =	vst.add.f32.msk $0xffff, v7  }
0x22d: {  	[tilespmem:s25+$0xFE70] =	vst.add.f32.msk $0xffff, v8  }
0x22e: {  	[tilespmem:s25+$0xFE80] =	vst.add.f32.msk $0xffff, v9  }
0x22f: {  	[tilespmem:s25+$0xFE90] =	vst.add.f32.msk $0xffff, v10  }
0x230: {  	[tilespmem:s25+$0xFEA0] =	vst.add.f32.msk $0xffff, v11  }
0x231: {  	[tilespmem:s25+$0xFEB0] =	vst.add.f32.msk $0xffff, v12  }
0x232: {  	[tilespmem:s25+$0xFEC0] =	vst.add.f32.msk $0xffff, v13  }
0x233: {  	s1 =	simm.s32 $0x0;
	s13 =	simm.s32 $0x400;
	[tilespmem:s25+$0xFED0] =	vst.add.f32.msk $0xffff, v14  }
.LBB2_15:
0x234: {  	s1 =	sadd.s32 $0x8, s1;
	[tilespmem:s25+$0xFEE0] =	vst.add.f32.msk $0xffff, v0;
	s25 =	sshra.s32 s13, $0x2  }
0x235: {  	v0 =	vld [tilespmem:s25+$0x130F0];
	p1 =	slt.u32 s1, $0xC0  }
0x236: {  	v1 =	vld [tilespmem:s25+$0x13000]  }
0x237: {  	v2 =	vld [tilespmem:s25+$0x13010]  }
0x238: {  	v3 =	vld [tilespmem:s25+$0x13020]  }
0x239: {  	v4 =	vld [tilespmem:s25+$0x13030]  }
0x23a: {  	[tilespmem:s25+$0xFEF0] =	vst.add.f32.msk $0xffff, v0  }
0x23b: {  	v5 =	vld [tilespmem:s25+$0x13040]  }
0x23c: {  	v6 =	vld [tilespmem:s25+$0x13050]  }
0x23d: {  	v7 =	vld [tilespmem:s25+$0x13060]  }
0x23e: {  	v8 =	vld [tilespmem:s25+$0x13070]  }
0x23f: {  	v9 =	vld [tilespmem:s25+$0x13080]  }
0x240: {  	v10 =	vld [tilespmem:s25+$0x13090]  }
0x241: {  	v11 =	vld [tilespmem:s25+$0x130A0]  }
0x242: {  	v12 =	vld [tilespmem:s25+$0x130B0]  }
0x243: {  	v13 =	vld [tilespmem:s25+$0x130C0]  }
0x244: {  	v14 =	vld [tilespmem:s25+$0x130D0]  }
0x245: {  	v0 =	vld [tilespmem:s25+$0x130E0]  }
0x246: {  	[tilespmem:s25+$0xFE00] =	vst.add.f32.msk $0xffff, v1  }
0x247: {  	[tilespmem:s25+$0xFE10] =	vst.add.f32.msk $0xffff, v2  }
0x248: {  	[tilespmem:s25+$0xFE20] =	vst.add.f32.msk $0xffff, v3  }
0x249: {  	[tilespmem:s25+$0xFE30] =	vst.add.f32.msk $0xffff, v4  }
0x24a: {  	[tilespmem:s25+$0xFE40] =	vst.add.f32.msk $0xffff, v5  }
0x24b: {  	[tilespmem:s25+$0xFE50] =	vst.add.f32.msk $0xffff, v6  }
0x24c: {  	[tilespmem:s25+$0xFE60] =	vst.add.f32.msk $0xffff, v7  }
0x24d: {  	[tilespmem:s25+$0xFE70] =	vst.add.f32.msk $0xffff, v8  }
0x24e: {  	[tilespmem:s25+$0xFE80] =	vst.add.f32.msk $0xffff, v9  }
.Ltmp8:
0x24f: {  	[tilespmem:s25+$0xFE90] =	vst.add.f32.msk $0xffff, v10;
	(pc) =	sbr.rel @p1 .LBB2_15-.Ltmp8, $4  }
0x250: {  	[tilespmem:s25+$0xFEA0] =	vst.add.f32.msk $0xffff, v11  }
0x251: {  	[tilespmem:s25+$0xFEB0] =	vst.add.f32.msk $0xffff, v12  }
0x252: {  	[tilespmem:s25+$0xFEC0] =	vst.add.f32.msk $0xffff, v13  }
0x253: {  	s13 =	sadd.s32 $0x400, s13;
	[tilespmem:s25+$0xFED0] =	vst.add.f32.msk $0xffff, v14  }
0x254: {  	s1 =	sadd.s32 s7, s6  }
0x255: {  	s1 =	smul.u32 $0x320, s1;
	_ =	sdelay $0x1  }
0x256: {  	[tilespmem:s25+$0xFEE0] =	vst.add.f32.msk $0xffff, v0;
	s1 =	sadd.s32 s2, s1  }
0x257: {  	[hbm4b:s1+s3] =	stream.linear.scatter [tilespmem:s9], [sflag:$0xF], $0x1900, $0x38;
	[tilespmem:$0x14900] =	vst v63  }
0x258: {  	s1 =	simm.s32 @!p0 $0xA  }
0x259: {  	_ =	swait.ge @!p0 [sflag:s1], $0x1900  }
0x25a: {  	s6 =	simm.s32 @!p0 $0x64;
	[sflag:s1] =	ssyncset.done @!p0 $0x0  }
0x25b: {  	s13 =	simm.s32 @!p0 $0x8100;
	[sflag:s1] =	ssyncadd.s32 @!p0 $0xFFFFE700;
	s1 =	sadd.s32 @!p0 $0x750, s22  }
0x25c: {  	[tilespmem:s13], [sflag:$0x2] =	stream.indirect.gather @!p0 [hbm4b:s4+s6], $0x20, s1, s6, $0xb8;
	[tilespmem:$0x14900] =	vst v63  }
0x25d: {  	s1 =	sadd.s32 @!p0 $0x7B8, s22;
	s13 =	simm.s32 @!p0 $0x8D80  }
0x25e: {  	[tilespmem:s13], [sflag:$0x2] =	stream.indirect.gather @!p0 [hbm4b:s4+s6], $0x20, s1, s6, $0xb8;
	[tilespmem:$0x14900] =	vst v63  }
0x25f: {  	_ =	swait.ge [sflag:s21], $0x1900  }
0x260: {  	[sflag:s21] =	ssyncset.done $0x0  }
0x261: {  	s6 =	simm.s32 $0x0;
	[sflag:s21] =	ssyncadd.s32 $0xFFFFE700  }
0x262: {  	v0 =	vld [tilespmem:s6+$0x130F0]  }
0x263: {  	v1 =	vld [tilespmem:s6+$0x13000]  }
0x264: {  	v2 =	vld [tilespmem:s6+$0x13010]  }
0x265: {  	v3 =	vld [tilespmem:s6+$0x13020]  }
0x266: {  	v4 =	vld [tilespmem:s6+$0x13030]  }
0x267: {  	v5 =	vld [tilespmem:s6+$0x13040]  }
0x268: {  	v6 =	vld [tilespmem:s6+$0x13050]  }
0x269: {  	v7 =	vld [tilespmem:s6+$0x13060]  }
0x26a: {  	v8 =	vld [tilespmem:s6+$0x13070]  }
0x26b: {  	v9 =	vld [tilespmem:s6+$0x13080]  }
0x26c: {  	v10 =	vld [tilespmem:s6+$0x13090]  }
0x26d: {  	v11 =	vld [tilespmem:s6+$0x130A0]  }
0x26e: {  	v12 =	vld [tilespmem:s6+$0x130B0]  }
0x26f: {  	v13 =	vld [tilespmem:s6+$0x130C0]  }
0x270: {  	v14 =	vld [tilespmem:s6+$0x130D0]  }
0x271: {  	[tilespmem:s6+$0x117F0] =	vst.add.f32.msk $0xffff, v0  }
0x272: {  	v0 =	vld [tilespmem:s6+$0x130E0]  }
0x273: {  	[tilespmem:s6+$0x11700] =	vst.add.f32.msk $0xffff, v1  }
0x274: {  	[tilespmem:s6+$0x11710] =	vst.add.f32.msk $0xffff, v2  }
0x275: {  	[tilespmem:s6+$0x11720] =	vst.add.f32.msk $0xffff, v3  }
0x276: {  	[tilespmem:s6+$0x11730] =	vst.add.f32.msk $0xffff, v4  }
0x277: {  	[tilespmem:s6+$0x11740] =	vst.add.f32.msk $0xffff, v5  }
0x278: {  	[tilespmem:s6+$0x11750] =	vst.add.f32.msk $0xffff, v6  }
0x279: {  	[tilespmem:s6+$0x11760] =	vst.add.f32.msk $0xffff, v7  }
0x27a: {  	[tilespmem:s6+$0x11770] =	vst.add.f32.msk $0xffff, v8  }
0x27b: {  	[tilespmem:s6+$0x11780] =	vst.add.f32.msk $0xffff, v9  }
0x27c: {  	[tilespmem:s6+$0x11790] =	vst.add.f32.msk $0xffff, v10  }
0x27d: {  	[tilespmem:s6+$0x117A0] =	vst.add.f32.msk $0xffff, v11  }
0x27e: {  	[tilespmem:s6+$0x117B0] =	vst.add.f32.msk $0xffff, v12  }
0x27f: {  	[tilespmem:s6+$0x117C0] =	vst.add.f32.msk $0xffff, v13  }
0x280: {  	s1 =	simm.s32 $0x0;
	s13 =	simm.s32 $0x400;
	[tilespmem:s6+$0x117D0] =	vst.add.f32.msk $0xffff, v14  }
.LBB2_17:
0x281: {  	s1 =	sadd.s32 $0x8, s1;
	[tilespmem:s6+$0x117E0] =	vst.add.f32.msk $0xffff, v0;
	s6 =	sshra.s32 s13, $0x2  }
0x282: {  	v0 =	vld [tilespmem:s6+$0x130F0];
	p1 =	slt.u32 s1, $0xC0  }
0x283: {  	v1 =	vld [tilespmem:s6+$0x13000]  }
0x284: {  	v2 =	vld [tilespmem:s6+$0x13010]  }
0x285: {  	v3 =	vld [tilespmem:s6+$0x13020]  }
0x286: {  	v4 =	vld [tilespmem:s6+$0x13030]  }
0x287: {  	[tilespmem:s6+$0x117F0] =	vst.add.f32.msk $0xffff, v0  }
0x288: {  	v5 =	vld [tilespmem:s6+$0x13040]  }
0x289: {  	v6 =	vld [tilespmem:s6+$0x13050]  }
0x28a: {  	v7 =	vld [tilespmem:s6+$0x13060]  }
0x28b: {  	v8 =	vld [tilespmem:s6+$0x13070]  }
0x28c: {  	v9 =	vld [tilespmem:s6+$0x13080]  }
0x28d: {  	v10 =	vld [tilespmem:s6+$0x13090]  }
0x28e: {  	v11 =	vld [tilespmem:s6+$0x130A0]  }
0x28f: {  	v12 =	vld [tilespmem:s6+$0x130B0]  }
0x290: {  	v13 =	vld [tilespmem:s6+$0x130C0]  }
0x291: {  	v14 =	vld [tilespmem:s6+$0x130D0]  }
0x292: {  	v0 =	vld [tilespmem:s6+$0x130E0]  }
0x293: {  	[tilespmem:s6+$0x11700] =	vst.add.f32.msk $0xffff, v1  }
0x294: {  	[tilespmem:s6+$0x11710] =	vst.add.f32.msk $0xffff, v2  }
0x295: {  	[tilespmem:s6+$0x11720] =	vst.add.f32.msk $0xffff, v3  }
0x296: {  	[tilespmem:s6+$0x11730] =	vst.add.f32.msk $0xffff, v4  }
0x297: {  	[tilespmem:s6+$0x11740] =	vst.add.f32.msk $0xffff, v5  }
0x298: {  	[tilespmem:s6+$0x11750] =	vst.add.f32.msk $0xffff, v6  }
0x299: {  	[tilespmem:s6+$0x11760] =	vst.add.f32.msk $0xffff, v7  }
0x29a: {  	[tilespmem:s6+$0x11770] =	vst.add.f32.msk $0xffff, v8  }
0x29b: {  	[tilespmem:s6+$0x11780] =	vst.add.f32.msk $0xffff, v9  }
.Ltmp9:
0x29c: {  	[tilespmem:s6+$0x11790] =	vst.add.f32.msk $0xffff, v10;
	(pc) =	sbr.rel @p1 .LBB2_17-.Ltmp9, $4  }
0x29d: {  	[tilespmem:s6+$0x117A0] =	vst.add.f32.msk $0xffff, v11  }
0x29e: {  	[tilespmem:s6+$0x117B0] =	vst.add.f32.msk $0xffff, v12  }
0x29f: {  	[tilespmem:s6+$0x117C0] =	vst.add.f32.msk $0xffff, v13  }
0x2a0: {  	s13 =	sadd.s32 $0x400, s13;
	[tilespmem:s6+$0x117D0] =	vst.add.f32.msk $0xffff, v14  }
.Ltmp10:
0x2a1: {  	s1 =	sadd.s32 s7, s10;
	(pc) =	sbr.rel @p0 .LBB2_20-.Ltmp10, $3  }
0x2a2: {  	s1 =	smul.u32 $0x320, s1;
	_ =	sdelay $0x1  }
0x2a3: {  	[tilespmem:s6+$0x117E0] =	vst.add.f32.msk $0xffff, v0;
	s1 =	sadd.s32 s2, s1  }
0x2a4: {  	[hbm4b:s1+s3] =	stream.linear.scatter [tilespmem:s15], [sflag:$0x10], $0x1900, $0x38;
	[tilespmem:$0x14900] =	vst v63  }
0x2a5: {  	s1 =	smul.u32 $0x1A00, s5  }
0x2a6: {  	_ =	swait.ge [sflag:s8], $0x1900  }
.Ltmp11:
0x2a7: {  	[sflag:s8] =	ssyncset.done $0x0;
	s1 =	sshra.s32 s1, $0x2;
	(pc) =	sbr.rel .LBB2_2-.Ltmp11, $4  }
0x2a8: {  	[sflag:s8] =	ssyncadd.s32 $0xFFFFE700;
	s6 =	sadd.s32 $0x820, s1  }
0x2a9: {  	[tilespmem:s20], [sflag:$0x3] =	stream.indirect.gather [hbm4b:s4+s11], $0x20, s6, s11, $0xb8;
	[tilespmem:$0x14900] =	vst v63  }
0x2aa: {  	s29 =	simm.s32 $0xA680;
	s5 =	sadd.s32 $0x1, s5;
	s1 =	sadd.s32 $0x888, s1  }
0x2ab: {  	[tilespmem:s29], [sflag:$0x3] =	stream.indirect.gather [hbm4b:s4+s11], $0x20, s1, s11, $0xb8;
	[tilespmem:$0x14900] =	vst v63  }
.LBB2_21:
0x2ac: {  	_ =	sfence.sel $0x180000  }
0x2ad: {  	[bflag:$0x0] =	sbarrier.arrive $0xFFFF  }
0x2ae: {  	_ =	strace $0x90000047  }
0x2af: {  	s0 =	stileid.u32;
	[bflag:$0x2] =	sbarrier.arrive $0xFFFF  }
0x2b0: {  	p0 =	sne.s32 s0, $0x0;
	s0 =	rddreg [dreg:$0x2]  }
0x2b1: {  	s0 =	sadd.s32 @!p0 $0x100000, s0  }
0x2b2: {  	[sflag:s0] =	ssyncadd.tile.s32 @!p0 $0x1;
	_ =	shalt  }
.Lfunc_end2:
_tile_overlayer_lowered:
.L_overlay_start_2:
0x2b3: {  	(tag) =	ssettag $0x2  }
0x2b4: {  	s0 =	rddreg [dreg:$0x0];
	s2 =	stileid.u32  }
0x2b5: {  	s1 =	rddreg [dreg:$0x1];
	p0 =	sne.s32 s2, $0x0  }
0x2b6: {  	s3 =	rddreg [dreg:$0x2];
	[bflag:$0x3] =	sbarrier.arrive $0xFFFF;
	s2 =	simm.s32 @!p0 $0x1C11  }
0x2b7: {  	[timem:s3], [sflag:s2] =	dma.local @!p0 [hbm:s0], s1  }
0x2b8: {  	s0 =	simm.s32 @!p0 $0x11  }
0x2b9: {  	_ =	swait.ge @!p0 [sflag:s0], s1  }
0x2ba: {  	s1 =	ssub.s32 @!p0 $0x0, s1;
	[sflag:s0] =	ssyncset.done @!p0 $0x0  }
0x2bb: {  	[sflag:s0] =	ssyncadd.s32 @!p0 s1  }
0x2bc: {  	[bflag:$0x3] =	sbarrier.arrive $0xFFFF  }
0x2bd: {  	_ =	shalt  }

// kernel: sparse-core-data-format-call.cloned.1.call-start
scs
called_computation_lowered:
.L_overlay_start_0:
0x0: {  	s2 =	sld [smem:$0x3FD9]  }
0x1: {  	s3 =	sld [smem:$0x3FFE];
	_ =	sdelay $0x1  }
0x2: {  	s1 =	srdreg.scid  }
0x3: {  	s0 =	sand.u32 $0x1, s1  }
0x4: {  	s18 =	sshll.u32 s0, $0xA;
	s2 =	sadd.s32 s3, s2  }
0x5: {  	s2 =	sadd.s32 s2, s18  }
0x6: {  	[smem:$0x3FC5] =	sst s2  }
0x7: {  	_ = 	snop  }
0x8: {  	s2 =	sld [smem:$0x3FD0];
	(tm) =	ssettm $0x1  }
0x9: {  	s19 =	sld [smem:$0x3FFB];
	_ =	sdelay $0x3  }
0xa: {  	_ =	strace s19  }
0xb: {  	s3 =	sld [smem:$0x3FFC];
	_ =	sdelay $0x3  }
0xc: {  	_ =	strace s3  }
0xd: {  	s3 =	sld [smem:$0x3FFD];
	_ =	sdelay $0x3  }
0xe: {  	_ =	strace s3  }
0xf: {  	_ =	strace $0x8FFFFFFF  }
0x10: {  	s20 =	sld [smem:$0x3FDB];
	_ =	sdelay $0x1  }
0x11: {  	s4 =	simm.s32 $_scs_section_size  }
0x12: {  	s5 =	simm.s32 $_size__tile_overlayer_lowered;
	s6 =	simm.s32 $_tile_overlayer_lowered  }
0x13: {  	s23 =	simm.s32 $0x1BFF;
	s22 =	sshll.u32 s6, $0x1;
	s3 =	sadd.s32 s4, s20  }
0x14: {  	s7 =	simm.s32 $0x0;
	s21 =	sshll.u32 s5, $0x1;
	s5 =	sadd.s32 s22, s3  }
0x15: {  	[timem:s7], [sflag:s23] =	dma.local [hbm:s5], s21  }
0x16: {  	_ =	swait.ge [sflag:s23], s21  }
0x17: {  	s4 =	ssub.s32 $0x0, s21;
	[sflag:s23] =	ssyncset.done $0x0  }
0x18: {  	[sflag:s23] =	ssyncadd.s32 s4;
	_ =	sdelay $0x1  }
0x19: {  	s24 =	simm.s32 $0x1B8B  }
0x1a: {  	_ =	swait.ge [sflag:s24], $0x1  }
0x1b: {  	[sflag:s24] =	ssyncset.done $0x0  }
0x1c: {  	s26 =	simm.s32 $0x1B8E;
	s25 =	sld [smem:$0x3FFE];
	[sflag:s24] =	ssyncadd.s32 $0xFFFFFFFF  }
0x1d: {  	s27 =	simm.s32 $execute0_lowered;
	[smem:$0x3FD2] =	sst s26  }
0x1e: {  	s5 =	sshll.u32 s27, $0x1;
	_ =	strace $0x80000049;
	[dreg:$0x1] =	wrdreg $0xFFFFFFFF  }
0x1f: {  	s28 =	simm.s32 $_size_execute0_lowered;
	s3 =	sadd.s32 s3, s5;
	[dreg:$0x0] =	wrdreg $0x0  }
0x20: {  	s5 =	sshll.u32 s28, $0x1;
	[dreg:$0x2] =	wrdreg s3  }
0x21: {  	[dreg:$0x3] =	wrdreg s5  }
0x22: {  	[dreg:$0x4] =	wrdreg $0xC0  }
0x23: {  	_ =	task [dreg:s7], $0x5FFFF  }
0x24: {  	[dreg:$0x1] =	wrdreg $0xFFFFFFFF  }
0x25: {  	[dreg:$0x0] =	wrdreg $0x60  }
0x26: {  	[dreg:$0x2] =	wrdreg s25  }
0x27: {  	[dreg:$0x3] =	wrdreg s2  }
0x28: {  	[dreg:$0x4] =	wrdreg $0x9  }
0x29: {  	_ =	task.clear_ibuf [dreg:s7], $0x5FFFF;
	_ =	strace $0x90000049  }
0x2a: {  	s29 =	simm.s32 $0x9;
	_ =	strace $0x8000004B  }
0x2b: {  	_ =	swait.ge [sflag:s29], $0x1  }
0x2c: {  	[sflag:s29] =	ssyncadd.s32 $0xFFFFFFFF  }
0x2d: {  	_ =	strace $0x9000004B  }
0x2e: {  	_ =	sfence  }
0x2f: {  	s30 =	sld [smem:$0x0];
	_ =	sdelay $0x2  }
0x30: {  	s31 =	sshll.u32 s1, $0xD;
	s1 =	sshrl.u32 s1, $0x2  }
0x31: {  	s3 =	sand.u32 $0x4000, s31;
	s1 =	sadd.s32 s1, s30  }
0x32: {  	s0 =	sor.u32 s3, s0;
	s1 =	sshll.u32 s1, $0x11  }
0x33: {  	s0 =	sor.u32 s1, s0  }
0x34: {  	s0 =	sadd.s32 $0x8F2B, s0  }
0x35: {  	[sflag:s0] =	ssyncadd.remote.s32 $0x1  }
0x36: {  	_ =	sfence.sel $0xFFFF  }
0x37: {  	[dreg:$0x0] =	wrdreg $0xFFFFFFFF;
	(pc) =	sbr.abs _section_cstart, $3  }
0x38: {  	[dreg:$0x1] =	wrdreg $0xFFFFFFFF  }
0x39: {  	_ =	task.clear_ibuf [dreg:s7], $0x2FFFF;
	_ =	strace $0x9FFFFFFF  }
0x3a: {  	(tm) =	ssettm $0x7FFFFFFF  }
0x3b: {  	_ =	shalt  }
tec
execute0_lowered:
.L_overlay_start_1:
0x0: {  	(tag) =	ssettag $0x1  }
0x1: {  	s0 =	srdreg.scid  }
0x2: {  	s1 =	sshll.u32 s0, $0x4  }
0x3: {  	s0 =	stileid.u32;
	s1 =	sand.u32 $0x10, s1  }
0x4: {  	s1 =	sor.u32 s0, s1  }
0x5: {  	s6 =	rddreg [dreg:$0x0];
	s4 =	simm.s32 $0x1;
	s2 =	sshll.u32 s1, $0x7  }
0x6: {  	s7 =	simm.s32 $0x2;
	s12 =	simm.s32 $0x0;
	s1 =	ssub.s32 $0x1000, s2  }
0x7: {  	s8 =	simm.s32 $0x8000;
	s13 =	simm.s32 $0x0;
	s3 =	sand.u32 $0xF80, s1  }
0x8: {  	s9 =	simm.s32 $0x0;
	s5 =	sshrl.u32 s1, $0xC;
	p0 =	sne.s32 s3, $0x0  }
.Ltmp0:
0x9: {  	s1 =	rddreg [dreg:$0x2];
	s4 =	simm.s32 @!p0 $0x0;
	(pc) =	sbr.rel .LBB1_1-.Ltmp0, $4  }
0xa: {  	s11 =	simm.s32 $0x0;
	s3 =	rddreg [dreg:$0x1];
	s5 =	sadd.s32 s4, s5  }
0xb: {  	_ =	strace $0x8000004A;
	s4 =	simm.s32 $0x1;
	s5 =	smul.u32 $0xC8, s5  }
0xc: {  	s6 =	sadd.s32 $0x1800, s6;
	s10 =	smov.u32 s2;
	[sflag:s4] =	ssyncpa.u1 $0x0  }
0xd: {  	p0 =	por $0x0, $0x0;
	[sflag:s7] =	ssyncpa.u1 $0x0;
	s7 =	sor.u32 $0x1, s5  }
.LBB1_4:
0xe: {  	s16 =	sshll.u32 s13, $0x3;
	s17 =	sand.u32 $0x78, s13  }
0xf: {  	s30 =	sand.u32 $0x3E00, s13;
	s12 =	sshll.u32 s12, $0xE;
	s16 =	sand.u32 $0xC00, s16  }
0x10: {  	s31 =	sand.u32 $0x7, s13;
	s16 =	sor.u32 s17, s16;
	s17 =	sadd.s32 s3, s30  }
0x11: {  	s13 =	sshll.u32 s31, $0x12;
	s16 =	sshrl.u32 s16, $0x3;
	s12 =	sadd.s32 s12, s17  }
0x12: {  	[tilespmem:s15+$0x0 ss:$0x81] =	vst.msk $0xffff, v0;
	s13 =	sor.u32 $0x400, s13;
	s12 =	sadd.s32 s16, s12  }
0x13: {  	[hbm4b:s12+s13] =	stream.strided.scatter [tilespmem:s14], [sflag:$0x2], $0x1000, s8, s13, $0x20;
	[tilespmem:$0x4040] =	vst v63  }
.LBB1_5:
0x14: {  	s14 =	sadd.s32 $0x1, s9  }
0x15: {  	s12 =	sadd.s32 $0x1000, s10;
	s16 =	smov.u32 s10;
	p2 =	sgt.s32 s14, $0xC7  }
0x16: {  	s16 =	smov.u32 @p2 s12  }
0x17: {  	s14 =	simm.s32 @p2 $0x0;
	p2 =	sgt.s32 s16, $0xFFF  }
0x18: {  	s16 =	smov.u32 @p2 s2;
	p2 =	sne.s32 s11, s7  }
.Ltmp1:
0x19: {  	p1 =	slt.u32 s11, $0x2;
	(pc) =	sbr.rel @!p2 .LBB1_6-.Ltmp1, $4  }
0x1a: {  	s15 =	simm.s32 @!p1 $0x2  }
0x1b: {  	s13 =	smov.u32 s10;
	p0 =	por !p0, !p0;
	_ =	swait.ge @!p1 [sflag:s15], $0x1000  }
0x1c: {  	s12 =	smov.u32 s9;
	[sflag:s15] =	ssyncset.done @!p1 $0x0;
	s9 =	smov.u32 s14  }
0x1d: {  	s11 =	sadd.s32 $0x1, s11;
	[sflag:s15] =	ssyncadd.s32 @!p1 $0xFFFFF000;
	s10 =	smov.u32 s16  }
.LBB1_1:
0x1e: {  	p1 =	sge.u32 s11, s5  }
0x1f: {  	s14 =	sand.u32 @!p1 $0x1FFFFFF, s9  }
0x20: {  	s15 =	smulhi.u32 @!p1 $0x147AE15, s14;
	_ =	sdelay $0x1  }
0x21: {  	s15 =	smul.u32 @!p1 $0xC8, s15  }
0x22: {  	s16 =	sxor.u32 @!p1 $0xFFFFFFFF, s11;
	s17 =	smul.u32 @!p1 $0xC80, s10  }
0x23: {  	s31 =	sadd.s32 $0xFFFFFFFF, s11;
	s16 =	sshll.u32 @!p1 s16, $0xC;
	s14 =	ssub.s32 @!p1 s14, s15  }
0x24: {  	s15 =	sand.u32 @!p1 $0x1000, s16;
	s16 =	sadd.s32 @!p1 s6, s17;
	s14 =	sshll.u32 @!p1 s14, $0x4  }
0x25: {  	s17 =	simm.s32 @!p1 $0x6400;
	s14 =	sadd.s32 @!p1 s14, s16;
	s16 =	simm.s32 @!p1 $0x20  }
0x26: {  	[tilespmem:s15], [sflag:$0x1] =	stream.strided.gather @!p1 [hbm4b:s14+s16], $0x1000, s17, s16, $0x38;
	[tilespmem:$0x4040] =	vst v63  }
0x27: {  	p1 =	sge.u32 s31, s5  }
.Ltmp2:
0x28: {  	_ = 	snop;
	(pc) =	sbr.rel @p1 .LBB1_5-.Ltmp2, $1  }
0x29: {  	_ =	sdelay $0x3  }
0x2a: {  	s14 =	simm.s32 $0x1  }
0x2b: {  	_ =	swait.ge [sflag:s4], $0x1000;
	s14 =	simm.s32 @!p0 $0x0  }
0x2c: {  	[sflag:s4] =	ssyncset.done $0x0;
	s15 =	sshll.u32 s14, $0xC  }
0x2d: {  	[sflag:s4] =	ssyncadd.s32 $0xFFFFF000;
	s18 =	sor.u32 $0x10, s15  }
0x2e: {  	s14 =	smul.u32 $0x4080, s14;
	v1 =	vld [tilespmem:s18+$0x0]  }
0x2f: {  	s30 =	sand.u32 $0x1, s11;
	v0 =	vld [tilespmem:s18+$0xFFFFFFF0]  }
0x30: {  	s15 =	smul.u32 $0x4080, s30;
	s14 =	sshrl.u32 s14, $0x2  }
0x31: {  	s16 =	sor.u32 $0x2000, s14  }
0x32: {  	s31 =	sshrl.u32 s15, $0x2;
	s15 =	sadd.s32 $0x0, s16  }
0x33: {  	s17 =	simm.s32 $0x4;
	s18 =	sadd.s32 $0x20, s18;
	s14 =	sor.u32 $0x2000, s31;
	[tilespmem:s15+$0x810 ss:$0x81] =	vst.msk $0xffff, v1  }
.LBB1_3:
0x34: {  	v1 =	vld [tilespmem:s18+$0x0];
	p1 =	sne.s32 s17, $0x1FC;
	[tilespmem:s15+$0x0 ss:$0x81] =	vst.msk $0xffff, v0;
	s15 =	smov.u32 s17;
	s17 =	sadd.s32 $0x4, s17  }
.Ltmp3:
0x35: {  	v0 =	vld [tilespmem:s18+$0xFFFFFFF0];
	(pc) =	sbr.rel @p1 .LBB1_3-.Ltmp3, $4  }
0x36: {  	_ = 	snop  }
0x37: {  	s15 =	sshra.s32 s15, $0x2  }
0x38: {  	s15 =	sadd.s32 s15, s16  }
0x39: {  	s18 =	sadd.s32 $0x20, s18;
	[tilespmem:s15+$0x810 ss:$0x81] =	vst.msk $0xffff, v1  }
.Ltmp4:
0x3a: {  	_ = 	snop;
	(pc) =	sbr.rel .LBB1_4-.Ltmp4, $1  }
0x3b: {  	_ =	sdelay $0x3  }
.LBB1_6:
0x3c: {  	_ =	sfence.sel $0x180000  }
0x3d: {  	s2 =	simm.s32 $0x1;
	[bflag:$0x0] =	sbarrier.arrive $0xFFFF  }
0x3e: {  	s31 =	simm.s32 $0x2;
	[sflag:s2] =	ssyncpa.u1 $0x1  }
0x3f: {  	[sflag:s31] =	ssyncpa.u1 $0x1  }
0x40: {  	p0 =	sne.s32 s0, $0x0;
	_ =	strace $0x9000004A  }
0x41: {  	s0 =	sadd.s32 @!p0 $0x100000, s1;
	[bflag:$0x2] =	sbarrier.arrive $0xFFFF  }
0x42: {  	[sflag:s0] =	ssyncadd.tile.s32 @!p0 $0x1;
	_ =	shalt  }
.Lfunc_end1:
_tile_overlayer_lowered:
.L_overlay_start_2:
0x43: {  	(tag) =	ssettag $0x2  }
0x44: {  	s0 =	rddreg [dreg:$0x0];
	s2 =	stileid.u32  }
0x45: {  	s1 =	rddreg [dreg:$0x1];
	p0 =	sne.s32 s2, $0x0  }
0x46: {  	s3 =	rddreg [dreg:$0x2];
	[bflag:$0x3] =	sbarrier.arrive $0xFFFF;
	s2 =	simm.s32 @!p0 $0x1C01  }
0x47: {  	[timem:s3], [sflag:s2] =	dma.local @!p0 [hbm:s0], s1  }
0x48: {  	s0 =	simm.s32 @!p0 $0x1  }
0x49: {  	_ =	swait.ge @!p0 [sflag:s0], s1  }
0x4a: {  	s1 =	ssub.s32 @!p0 $0x0, s1;
	[sflag:s0] =	ssyncset.done @!p0 $0x0  }
0x4b: {  	[sflag:s0] =	ssyncadd.s32 @!p0 s1  }
0x4c: {  	[bflag:$0x3] =	sbarrier.arrive $0xFFFF  }
0x4d: {  	_ =	shalt  }

</sc_bundles>
